<compile_context>
chip_gen: v7x
topology: tpu7x:2x2x1
jax: 0.10.2.dev20260603
libtpu: 0.0.44.dev20260713+nightly
codegen_flags: <defaults>
</compile_context>

<pallas_src>
import functools

import jax
import jax.numpy as jnp
from jax import lax
from jax.experimental import pallas as pl
from jax.experimental.pallas import tpu as pltpu
from jax.experimental.pallas import tpu_sc as plsc

_ANCHORS = [1.3221, 1.73145, 3.19275, 4.00944, 5.05587, 8.09892,
            9.47112, 4.84053, 11.2364, 10.0071]
_A = 5
_OBJECT_SCALE = 5.0
_SIL_THRESH = 0.6
_L = 16

_F32 = jnp.float32
_I32 = jnp.int32


def _bcast_lane(v, i):
    idx = jnp.full((_L,), i, _I32)
    dnums = lax.GatherDimensionNumbers(
        offset_dims=(), collapsed_slice_dims=(0,), start_index_map=(0,))
    return lax.gather(v, idx[:, None], dnums, slice_sizes=(1,),
                      mode=lax.GatherScatterMode.PROMISE_IN_BOUNDS)


def _sig(x):
    return 1.0 / (1.0 + jnp.exp(-x))


def _vlog(x):
    bits = lax.bitcast_convert_type(x, _I32)
    e = (bits >> 23) - 127
    mbits = (bits & _I32(0x007FFFFF)) | _I32(0x3F800000)
    m = lax.bitcast_convert_type(mbits, _F32)
    big = m > 1.41421356237
    m = jnp.where(big, m * 0.5, m)
    e = e + jnp.where(big, 1, 0)
    t = m - 1.0
    z = t * t
    p = jnp.full((_L,), 7.0376836292e-2, _F32)
    for c in (-1.1514610310e-1, 1.1676998740e-1, -1.2420140846e-1,
              1.4249322787e-1, -1.6668057665e-1, 2.0000714765e-1,
              -2.4999993993e-1, 3.3333331174e-1):
        p = p * t + _F32(c)
    y = t * z * p - 0.5 * z
    return t + y + e.astype(_F32) * _F32(0.6931471805599453)


def _build_sc_call(B, H, W, U):
    HW = H * W
    ROW = _A * 5 * HW
    ROWP = ((ROW + 15) // 16) * 16
    nfull = HW // _L
    NCH = nfull + (1 if HW % _L else 0)
    GRID = NCH * _L
    try:
        info = plsc.get_sparse_core_info()
        NC, NS = info.num_cores, info.num_subcores
    except Exception:
        NC, NS = 2, 16
    NW = NC * NS
    BPW = B // NW
    UW = U * BPW
    UWIN = ((UW + 10 + 15) // 16) * 16
    UWIN = UW + 10
    NUF = UW // _L
    T0 = 0
    P0 = 4 * B
    G0 = P0 + U * B
    STOT = G0 + U * B

    mesh = plsc.VectorSubcoreMesh(core_axis_name="c", subcore_axis_name="s")

    @functools.partial(
        pl.kernel, mesh=mesh,
        out_type=jax.ShapeDtypeStruct((NW, _L), _F32),
        scratch_types=[
            pltpu.VMEM((ROW,), _F32),
            pltpu.VMEM((ROW,), _F32),
            pltpu.VMEM((_L,), _F32),
            pltpu.VMEM((_L,), _F32),
            pltpu.VMEM((U,), _F32),
            pltpu.VMEM((U,), _F32),
            pltpu.VMEM((U,), _F32),
            pltpu.VMEM((U,), _F32),
            pltpu.VMEM((_L,), _F32),
            pltpu.VMEM((GRID,), _F32),
            pltpu.VMEM((GRID,), _F32),
            pltpu.VMEM((GRID,), _I32),
            pltpu.VMEM((GRID,), _F32),
        ] + [pltpu.SemaphoreType.DMA] * 8,
    )
    def sc_loss(pred_hbm, tg_hbm, pu_hbm, gu_hbm, out_hbm,
                pred_va, pred_vb, targ_va, targ_vb,
                pu_va, pu_vb, gu_va, gu_vb, out_v,
                wg_v, hg_v, psc_v, vm_v,
                sp0, sp1, st0, st1, su0, su1, su2, su3):
        wid = lax.axis_index("s") * NC + lax.axis_index("c")
        zero = jnp.zeros((_L,), _F32)
        acc = zero

        lanev = lax.iota(_I32, _L)
        ones = jnp.full((_L,), 1.0, _F32)
        for j in range(NCH):
            off = min(j * _L, HW - _L)
            pos = lanev + off
            ndup = j * _L - off
            if j * _L + _L > HW:
                psc_v[pl.ds(j * _L, _L)] = jnp.where(lanev < ndup, -1, pos)
                vm_v[pl.ds(j * _L, _L)] = jnp.where(lanev < ndup, _F32(0.0),
                                                    _F32(1.0))
            else:
                psc_v[pl.ds(j * _L, _L)] = pos
                vm_v[pl.ds(j * _L, _L)] = ones
            wg_v[pl.ds(j * _L, _L)] = lax.rem(pos, W).astype(_F32)
            hg_v[pl.ds(j * _L, _L)] = lax.div(pos, W).astype(_F32)

        hp, ht, tshs = [], [], []
        for k in range(BPW):
            b = wid * BPW + k
            tb = b * 4
            tal = jnp.minimum(tb - lax.rem(tb, 8), 4 * B - _L)
            tsh = tb - tal
            tshs.append(tsh)
            hp.append(pltpu.async_copy(pred_hbm.at[b],
                                       (pred_va, pred_vb)[k],
                                       (sp0, sp1)[k]))
            ht.append(pltpu.async_copy(
                tg_hbm.at[pl.ds(pl.multiple_of(tal, 8), _L)],
                (targ_va, targ_vb)[k], (st0, st1)[k]))
        hu = []
        for k in range(BPW):
            b = wid * BPW + k
            hu.append(pltpu.async_copy(pu_hbm.at[b], (pu_va, pu_vb)[k],
                                       (su0, su1)[k]))
            hu.append(pltpu.async_copy(gu_hbm.at[b], (gu_va, gu_vb)[k],
                                       (su2, su3)[k]))

        for k in range(BPW):
            b = wid * BPW + k
            tsh = tshs[k]
            ht[k].wait()
            tv = (targ_va, targ_vb)[k][...]
            gxv = _bcast_lane(tv, tsh) * _F32(W)
            gyv = _bcast_lane(tv, tsh + 1) * _F32(H)
            gwv = _bcast_lane(tv, tsh + 2) * _F32(W)
            ghv = _bcast_lane(tv, tsh + 3) * _F32(H)
            gxl = gxv - gwv * 0.5
            gxr = gxv + gwv * 0.5
            gyl = gyv - ghv * 0.5
            gyr = gyv + ghv * 0.5
            garea = gwv * ghv

            bestv = jnp.zeros((_L,), _I32)
            biou = None
            for a in range(_A):
                awa = _ANCHORS[2 * a]
                aha = _ANCHORS[2 * a + 1]
                uw = jnp.maximum(gwv, _F32(awa))
                uh = jnp.maximum(ghv, _F32(aha))
                cw = (gwv + _F32(awa)) - uw
                ch = (ghv + _F32(aha)) - uh
                carea = jnp.maximum(cw, 0.0) * jnp.maximum(ch, 0.0)
                uarea = (_F32(awa * aha) + garea) - carea
                au = carea / uarea
                if biou is None:
                    biou = au
                else:
                    upd = au > biou
                    bestv = jnp.where(upd, a, bestv)
                    biou = jnp.where(upd, au, biou)
            awbv = zero
            ahbv = zero
            for a in range(_A):
                hit = bestv == a
                awbv = awbv + jnp.where(hit, _F32(_ANCHORS[2 * a]), 0.0)
                ahbv = ahbv + jnp.where(hit, _F32(_ANCHORS[2 * a + 1]), 0.0)
            lwv = _vlog(gwv / awbv)
            lhv = _vlog(ghv / ahbv)
            giv = gxv.astype(_I32)
            gjv = gyv.astype(_I32)
            dxv = gxv - giv.astype(_F32)
            dyv = gyv - gjv.astype(_F32)
            pselv = gjv * W + giv
            hp[k].wait()
            pred_v = (pred_va, pred_vb)[k]

            def chunka(t, acc, gxl=gxl, gxr=gxr, gyl=gyl, gyr=gyr,
                       garea=garea, gwv=gwv, ghv=ghv, dxv=dxv, dyv=dyv,
                       lwv=lwv, lhv=lhv, pselv=pselv, bestv=bestv):
                a = lax.div(t, NCH * _L)
                go = t - a * (NCH * _L)
                awa = jnp.full((_L,), _ANCHORS[2 * (_A - 1)], _F32)
                aha = jnp.full((_L,), _ANCHORS[2 * (_A - 1) + 1], _F32)
                for aa in range(_A - 1):
                    awa = jnp.where(a == aa, _F32(_ANCHORS[2 * aa]), awa)
                    aha = jnp.where(a == aa, _F32(_ANCHORS[2 * aa + 1]), aha)
                bm = jnp.where(bestv == a, _F32(1.0), _F32(0.0))
                off = jnp.minimum(go, HW - _L) + a * (5 * HW)
                xr = pred_v[pl.ds(off, _L)]
                yr = pred_v[pl.ds(off + HW, _L)]
                twv = pred_v[pl.ds(off + 2 * HW, _L)]
                thv = pred_v[pl.ds(off + 3 * HW, _L)]
                cr = pred_v[pl.ds(off + 4 * HW, _L)]
                wg = wg_v[pl.ds(go, _L)]
                hg = hg_v[pl.ds(go, _L)]
                psc = psc_v[pl.ds(go, _L)]
                vm = vm_v[pl.ds(go, _L)]
                ax = 1.0 + jnp.exp(-xr)
                ay = 1.0 + jnp.exp(-yr)
                acf = 1.0 + jnp.exp(-cr)
                axy = ax * ay
                bwv = jnp.exp(twv) * awa
                bhv = jnp.exp(thv) * aha
                rx = 1.0 / axy
                sx = rx * ay
                sy = rx * ax
                bxv = sx + wg
                byv = sy + hg
                mx = jnp.minimum(bxv - bwv * 0.5, gxl)
                nx = jnp.maximum(bxv + bwv * 0.5, gxr)
                my = jnp.minimum(byv - bhv * 0.5, gyl)
                ny = jnp.maximum(byv + bhv * 0.5, gyr)
                cw = (bwv + gwv) - (nx - mx)
                ch = (bhv + ghv) - (ny - my)
                carea = jnp.maximum(cw, 0.0) * jnp.maximum(ch, 0.0)
                uarea = (bwv * bhv + garea) - carea
                den = acf * uarea
                rcu = 1.0 / den
                cf = rcu * uarea
                iou = (rcu * acf) * carea
                m01 = jnp.where(iou > _SIL_THRESH, _F32(0.0), vm)
                sxc = sx - 0.5
                syc = sy - 0.5
                base = sxc * sxc + syc * syc + twv * twv + thv * thv
                cfm = cf * cf * m01
                sel = jnp.where(psc == pselv, bm, _F32(0.0))
                ex = sx - dxv
                ey = sy - dyv
                ew = twv - lwv
                eh = thv - lhv
                ec = cf - iou
                quad = (ex * ex + ey * ey + ew * ew + eh * eh
                        + _OBJECT_SCALE * (ec * ec))
                corr = quad - base - cfm
                return acc + base * vm + cfm + sel * corr

            acc = plsc.parallel_loop(0, _A * NCH * _L, _L, unroll=2,
                                     carry=acc)(chunka)

        for h in hu:
            h.wait()
        nuf = U // _L
        tail = U - nuf * _L
        um = jnp.where(lanev < _L - tail, _F32(0.0), _F32(1.0))
        for k in range(BPW):
            puv = (pu_va, pu_vb)[k]
            guv = (gu_va, gu_vb)[k]
            for c in range(nuf):
                dv = guv[pl.ds(c * _L, _L)] - puv[pl.ds(c * _L, _L)]
                acc = acc + dv * dv
            if tail:
                dv = (guv[pl.ds(U - _L, _L)] - puv[pl.ds(U - _L, _L)]) * um
                acc = acc + dv * dv

        out_v[...] = acc * 0.5
        pltpu.sync_copy(out_v, out_hbm.at[wid])

    return sc_loss


def kernel(pred, pred_uvd, target, uvd_gt, train_out):
    B, H, W = pred.shape[0], pred.shape[2], pred.shape[3]
    U = pred_uvd.shape[1]
    sc_loss = _build_sc_call(B, H, W, U)
    ROW = _A * 5 * H * W
    ROWP = ((ROW + 15) // 16) * 16
    predf = pred.reshape(B, ROW)
    partials = sc_loss(predf, target.reshape(-1), pred_uvd, uvd_gt)
    return jnp.sum(partials)

# --- scband reference (transcript-rebuilt; emitter-appended) ---
"""Pipeline reference for scband-region-loss-1-class-reg-14439680049764 (READ-ONLY COPY).

The authoritative reference and input builder live on the scoring server;
editing this copy changes nothing except your own understanding.
"""

import jax, jax.numpy as jnp
import numpy as np

ANCHORS = [1.3221, 1.73145, 3.19275, 4.00944, 5.05587, 8.09892, 9.47112, 4.84053, 11.2364, 10.0071]
NUM_ANCHORS = 5
OBJECT_SCALE = 5.0
NO_OBJECT_SCALE = 1.0
COORD_SCALE = 1.0
SIL_THRESH = 0.6


def _iou(x1, y1, w1, h1, x2, y2, w2, h2):
    # YOLO center-format IoU (x, y, w, h), broadcasting-friendly
    mx = jnp.minimum(x1 - w1 / 2.0, x2 - w2 / 2.0)
    Mx = jnp.maximum(x1 + w1 / 2.0, x2 + w2 / 2.0)
    my = jnp.minimum(y1 - h1 / 2.0, y2 - h2 / 2.0)
    My = jnp.maximum(y1 + h1 / 2.0, y2 + h2 / 2.0)
    uw = Mx - mx
    uh = My - my
    cw = w1 + w2 - uw
    ch = h1 + h2 - uh
    carea = jnp.where((cw <= 0) | (ch <= 0), 0.0, cw * ch)
    uarea = w1 * h1 + w2 * h2 - carea
    return carea / uarea


def setup_inputs(seed: int = 0) -> dict:
    key = jax.random.key(seed)
    k1, k2, k3, k4 = jax.random.split(key, 4)
    B, H, W = 64, 13, 13
    pred = jax.random.normal(k1, (B, NUM_ANCHORS * 5, H, W), dtype=jnp.float32)
    pred_uvd = jax.random.normal(k2, (B, 63), dtype=jnp.float32)
    # normalized (gx, gy, gw, gh) in (0, 1); keep away from exact 0 for log(gw/aw)
    target = jax.random.uniform(k3, (B, 4), dtype=jnp.float32, minval=0.02, maxval=0.98)
    uvd_gt = jax.random.uniform(k4, (B, 63), dtype=jnp.float32)
    return {"pred": pred, "pred_uvd": pred_uvd, "target": target, "uvd_gt": uvd_gt, "train_out": 0}


def _forward(pred, pred_uvd, target, uvd_gt):
    B = pred.shape[0]
    H = pred.shape[2]
    W = pred.shape[3]
    A = NUM_ANCHORS
    anchors = jnp.asarray(ANCHORS, dtype=jnp.float32).reshape(A, 2)
    aw = anchors[:, 0]
    ah = anchors[:, 1]

    # torch reshapes to (B, A, 5, W, H); module only used with W == H, equivalent to (B, A, 5, H, W)
    p = pred.reshape(B, A, 5, H, W)
    sx = jax.nn.sigmoid(p[:, :, 0])  # pred_boxes_no_offset x (after in-place sigmoid)
    sy = jax.nn.sigmoid(p[:, :, 1])
    tw = p[:, :, 2]
    th = p[:, :, 3]
    pred_conf = jax.nn.sigmoid(p[:, :, 4])

    grid_x = jnp.broadcast_to(jnp.arange(W, dtype=jnp.float32)[None, :], (H, W))
    grid_y = jnp.broadcast_to(jnp.arange(H, dtype=jnp.float32)[:, None], (H, W))

    # pred_boxes = clone().detach() in torch -> stop_gradient here
    bx = jax.lax.stop_gradient(sx + grid_x[None, None])
    by = jax.lax.stop_gradient(sy + grid_y[None, None])
    bw = jax.lax.stop_gradient(jnp.exp(tw) * aw[None, :, None, None])
    bh = jax.lax.stop_gradient(jnp.exp(th) * ah[None, :, None, None])

    gx = target[:, 0] * W
    gy = target[:, 1] * H
    gw = target[:, 2] * W
    gh = target[:, 3] * H

    # get_conf_mask: zero out anchors whose predicted IoU with the gt exceeds sil_thresh
    ious = _iou(bx, by, bw, bh,
                gx[:, None, None, None], gy[:, None, None, None],
                gw[:, None, None, None], gh[:, None, None, None])  # [B, A, H, W]
    conf_mask = jnp.where(ious > SIL_THRESH, 0.0, NO_OBJECT_SCALE)

    # best anchor per image by IoU of (0,0,gw,gh) vs (0,0,aw,ah)
    a_ious = _iou(jnp.zeros((1, 1)), jnp.zeros((1, 1)), aw[None, :], ah[None, :],
                  jnp.zeros((1, 1)), jnp.zeros((1, 1)), gw[:, None], gh[:, None])  # [B, A]
    best = jnp.argmax(a_ious, axis=1)  # first max == torch strict '>' loop

    gi = jax.lax.stop_gradient(jnp.floor(gx)).astype(jnp.int32)
    gj = jax.lax.stop_gradient(jnp.floor(gy)).astype(jnp.int32)
    bidx = jnp.arange(B)

    # seen < 12800 branch: tx=ty=0.5, tw=th=0, coord_mask all ones
    tbx = jnp.full((B, A, H, W), 0.5, dtype=jnp.float32).at[bidx, best, gj, gi].set(gx - gi.astype(jnp.float32))
    tby = jnp.full((B, A, H, W), 0.5, dtype=jnp.float32).at[bidx, best, gj, gi].set(gy - gj.astype(jnp.float32))
    tbw = jnp.zeros((B, A, H, W), dtype=jnp.float32).at[bidx, best, gj, gi].set(jnp.log(gw / aw[best]))
    tbh = jnp.zeros((B, A, H, W), dtype=jnp.float32).at[bidx, best, gj, gi].set(jnp.log(gh / ah[best]))
    coord_mask = jnp.ones((B, A, H, W), dtype=jnp.float32)

    conf_mask = conf_mask.at[bidx, best, gj, gi].set(OBJECT_SCALE)

    pbx = bx[bidx, best, gj, gi]
    pby = by[bidx, best, gj, gi]
    pbw = bw[bidx, best, gj, gi]
    pbh = bh[bidx, best, gj, gi]
    iou_sel = _iou(gx, gy, gw, gh, pbx, pby, pbw, pbh)
    target_conf = jnp.zeros((B, A, H, W), dtype=jnp.float32).at[bidx, best, gj, gi].set(iou_sel)

    conf_mask = jnp.sqrt(conf_mask)

    msesum = lambda a, b: jnp.sum((a - b) ** 2)
    loss_x = COORD_SCALE * msesum(sx * coord_mask, tbx * coord_mask) / 2.0
    loss_y = COORD_SCALE * msesum(sy * coord_mask, tby * coord_mask) / 2.0
    loss_w = COORD_SCALE * msesum(tw * coord_mask, tbw * coord_mask) / 2.0
    loss_h = COORD_SCALE * msesum(th * coord_mask, tbh * coord_mask) / 2.0
    loss_conf = msesum(pred_conf * conf_mask, target_conf * conf_mask) / 2.0
    loss_hand = msesum(uvd_gt.reshape(B, -1), pred_uvd) / 2.0
    return loss_x + loss_y + loss_w + loss_h + loss_conf + loss_hand


def reference(pred, pred_uvd, target, uvd_gt, train_out):
    # pred_list = [pred, pred_uvd] in the original torch forward
    loss = _forward(pred, pred_uvd, target, uvd_gt)
    return loss

if __name__ == "__main__":
    import jax
    _d = setup_inputs()
    print(jax.jit(kernel)(*tuple(_d.values())))

</pallas_src>

<mosaic_0001>
#map = affine_map<(d0, d1) -> (0, 0)>
#map1 = affine_map<(d0, d1) -> (0)>
module attributes {stable_mosaic.version = 14 : i64} {
  func.func @sc_loss(%arg0: i32, %arg1: i32, %arg2: memref<64x4225xf32, #tpu.memory_space<hbm>>, %arg3: memref<256xf32, #tpu.memory_space<hbm>>, %arg4: memref<64x63xf32, #tpu.memory_space<hbm>>, %arg5: memref<64x63xf32, #tpu.memory_space<hbm>>, %arg6: memref<32x16xf32, #tpu.memory_space<hbm>>, %arg7: memref<4225xf32, #tpu.memory_space<vmem>>, %arg8: memref<4225xf32, #tpu.memory_space<vmem>>, %arg9: memref<16xf32, #tpu.memory_space<vmem>>, %arg10: memref<16xf32, #tpu.memory_space<vmem>>, %arg11: memref<63xf32, #tpu.memory_space<vmem>>, %arg12: memref<63xf32, #tpu.memory_space<vmem>>, %arg13: memref<63xf32, #tpu.memory_space<vmem>>, %arg14: memref<63xf32, #tpu.memory_space<vmem>>, %arg15: memref<16xf32, #tpu.memory_space<vmem>>, %arg16: memref<176xf32, #tpu.memory_space<vmem>>, %arg17: memref<176xf32, #tpu.memory_space<vmem>>, %arg18: memref<176xi32, #tpu.memory_space<vmem>>, %arg19: memref<176xf32, #tpu.memory_space<vmem>>, %arg20: memref<!tpu.dma_semaphore, #tpu.memory_space<semaphore_mem>>, %arg21: memref<!tpu.dma_semaphore, #tpu.memory_space<semaphore_mem>>, %arg22: memref<!tpu.dma_semaphore, #tpu.memory_space<semaphore_mem>>, %arg23: memref<!tpu.dma_semaphore, #tpu.memory_space<semaphore_mem>>, %arg24: memref<!tpu.dma_semaphore, #tpu.memory_space<semaphore_mem>>, %arg25: memref<!tpu.dma_semaphore, #tpu.memory_space<semaphore_mem>>, %arg26: memref<!tpu.dma_semaphore, #tpu.memory_space<semaphore_mem>>, %arg27: memref<!tpu.dma_semaphore, #tpu.memory_space<semaphore_mem>>) attributes {dimension_semantics = [#tpu.dimension_semantics<core_parallel>, #tpu.dimension_semantics<subcore_parallel>], iteration_bounds = array<i64: 2, 16>, scalar_prefetch = 0 : i64, scratch_operands = 21 : i64, tpu.core_type = #tpu.core_type<sc_vector_subcore>, window_params = [{transform_indices = #map}, {transform_indices = #map1}, {transform_indices = #map}, {transform_indices = #map}, {transform_indices = #map}]} {
    %mul3A = arith.constant 2 : i32
    %mul3A_0 = arith.muli %arg1, %mul3A : i32
    %add3A = arith.addi %mul3A_0, %arg0 : i32
    %broadcast_in_dim3A = arith.constant 0.000000e+00 : f32
    %broadcast_in_dim3A_1 = vector.broadcast %broadcast_in_dim3A : f32 to vector<16xf32>
    %iota3A = tpu.iota {dimensions = array<i32: 0>} : vector<16xi32>
    %broadcast_in_dim3A_2 = arith.constant 1.000000e+00 : f32
    %broadcast_in_dim3A_3 = vector.broadcast %broadcast_in_dim3A_2 : f32 to vector<16xf32>
    %add3A_4 = arith.constant 0 : i32
    %add3A_5 = vector.broadcast %add3A_4 : i32 to vector<16xi32>
    %add3A_6 = arith.addi %iota3A, %add3A_5 : vector<16xi32>
    %swap3A = arith.constant 0 : index
    %swap3A_7 = tpu.vector_load %arg18[%swap3A] {strides = array<i32>} : memref<176xi32, #tpu.memory_space<vmem>>, vector<16xi32>,
    %swap3A_8 = vector.shape_cast %swap3A_7 : vector<16xi32> to vector<16xi32>
    %swap3A_9 = vector.shape_cast %add3A_6 : vector<16xi32> to vector<16xi32>
    tpu.vector_store %arg18[%swap3A], %swap3A_9 {strides = array<i32>} : memref<176xi32, #tpu.memory_space<vmem>>, vector<16xi32>,
    %swap3A_10 = arith.constant 0 : index
    %swap3A_11 = tpu.vector_load %arg19[%swap3A_10] {strides = array<i32>} : memref<176xf32, #tpu.memory_space<vmem>>, vector<16xf32>,
    %swap3A_12 = vector.shape_cast %swap3A_11 : vector<16xf32> to vector<16xf32>
    %swap3A_13 = vector.shape_cast %broadcast_in_dim3A_3 : vector<16xf32> to vector<16xf32>
    tpu.vector_store %arg19[%swap3A_10], %swap3A_13 {strides = array<i32>} : memref<176xf32, #tpu.memory_space<vmem>>, vector<16xf32>,
    %rem3A = arith.constant 13 : i32
    %rem3A_14 = vector.broadcast %rem3A : i32 to vector<16xi32>
    %rem3A_15 = arith.remsi %add3A_6, %rem3A_14 : vector<16xi32>
    %convert_element_type3A = arith.sitofp %rem3A_15 : vector<16xi32> to vector<16xf32>
    %swap3A_16 = arith.constant 0 : index
    %swap3A_17 = tpu.vector_load %arg16[%swap3A_16] {strides = array<i32>} : memref<176xf32, #tpu.memory_space<vmem>>, vector<16xf32>,
    %swap3A_18 = vector.shape_cast %swap3A_17 : vector<16xf32> to vector<16xf32>
    %swap3A_19 = vector.shape_cast %convert_element_type3A : vector<16xf32> to vector<16xf32>
    tpu.vector_store %arg16[%swap3A_16], %swap3A_19 {strides = array<i32>} : memref<176xf32, #tpu.memory_space<vmem>>, vector<16xf32>,
    %div3A = arith.constant 13 : i32
    %div3A_20 = vector.broadcast %div3A : i32 to vector<16xi32>
    %div3A_21 = arith.divsi %add3A_6, %div3A_20 : vector<16xi32>
    %convert_element_type3A_22 = arith.sitofp %div3A_21 : vector<16xi32> to vector<16xf32>
    %swap3A_23 = arith.constant 0 : index
    %swap3A_24 = tpu.vector_load %arg17[%swap3A_23] {strides = array<i32>} : memref<176xf32, #tpu.memory_space<vmem>>, vector<16xf32>,
    %swap3A_25 = vector.shape_cast %swap3A_24 : vector<16xf32> to vector<16xf32>
    %swap3A_26 = vector.shape_cast %convert_element_type3A_22 : vector<16xf32> to vector<16xf32>
    tpu.vector_store %arg17[%swap3A_23], %swap3A_26 {strides = array<i32>} : memref<176xf32, #tpu.memory_space<vmem>>, vector<16xf32>,
    %add3A_27 = arith.constant 16 : i32
    %add3A_28 = vector.broadcast %add3A_27 : i32 to vector<16xi32>
    %add3A_29 = arith.addi %iota3A, %add3A_28 : vector<16xi32>
    %swap3A_30 = arith.constant 16 : index
    %swap3A_31 = tpu.vector_load %arg18[%swap3A_30] {strides = array<i32>} : memref<176xi32, #tpu.memory_space<vmem>>, vector<16xi32>,
    %swap3A_32 = vector.shape_cast %swap3A_31 : vector<16xi32> to vector<16xi32>
    %swap3A_33 = vector.shape_cast %add3A_29 : vector<16xi32> to vector<16xi32>
    tpu.vector_store %arg18[%swap3A_30], %swap3A_33 {strides = array<i32>} : memref<176xi32, #tpu.memory_space<vmem>>, vector<16xi32>,
    %swap3A_34 = arith.constant 16 : index
    %swap3A_35 = tpu.vector_load %arg19[%swap3A_34] {strides = array<i32>} : memref<176xf32, #tpu.memory_space<vmem>>, vector<16xf32>,
    %swap3A_36 = vector.shape_cast %swap3A_35 : vector<16xf32> to vector<16xf32>
    %swap3A_37 = vector.shape_cast %broadcast_in_dim3A_3 : vector<16xf32> to vector<16xf32>
    tpu.vector_store %arg19[%swap3A_34], %swap3A_37 {strides = array<i32>} : memref<176xf32, #tpu.memory_space<vmem>>, vector<16xf32>,
    %rem3A_38 = arith.constant 13 : i32
    %rem3A_39 = vector.broadcast %rem3A_38 : i32 to vector<16xi32>
    %rem3A_40 = arith.remsi %add3A_29, %rem3A_39 : vector<16xi32>
    %convert_element_type3A_41 = arith.sitofp %rem3A_40 : vector<16xi32> to vector<16xf32>
    %swap3A_42 = arith.constant 16 : index
    %swap3A_43 = tpu.vector_load %arg16[%swap3A_42] {strides = array<i32>} : memref<176xf32, #tpu.memory_space<vmem>>, vector<16xf32>,
    %swap3A_44 = vector.shape_cast %swap3A_43 : vector<16xf32> to vector<16xf32>
    %swap3A_45 = vector.shape_cast %convert_element_type3A_41 : vector<16xf32> to vector<16xf32>
    tpu.vector_store %arg16[%swap3A_42], %swap3A_45 {strides = array<i32>} : memref<176xf32, #tpu.memory_space<vmem>>, vector<16xf32>,
    %div3A_46 = arith.constant 13 : i32
    %div3A_47 = vector.broadcast %div3A_46 : i32 to vector<16xi32>
    %div3A_48 = arith.divsi %add3A_29, %div3A_47 : vector<16xi32>
    %convert_element_type3A_49 = arith.sitofp %div3A_48 : vector<16xi32> to vector<16xf32>
    %swap3A_50 = arith.constant 16 : index
    %swap3A_51 = tpu.vector_load %arg17[%swap3A_50] {strides = array<i32>} : memref<176xf32, #tpu.memory_space<vmem>>, vector<16xf32>,
    %swap3A_52 = vector.shape_cast %swap3A_51 : vector<16xf32> to vector<16xf32>
    %swap3A_53 = vector.shape_cast %convert_element_type3A_49 : vector<16xf32> to vector<16xf32>
    tpu.vector_store %arg17[%swap3A_50], %swap3A_53 {strides = array<i32>} : memref<176xf32, #tpu.memory_space<vmem>>, vector<16xf32>,
    %add3A_54 = arith.constant 32 : i32
    %add3A_55 = vector.broadcast %add3A_54 : i32 to vector<16xi32>
    %add3A_56 = arith.addi %iota3A, %add3A_55 : vector<16xi32>
    %swap3A_57 = arith.constant 32 : index
    %swap3A_58 = tpu.vector_load %arg18[%swap3A_57] {strides = array<i32>} : memref<176xi32, #tpu.memory_space<vmem>>, vector<16xi32>,
    %swap3A_59 = vector.shape_cast %swap3A_58 : vector<16xi32> to vector<16xi32>
    %swap3A_60 = vector.shape_cast %add3A_56 : vector<16xi32> to vector<16xi32>
    tpu.vector_store %arg18[%swap3A_57], %swap3A_60 {strides = array<i32>} : memref<176xi32, #tpu.memory_space<vmem>>, vector<16xi32>,
    %swap3A_61 = arith.constant 32 : index
    %swap3A_62 = tpu.vector_load %arg19[%swap3A_61] {strides = array<i32>} : memref<176xf32, #tpu.memory_space<vmem>>, vector<16xf32>,
    %swap3A_63 = vector.shape_cast %swap3A_62 : vector<16xf32> to vector<16xf32>
    %swap3A_64 = vector.shape_cast %broadcast_in_dim3A_3 : vector<16xf32> to vector<16xf32>
    tpu.vector_store %arg19[%swap3A_61], %swap3A_64 {strides = array<i32>} : memref<176xf32, #tpu.memory_space<vmem>>, vector<16xf32>,
    %rem3A_65 = arith.constant 13 : i32
    %rem3A_66 = vector.broadcast %rem3A_65 : i32 to vector<16xi32>
    %rem3A_67 = arith.remsi %add3A_56, %rem3A_66 : vector<16xi32>
    %convert_element_type3A_68 = arith.sitofp %rem3A_67 : vector<16xi32> to vector<16xf32>
    %swap3A_69 = arith.constant 32 : index
    %swap3A_70 = tpu.vector_load %arg16[%swap3A_69] {strides = array<i32>} : memref<176xf32, #tpu.memory_space<vmem>>, vector<16xf32>,
    %swap3A_71 = vector.shape_cast %swap3A_70 : vector<16xf32> to vector<16xf32>
    %swap3A_72 = vector.shape_cast %convert_element_type3A_68 : vector<16xf32> to vector<16xf32>
    tpu.vector_store %arg16[%swap3A_69], %swap3A_72 {strides = array<i32>} : memref<176xf32, #tpu.memory_space<vmem>>, vector<16xf32>,
    %div3A_73 = arith.constant 13 : i32
    %div3A_74 = vector.broadcast %div3A_73 : i32 to vector<16xi32>
    %div3A_75 = arith.divsi %add3A_56, %div3A_74 : vector<16xi32>
    %convert_element_type3A_76 = arith.sitofp %div3A_75 : vector<16xi32> to vector<16xf32>
    %swap3A_77 = arith.constant 32 : index
    %swap3A_78 = tpu.vector_load %arg17[%swap3A_77] {strides = array<i32>} : memref<176xf32, #tpu.memory_space<vmem>>, vector<16xf32>,
    %swap3A_79 = vector.shape_cast %swap3A_78 : vector<16xf32> to vector<16xf32>
    %swap3A_80 = vector.shape_cast %convert_element_type3A_76 : vector<16xf32> to vector<16xf32>
    tpu.vector_store %arg17[%swap3A_77], %swap3A_80 {strides = array<i32>} : memref<176xf32, #tpu.memory_space<vmem>>, vector<16xf32>,
    %add3A_81 = arith.constant 48 : i32
    %add3A_82 = vector.broadcast %add3A_81 : i32 to vector<16xi32>
    %add3A_83 = arith.addi %iota3A, %add3A_82 : vector<16xi32>
    %swap3A_84 = arith.constant 48 : index
    %swap3A_85 = tpu.vector_load %arg18[%swap3A_84] {strides = array<i32>} : memref<176xi32, #tpu.memory_space<vmem>>, vector<16xi32>,
    %swap3A_86 = vector.shape_cast %swap3A_85 : vector<16xi32> to vector<16xi32>
    %swap3A_87 = vector.shape_cast %add3A_83 : vector<16xi32> to vector<16xi32>
    tpu.vector_store %arg18[%swap3A_84], %swap3A_87 {strides = array<i32>} : memref<176xi32, #tpu.memory_space<vmem>>, vector<16xi32>,
    %swap3A_88 = arith.constant 48 : index
    %swap3A_89 = tpu.vector_load %arg19[%swap3A_88] {strides = array<i32>} : memref<176xf32, #tpu.memory_space<vmem>>, vector<16xf32>,
    %swap3A_90 = vector.shape_cast %swap3A_89 : vector<16xf32> to vector<16xf32>
    %swap3A_91 = vector.shape_cast %broadcast_in_dim3A_3 : vector<16xf32> to vector<16xf32>
    tpu.vector_store %arg19[%swap3A_88], %swap3A_91 {strides = array<i32>} : memref<176xf32, #tpu.memory_space<vmem>>, vector<16xf32>,
    %rem3A_92 = arith.constant 13 : i32
    %rem3A_93 = vector.broadcast %rem3A_92 : i32 to vector<16xi32>
    %rem3A_94 = arith.remsi %add3A_83, %rem3A_93 : vector<16xi32>
    %convert_element_type3A_95 = arith.sitofp %rem3A_94 : vector<16xi32> to vector<16xf32>
    %swap3A_96 = arith.constant 48 : index
    %swap3A_97 = tpu.vector_load %arg16[%swap3A_96] {strides = array<i32>} : memref<176xf32, #tpu.memory_space<vmem>>, vector<16xf32>,
    %swap3A_98 = vector.shape_cast %swap3A_97 : vector<16xf32> to vector<16xf32>
    %swap3A_99 = vector.shape_cast %convert_element_type3A_95 : vector<16xf32> to vector<16xf32>
    tpu.vector_store %arg16[%swap3A_96], %swap3A_99 {strides = array<i32>} : memref<176xf32, #tpu.memory_space<vmem>>, vector<16xf32>,
    %div3A_100 = arith.constant 13 : i32
    %div3A_101 = vector.broadcast %div3A_100 : i32 to vector<16xi32>
    %div3A_102 = arith.divsi %add3A_83, %div3A_101 : vector<16xi32>
    %convert_element_type3A_103 = arith.sitofp %div3A_102 : vector<16xi32> to vector<16xf32>
    %swap3A_104 = arith.constant 48 : index
    %swap3A_105 = tpu.vector_load %arg17[%swap3A_104] {strides = array<i32>} : memref<176xf32, #tpu.memory_space<vmem>>, vector<16xf32>,
    %swap3A_106 = vector.shape_cast %swap3A_105 : vector<16xf32> to vector<16xf32>
    %swap3A_107 = vector.shape_cast %convert_element_type3A_103 : vector<16xf32> to vector<16xf32>
    tpu.vector_store %arg17[%swap3A_104], %swap3A_107 {strides = array<i32>} : memref<176xf32, #tpu.memory_space<vmem>>, vector<16xf32>,
    %add3A_108 = arith.constant 64 : i32
    %add3A_109 = vector.broadcast %add3A_108 : i32 to vector<16xi32>
    %add3A_110 = arith.addi %iota3A, %add3A_109 : vector<16xi32>
    %swap3A_111 = arith.constant 64 : index
    %swap3A_112 = tpu.vector_load %arg18[%swap3A_111] {strides = array<i32>} : memref<176xi32, #tpu.memory_space<vmem>>, vector<16xi32>,
    %swap3A_113 = vector.shape_cast %swap3A_112 : vector<16xi32> to vector<16xi32>
    %swap3A_114 = vector.shape_cast %add3A_110 : vector<16xi32> to vector<16xi32>
    tpu.vector_store %arg18[%swap3A_111], %swap3A_114 {strides = array<i32>} : memref<176xi32, #tpu.memory_space<vmem>>, vector<16xi32>,
    %swap3A_115 = arith.constant 64 : index
    %swap3A_116 = tpu.vector_load %arg19[%swap3A_115] {strides = array<i32>} : memref<176xf32, #tpu.memory_space<vmem>>, vector<16xf32>,
    %swap3A_117 = vector.shape_cast %swap3A_116 : vector<16xf32> to vector<16xf32>
    %swap3A_118 = vector.shape_cast %broadcast_in_dim3A_3 : vector<16xf32> to vector<16xf32>
    tpu.vector_store %arg19[%swap3A_115], %swap3A_118 {strides = array<i32>} : memref<176xf32, #tpu.memory_space<vmem>>, vector<16xf32>,
    %rem3A_119 = arith.constant 13 : i32
    %rem3A_120 = vector.broadcast %rem3A_119 : i32 to vector<16xi32>
    %rem3A_121 = arith.remsi %add3A_110, %rem3A_120 : vector<16xi32>
    %convert_element_type3A_122 = arith.sitofp %rem3A_121 : vector<16xi32> to vector<16xf32>
    %swap3A_123 = arith.constant 64 : index
    %swap3A_124 = tpu.vector_load %arg16[%swap3A_123] {strides = array<i32>} : memref<176xf32, #tpu.memory_space<vmem>>, vector<16xf32>,
    %swap3A_125 = vector.shape_cast %swap3A_124 : vector<16xf32> to vector<16xf32>
    %swap3A_126 = vector.shape_cast %convert_element_type3A_122 : vector<16xf32> to vector<16xf32>
    tpu.vector_store %arg16[%swap3A_123], %swap3A_126 {strides = array<i32>} : memref<176xf32, #tpu.memory_space<vmem>>, vector<16xf32>,
    %div3A_127 = arith.constant 13 : i32
    %div3A_128 = vector.broadcast %div3A_127 : i32 to vector<16xi32>
    %div3A_129 = arith.divsi %add3A_110, %div3A_128 : vector<16xi32>
    %convert_element_type3A_130 = arith.sitofp %div3A_129 : vector<16xi32> to vector<16xf32>
    %swap3A_131 = arith.constant 64 : index
    %swap3A_132 = tpu.vector_load %arg17[%swap3A_131] {strides = array<i32>} : memref<176xf32, #tpu.memory_space<vmem>>, vector<16xf32>,
    %swap3A_133 = vector.shape_cast %swap3A_132 : vector<16xf32> to vector<16xf32>
    %swap3A_134 = vector.shape_cast %convert_element_type3A_130 : vector<16xf32> to vector<16xf32>
    tpu.vector_store %arg17[%swap3A_131], %swap3A_134 {strides = array<i32>} : memref<176xf32, #tpu.memory_space<vmem>>, vector<16xf32>,
    %add3A_135 = arith.constant 80 : i32
    %add3A_136 = vector.broadcast %add3A_135 : i32 to vector<16xi32>
    %add3A_137 = arith.addi %iota3A, %add3A_136 : vector<16xi32>
    %swap3A_138 = arith.constant 80 : index
    %swap3A_139 = tpu.vector_load %arg18[%swap3A_138] {strides = array<i32>} : memref<176xi32, #tpu.memory_space<vmem>>, vector<16xi32>,
    %swap3A_140 = vector.shape_cast %swap3A_139 : vector<16xi32> to vector<16xi32>
    %swap3A_141 = vector.shape_cast %add3A_137 : vector<16xi32> to vector<16xi32>
    tpu.vector_store %arg18[%swap3A_138], %swap3A_141 {strides = array<i32>} : memref<176xi32, #tpu.memory_space<vmem>>, vector<16xi32>,
    %swap3A_142 = arith.constant 80 : index
    %swap3A_143 = tpu.vector_load %arg19[%swap3A_142] {strides = array<i32>} : memref<176xf32, #tpu.memory_space<vmem>>, vector<16xf32>,
    %swap3A_144 = vector.shape_cast %swap3A_143 : vector<16xf32> to vector<16xf32>
    %swap3A_145 = vector.shape_cast %broadcast_in_dim3A_3 : vector<16xf32> to vector<16xf32>
    tpu.vector_store %arg19[%swap3A_142], %swap3A_145 {strides = array<i32>} : memref<176xf32, #tpu.memory_space<vmem>>, vector<16xf32>,
    %rem3A_146 = arith.constant 13 : i32
    %rem3A_147 = vector.broadcast %rem3A_146 : i32 to vector<16xi32>
    %rem3A_148 = arith.remsi %add3A_137, %rem3A_147 : vector<16xi32>
    %convert_element_type3A_149 = arith.sitofp %rem3A_148 : vector<16xi32> to vector<16xf32>
    %swap3A_150 = arith.constant 80 : index
    %swap3A_151 = tpu.vector_load %arg16[%swap3A_150] {strides = array<i32>} : memref<176xf32, #tpu.memory_space<vmem>>, vector<16xf32>,
    %swap3A_152 = vector.shape_cast %swap3A_151 : vector<16xf32> to vector<16xf32>
    %swap3A_153 = vector.shape_cast %convert_element_type3A_149 : vector<16xf32> to vector<16xf32>
    tpu.vector_store %arg16[%swap3A_150], %swap3A_153 {strides = array<i32>} : memref<176xf32, #tpu.memory_space<vmem>>, vector<16xf32>,
    %div3A_154 = arith.constant 13 : i32
    %div3A_155 = vector.broadcast %div3A_154 : i32 to vector<16xi32>
    %div3A_156 = arith.divsi %add3A_137, %div3A_155 : vector<16xi32>
    %convert_element_type3A_157 = arith.sitofp %div3A_156 : vector<16xi32> to vector<16xf32>
    %swap3A_158 = arith.constant 80 : index
    %swap3A_159 = tpu.vector_load %arg17[%swap3A_158] {strides = array<i32>} : memref<176xf32, #tpu.memory_space<vmem>>, vector<16xf32>,
    %swap3A_160 = vector.shape_cast %swap3A_159 : vector<16xf32> to vector<16xf32>
    %swap3A_161 = vector.shape_cast %convert_element_type3A_157 : vector<16xf32> to vector<16xf32>
    tpu.vector_store %arg17[%swap3A_158], %swap3A_161 {strides = array<i32>} : memref<176xf32, #tpu.memory_space<vmem>>, vector<16xf32>,
    %add3A_162 = arith.constant 96 : i32
    %add3A_163 = vector.broadcast %add3A_162 : i32 to vector<16xi32>
    %add3A_164 = arith.addi %iota3A, %add3A_163 : vector<16xi32>
    %swap3A_165 = arith.constant 96 : index
    %swap3A_166 = tpu.vector_load %arg18[%swap3A_165] {strides = array<i32>} : memref<176xi32, #tpu.memory_space<vmem>>, vector<16xi32>,
    %swap3A_167 = vector.shape_cast %swap3A_166 : vector<16xi32> to vector<16xi32>
    %swap3A_168 = vector.shape_cast %add3A_164 : vector<16xi32> to vector<16xi32>
    tpu.vector_store %arg18[%swap3A_165], %swap3A_168 {strides = array<i32>} : memref<176xi32, #tpu.memory_space<vmem>>, vector<16xi32>,
    %swap3A_169 = arith.constant 96 : index
    %swap3A_170 = tpu.vector_load %arg19[%swap3A_169] {strides = array<i32>} : memref<176xf32, #tpu.memory_space<vmem>>, vector<16xf32>,
    %swap3A_171 = vector.shape_cast %swap3A_170 : vector<16xf32> to vector<16xf32>
    %swap3A_172 = vector.shape_cast %broadcast_in_dim3A_3 : vector<16xf32> to vector<16xf32>
    tpu.vector_store %arg19[%swap3A_169], %swap3A_172 {strides = array<i32>} : memref<176xf32, #tpu.memory_space<vmem>>, vector<16xf32>,
    %rem3A_173 = arith.constant 13 : i32
    %rem3A_174 = vector.broadcast %rem3A_173 : i32 to vector<16xi32>
    %rem3A_175 = arith.remsi %add3A_164, %rem3A_174 : vector<16xi32>
    %convert_element_type3A_176 = arith.sitofp %rem3A_175 : vector<16xi32> to vector<16xf32>
    %swap3A_177 = arith.constant 96 : index
    %swap3A_178 = tpu.vector_load %arg16[%swap3A_177] {strides = array<i32>} : memref<176xf32, #tpu.memory_space<vmem>>, vector<16xf32>,
    %swap3A_179 = vector.shape_cast %swap3A_178 : vector<16xf32> to vector<16xf32>
    %swap3A_180 = vector.shape_cast %convert_element_type3A_176 : vector<16xf32> to vector<16xf32>
    tpu.vector_store %arg16[%swap3A_177], %swap3A_180 {strides = array<i32>} : memref<176xf32, #tpu.memory_space<vmem>>, vector<16xf32>,
    %div3A_181 = arith.constant 13 : i32
    %div3A_182 = vector.broadcast %div3A_181 : i32 to vector<16xi32>
    %div3A_183 = arith.divsi %add3A_164, %div3A_182 : vector<16xi32>
    %convert_element_type3A_184 = arith.sitofp %div3A_183 : vector<16xi32> to vector<16xf32>
    %swap3A_185 = arith.constant 96 : index
    %swap3A_186 = tpu.vector_load %arg17[%swap3A_185] {strides = array<i32>} : memref<176xf32, #tpu.memory_space<vmem>>, vector<16xf32>,
    %swap3A_187 = vector.shape_cast %swap3A_186 : vector<16xf32> to vector<16xf32>
    %swap3A_188 = vector.shape_cast %convert_element_type3A_184 : vector<16xf32> to vector<16xf32>
    tpu.vector_store %arg17[%swap3A_185], %swap3A_188 {strides = array<i32>} : memref<176xf32, #tpu.memory_space<vmem>>, vector<16xf32>,
    %add3A_189 = arith.constant 112 : i32
    %add3A_190 = vector.broadcast %add3A_189 : i32 to vector<16xi32>
    %add3A_191 = arith.addi %iota3A, %add3A_190 : vector<16xi32>
    %swap3A_192 = arith.constant 112 : index
    %swap3A_193 = tpu.vector_load %arg18[%swap3A_192] {strides = array<i32>} : memref<176xi32, #tpu.memory_space<vmem>>, vector<16xi32>,
    %swap3A_194 = vector.shape_cast %swap3A_193 : vector<16xi32> to vector<16xi32>
    %swap3A_195 = vector.shape_cast %add3A_191 : vector<16xi32> to vector<16xi32>
    tpu.vector_store %arg18[%swap3A_192], %swap3A_195 {strides = array<i32>} : memref<176xi32, #tpu.memory_space<vmem>>, vector<16xi32>,
    %swap3A_196 = arith.constant 112 : index
    %swap3A_197 = tpu.vector_load %arg19[%swap3A_196] {strides = array<i32>} : memref<176xf32, #tpu.memory_space<vmem>>, vector<16xf32>,
    %swap3A_198 = vector.shape_cast %swap3A_197 : vector<16xf32> to vector<16xf32>
    %swap3A_199 = vector.shape_cast %broadcast_in_dim3A_3 : vector<16xf32> to vector<16xf32>
    tpu.vector_store %arg19[%swap3A_196], %swap3A_199 {strides = array<i32>} : memref<176xf32, #tpu.memory_space<vmem>>, vector<16xf32>,
    %rem3A_200 = arith.constant 13 : i32
    %rem3A_201 = vector.broadcast %rem3A_200 : i32 to vector<16xi32>
    %rem3A_202 = arith.remsi %add3A_191, %rem3A_201 : vector<16xi32>
    %convert_element_type3A_203 = arith.sitofp %rem3A_202 : vector<16xi32> to vector<16xf32>
    %swap3A_204 = arith.constant 112 : index
    %swap3A_205 = tpu.vector_load %arg16[%swap3A_204] {strides = array<i32>} : memref<176xf32, #tpu.memory_space<vmem>>, vector<16xf32>,
    %swap3A_206 = vector.shape_cast %swap3A_205 : vector<16xf32> to vector<16xf32>
    %swap3A_207 = vector.shape_cast %convert_element_type3A_203 : vector<16xf32> to vector<16xf32>
    tpu.vector_store %arg16[%swap3A_204], %swap3A_207 {strides = array<i32>} : memref<176xf32, #tpu.memory_space<vmem>>, vector<16xf32>,
    %div3A_208 = arith.constant 13 : i32
    %div3A_209 = vector.broadcast %div3A_208 : i32 to vector<16xi32>
    %div3A_210 = arith.divsi %add3A_191, %div3A_209 : vector<16xi32>
    %convert_element_type3A_211 = arith.sitofp %div3A_210 : vector<16xi32> to vector<16xf32>
    %swap3A_212 = arith.constant 112 : index
    %swap3A_213 = tpu.vector_load %arg17[%swap3A_212] {strides = array<i32>} : memref<176xf32, #tpu.memory_space<vmem>>, vector<16xf32>,
    %swap3A_214 = vector.shape_cast %swap3A_213 : vector<16xf32> to vector<16xf32>
    %swap3A_215 = vector.shape_cast %convert_element_type3A_211 : vector<16xf32> to vector<16xf32>
    tpu.vector_store %arg17[%swap3A_212], %swap3A_215 {strides = array<i32>} : memref<176xf32, #tpu.memory_space<vmem>>, vector<16xf32>,
    %add3A_216 = arith.constant 128 : i32
    %add3A_217 = vector.broadcast %add3A_216 : i32 to vector<16xi32>
    %add3A_218 = arith.addi %iota3A, %add3A_217 : vector<16xi32>
    %swap3A_219 = arith.constant 128 : index
    %swap3A_220 = tpu.vector_load %arg18[%swap3A_219] {strides = array<i32>} : memref<176xi32, #tpu.memory_space<vmem>>, vector<16xi32>,
    %swap3A_221 = vector.shape_cast %swap3A_220 : vector<16xi32> to vector<16xi32>
    %swap3A_222 = vector.shape_cast %add3A_218 : vector<16xi32> to vector<16xi32>
    tpu.vector_store %arg18[%swap3A_219], %swap3A_222 {strides = array<i32>} : memref<176xi32, #tpu.memory_space<vmem>>, vector<16xi32>,
    %swap3A_223 = arith.constant 128 : index
    %swap3A_224 = tpu.vector_load %arg19[%swap3A_223] {strides = array<i32>} : memref<176xf32, #tpu.memory_space<vmem>>, vector<16xf32>,
    %swap3A_225 = vector.shape_cast %swap3A_224 : vector<16xf32> to vector<16xf32>
    %swap3A_226 = vector.shape_cast %broadcast_in_dim3A_3 : vector<16xf32> to vector<16xf32>
    tpu.vector_store %arg19[%swap3A_223], %swap3A_226 {strides = array<i32>} : memref<176xf32, #tpu.memory_space<vmem>>, vector<16xf32>,
    %rem3A_227 = arith.constant 13 : i32
    %rem3A_228 = vector.broadcast %rem3A_227 : i32 to vector<16xi32>
    %rem3A_229 = arith.remsi %add3A_218, %rem3A_228 : vector<16xi32>
    %convert_element_type3A_230 = arith.sitofp %rem3A_229 : vector<16xi32> to vector<16xf32>
    %swap3A_231 = arith.constant 128 : index
    %swap3A_232 = tpu.vector_load %arg16[%swap3A_231] {strides = array<i32>} : memref<176xf32, #tpu.memory_space<vmem>>, vector<16xf32>,
    %swap3A_233 = vector.shape_cast %swap3A_232 : vector<16xf32> to vector<16xf32>
    %swap3A_234 = vector.shape_cast %convert_element_type3A_230 : vector<16xf32> to vector<16xf32>
    tpu.vector_store %arg16[%swap3A_231], %swap3A_234 {strides = array<i32>} : memref<176xf32, #tpu.memory_space<vmem>>, vector<16xf32>,
    %div3A_235 = arith.constant 13 : i32
    %div3A_236 = vector.broadcast %div3A_235 : i32 to vector<16xi32>
    %div3A_237 = arith.divsi %add3A_218, %div3A_236 : vector<16xi32>
    %convert_element_type3A_238 = arith.sitofp %div3A_237 : vector<16xi32> to vector<16xf32>
    %swap3A_239 = arith.constant 128 : index
    %swap3A_240 = tpu.vector_load %arg17[%swap3A_239] {strides = array<i32>} : memref<176xf32, #tpu.memory_space<vmem>>, vector<16xf32>,
    %swap3A_241 = vector.shape_cast %swap3A_240 : vector<16xf32> to vector<16xf32>
    %swap3A_242 = vector.shape_cast %convert_element_type3A_238 : vector<16xf32> to vector<16xf32>
    tpu.vector_store %arg17[%swap3A_239], %swap3A_242 {strides = array<i32>} : memref<176xf32, #tpu.memory_space<vmem>>, vector<16xf32>,
    %add3A_243 = arith.constant 144 : i32
    %add3A_244 = vector.broadcast %add3A_243 : i32 to vector<16xi32>
    %add3A_245 = arith.addi %iota3A, %add3A_244 : vector<16xi32>
    %swap3A_246 = arith.constant 144 : index
    %swap3A_247 = tpu.vector_load %arg18[%swap3A_246] {strides = array<i32>} : memref<176xi32, #tpu.memory_space<vmem>>, vector<16xi32>,
    %swap3A_248 = vector.shape_cast %swap3A_247 : vector<16xi32> to vector<16xi32>
    %swap3A_249 = vector.shape_cast %add3A_245 : vector<16xi32> to vector<16xi32>
    tpu.vector_store %arg18[%swap3A_246], %swap3A_249 {strides = array<i32>} : memref<176xi32, #tpu.memory_space<vmem>>, vector<16xi32>,
    %swap3A_250 = arith.constant 144 : index
    %swap3A_251 = tpu.vector_load %arg19[%swap3A_250] {strides = array<i32>} : memref<176xf32, #tpu.memory_space<vmem>>, vector<16xf32>,
    %swap3A_252 = vector.shape_cast %swap3A_251 : vector<16xf32> to vector<16xf32>
    %swap3A_253 = vector.shape_cast %broadcast_in_dim3A_3 : vector<16xf32> to vector<16xf32>
    tpu.vector_store %arg19[%swap3A_250], %swap3A_253 {strides = array<i32>} : memref<176xf32, #tpu.memory_space<vmem>>, vector<16xf32>,
    %rem3A_254 = arith.constant 13 : i32
    %rem3A_255 = vector.broadcast %rem3A_254 : i32 to vector<16xi32>
    %rem3A_256 = arith.remsi %add3A_245, %rem3A_255 : vector<16xi32>
    %convert_element_type3A_257 = arith.sitofp %rem3A_256 : vector<16xi32> to vector<16xf32>
    %swap3A_258 = arith.constant 144 : index
    %swap3A_259 = tpu.vector_load %arg16[%swap3A_258] {strides = array<i32>} : memref<176xf32, #tpu.memory_space<vmem>>, vector<16xf32>,
    %swap3A_260 = vector.shape_cast %swap3A_259 : vector<16xf32> to vector<16xf32>
    %swap3A_261 = vector.shape_cast %convert_element_type3A_257 : vector<16xf32> to vector<16xf32>
    tpu.vector_store %arg16[%swap3A_258], %swap3A_261 {strides = array<i32>} : memref<176xf32, #tpu.memory_space<vmem>>, vector<16xf32>,
    %div3A_262 = arith.constant 13 : i32
    %div3A_263 = vector.broadcast %div3A_262 : i32 to vector<16xi32>
    %div3A_264 = arith.divsi %add3A_245, %div3A_263 : vector<16xi32>
    %convert_element_type3A_265 = arith.sitofp %div3A_264 : vector<16xi32> to vector<16xf32>
    %swap3A_266 = arith.constant 144 : index
    %swap3A_267 = tpu.vector_load %arg17[%swap3A_266] {strides = array<i32>} : memref<176xf32, #tpu.memory_space<vmem>>, vector<16xf32>,
    %swap3A_268 = vector.shape_cast %swap3A_267 : vector<16xf32> to vector<16xf32>
    %swap3A_269 = vector.shape_cast %convert_element_type3A_265 : vector<16xf32> to vector<16xf32>
    tpu.vector_store %arg17[%swap3A_266], %swap3A_269 {strides = array<i32>} : memref<176xf32, #tpu.memory_space<vmem>>, vector<16xf32>,
    %add3A_270 = arith.constant 153 : i32
    %add3A_271 = vector.broadcast %add3A_270 : i32 to vector<16xi32>
    %add3A_272 = arith.addi %iota3A, %add3A_271 : vector<16xi32>
    %lt3A = arith.constant 7 : i32
    %lt3A_273 = vector.broadcast %lt3A : i32 to vector<16xi32>
    %lt3A_274 = arith.cmpi slt, %iota3A, %lt3A_273 : vector<16xi32>
    %jit3A = arith.constant -1 : i32
    %broadcast_in_dim3A_275 = vector.broadcast %jit3A : i32 to vector<16xi32>
    %select_n3A = arith.select %lt3A_274, %broadcast_in_dim3A_275, %add3A_272 : vector<16xi1>, vector<16xi32>
    %swap3A_276 = arith.constant 160 : index
    %swap3A_277 = tpu.vector_load %arg18[%swap3A_276] {strides = array<i32>} : memref<176xi32, #tpu.memory_space<vmem>>, vector<16xi32>,
    %swap3A_278 = vector.shape_cast %swap3A_277 : vector<16xi32> to vector<16xi32>
    %swap3A_279 = vector.shape_cast %select_n3A : vector<16xi32> to vector<16xi32>
    tpu.vector_store %arg18[%swap3A_276], %swap3A_279 {strides = array<i32>} : memref<176xi32, #tpu.memory_space<vmem>>, vector<16xi32>,
    %lt3A_280 = arith.constant 7 : i32
    %lt3A_281 = vector.broadcast %lt3A_280 : i32 to vector<16xi32>
    %lt3A_282 = arith.cmpi slt, %iota3A, %lt3A_281 : vector<16xi32>
    %jit3A_283 = arith.constant 0.000000e+00 : f32
    %jit3A_284 = arith.constant 1.000000e+00 : f32
    %broadcast_in_dim3A_285 = vector.broadcast %jit3A_283 : f32 to vector<16xf32>
    %broadcast_in_dim3A_286 = vector.broadcast %jit3A_284 : f32 to vector<16xf32>
    %select_n3A_287 = arith.select %lt3A_282, %broadcast_in_dim3A_285, %broadcast_in_dim3A_286 : vector<16xi1>, vector<16xf32>
    %swap3A_288 = arith.constant 160 : index
    %swap3A_289 = tpu.vector_load %arg19[%swap3A_288] {strides = array<i32>} : memref<176xf32, #tpu.memory_space<vmem>>, vector<16xf32>,
    %swap3A_290 = vector.shape_cast %swap3A_289 : vector<16xf32> to vector<16xf32>
    %swap3A_291 = vector.shape_cast %select_n3A_287 : vector<16xf32> to vector<16xf32>
    tpu.vector_store %arg19[%swap3A_288], %swap3A_291 {strides = array<i32>} : memref<176xf32, #tpu.memory_space<vmem>>, vector<16xf32>,
    %rem3A_292 = arith.constant 13 : i32
    %rem3A_293 = vector.broadcast %rem3A_292 : i32 to vector<16xi32>
    %rem3A_294 = arith.remsi %add3A_272, %rem3A_293 : vector<16xi32>
    %convert_element_type3A_295 = arith.sitofp %rem3A_294 : vector<16xi32> to vector<16xf32>
    %swap3A_296 = arith.constant 160 : index
    %swap3A_297 = tpu.vector_load %arg16[%swap3A_296] {strides = array<i32>} : memref<176xf32, #tpu.memory_space<vmem>>, vector<16xf32>,
    %swap3A_298 = vector.shape_cast %swap3A_297 : vector<16xf32> to vector<16xf32>
    %swap3A_299 = vector.shape_cast %convert_element_type3A_295 : vector<16xf32> to vector<16xf32>
    tpu.vector_store %arg16[%swap3A_296], %swap3A_299 {strides = array<i32>} : memref<176xf32, #tpu.memory_space<vmem>>, vector<16xf32>,
    %div3A_300 = arith.constant 13 : i32
    %div3A_301 = vector.broadcast %div3A_300 : i32 to vector<16xi32>
    %div3A_302 = arith.divsi %add3A_272, %div3A_301 : vector<16xi32>
    %convert_element_type3A_303 = arith.sitofp %div3A_302 : vector<16xi32> to vector<16xf32>
    %swap3A_304 = arith.constant 160 : index
    %swap3A_305 = tpu.vector_load %arg17[%swap3A_304] {strides = array<i32>} : memref<176xf32, #tpu.memory_space<vmem>>, vector<16xf32>,
    %swap3A_306 = vector.shape_cast %swap3A_305 : vector<16xf32> to vector<16xf32>
    %swap3A_307 = vector.shape_cast %convert_element_type3A_303 : vector<16xf32> to vector<16xf32>
    tpu.vector_store %arg17[%swap3A_304], %swap3A_307 {strides = array<i32>} : memref<176xf32, #tpu.memory_space<vmem>>, vector<16xf32>,
    %mul3A_308 = arith.constant 2 : i32
    %mul3A_309 = arith.muli %add3A, %mul3A_308 : i32
    %add3A_310 = arith.constant 0 : i32
    %add3A_311 = arith.addi %mul3A_309, %add3A_310 : i32
    %mul3A_312 = arith.constant 4 : i32
    %mul3A_313 = arith.muli %add3A_311, %mul3A_312 : i32
    %rem3A_314 = arith.constant 8 : i32
    %rem3A_315 = arith.remsi %mul3A_313, %rem3A_314 : i32
    %sub3A = arith.subi %mul3A_313, %rem3A_315 : i32
    %min3A = arith.constant 240 : i32
    %min3A_316 = arith.minsi %sub3A, %min3A : i32
    %sub3A_317 = arith.subi %mul3A_313, %min3A_316 : i32
    %dma_start3A = arith.constant 0 : i32
    %dma_start3A_318 = tpu.memref_slice %arg2[%add3A_311, %dma_start3A] : memref<64x4225xf32, #tpu.memory_space<hbm>> -> memref<1x4225xf32, #tpu.memory_space<hbm>>
    %dma_start3A_319 = tpu.memref_squeeze %dma_start3A_318 : memref<1x4225xf32, #tpu.memory_space<hbm>> -> memref<4225xf32, #tpu.memory_space<hbm>>
    %dma_start3A_320 = arith.constant 0 : i32
    %dma_start3A_321 = tpu.memref_slice %arg2[%add3A_311, %dma_start3A_320] : memref<64x4225xf32, #tpu.memory_space<hbm>> -> memref<1x4225xf32, #tpu.memory_space<hbm>>
    %dma_start3A_322 = tpu.memref_squeeze %dma_start3A_321 : memref<1x4225xf32, #tpu.memory_space<hbm>> -> memref<4225xf32, #tpu.memory_space<hbm>>
    tpu.enqueue_dma source(%dma_start3A_322 : memref<4225xf32, #tpu.memory_space<hbm>>) target(%arg7 : memref<4225xf32, #tpu.memory_space<vmem>>) target_semaphore(%arg20 : memref<!tpu.dma_semaphore, #tpu.memory_space<semaphore_mem>>)
    %multiple_of3A = tpu.assume_multiple %min3A_316, 8 : i32
    %dma_start3A_323 = tpu.memref_slice %arg3[%multiple_of3A] : memref<256xf32, #tpu.memory_space<hbm>> -> memref<16xf32, #tpu.memory_space<hbm>>
    %dma_start3A_324 = tpu.memref_slice %arg3[%multiple_of3A] : memref<256xf32, #tpu.memory_space<hbm>> -> memref<16xf32, #tpu.memory_space<hbm>>
    tpu.enqueue_dma source(%dma_start3A_324 : memref<16xf32, #tpu.memory_space<hbm>>) target(%arg9 : memref<16xf32, #tpu.memory_space<vmem>>) target_semaphore(%arg22 : memref<!tpu.dma_semaphore, #tpu.memory_space<semaphore_mem>>)
    %mul3A_325 = arith.constant 2 : i32
    %mul3A_326 = arith.muli %add3A, %mul3A_325 : i32
    %add3A_327 = arith.constant 1 : i32
    %add3A_328 = arith.addi %mul3A_326, %add3A_327 : i32
    %mul3A_329 = arith.constant 4 : i32
    %mul3A_330 = arith.muli %add3A_328, %mul3A_329 : i32
    %rem3A_331 = arith.constant 8 : i32
    %rem3A_332 = arith.remsi %mul3A_330, %rem3A_331 : i32
    %sub3A_333 = arith.subi %mul3A_330, %rem3A_332 : i32
    %min3A_334 = arith.constant 240 : i32
    %min3A_335 = arith.minsi %sub3A_333, %min3A_334 : i32
    %sub3A_336 = arith.subi %mul3A_330, %min3A_335 : i32
    %dma_start3A_337 = arith.constant 0 : i32
    %dma_start3A_338 = tpu.memref_slice %arg2[%add3A_328, %dma_start3A_337] : memref<64x4225xf32, #tpu.memory_space<hbm>> -> memref<1x4225xf32, #tpu.memory_space<hbm>>
    %dma_start3A_339 = tpu.memref_squeeze %dma_start3A_338 : memref<1x4225xf32, #tpu.memory_space<hbm>> -> memref<4225xf32, #tpu.memory_space<hbm>>
    %dma_start3A_340 = arith.constant 0 : i32
    %dma_start3A_341 = tpu.memref_slice %arg2[%add3A_328, %dma_start3A_340] : memref<64x4225xf32, #tpu.memory_space<hbm>> -> memref<1x4225xf32, #tpu.memory_space<hbm>>
    %dma_start3A_342 = tpu.memref_squeeze %dma_start3A_341 : memref<1x4225xf32, #tpu.memory_space<hbm>> -> memref<4225xf32, #tpu.memory_space<hbm>>
    tpu.enqueue_dma source(%dma_start3A_342 : memref<4225xf32, #tpu.memory_space<hbm>>) target(%arg8 : memref<4225xf32, #tpu.memory_space<vmem>>) target_semaphore(%arg21 : memref<!tpu.dma_semaphore, #tpu.memory_space<semaphore_mem>>)
    %multiple_of3A_343 = tpu.assume_multiple %min3A_335, 8 : i32
    %dma_start3A_344 = tpu.memref_slice %arg3[%multiple_of3A_343] : memref<256xf32, #tpu.memory_space<hbm>> -> memref<16xf32, #tpu.memory_space<hbm>>
    %dma_start3A_345 = tpu.memref_slice %arg3[%multiple_of3A_343] : memref<256xf32, #tpu.memory_space<hbm>> -> memref<16xf32, #tpu.memory_space<hbm>>
    tpu.enqueue_dma source(%dma_start3A_345 : memref<16xf32, #tpu.memory_space<hbm>>) target(%arg10 : memref<16xf32, #tpu.memory_space<vmem>>) target_semaphore(%arg23 : memref<!tpu.dma_semaphore, #tpu.memory_space<semaphore_mem>>)
    %mul3A_346 = arith.constant 2 : i32
    %mul3A_347 = arith.muli %add3A, %mul3A_346 : i32
    %add3A_348 = arith.constant 0 : i32
    %add3A_349 = arith.addi %mul3A_347, %add3A_348 : i32
    %dma_start3A_350 = arith.constant 0 : i32
    %dma_start3A_351 = tpu.memref_slice %arg4[%add3A_349, %dma_start3A_350] : memref<64x63xf32, #tpu.memory_space<hbm>> -> memref<1x63xf32, #tpu.memory_space<hbm>>
    %dma_start3A_352 = tpu.memref_squeeze %dma_start3A_351 : memref<1x63xf32, #tpu.memory_space<hbm>> -> memref<63xf32, #tpu.memory_space<hbm>>
    %dma_start3A_353 = arith.constant 0 : i32
    %dma_start3A_354 = tpu.memref_slice %arg4[%add3A_349, %dma_start3A_353] : memref<64x63xf32, #tpu.memory_space<hbm>> -> memref<1x63xf32, #tpu.memory_space<hbm>>
    %dma_start3A_355 = tpu.memref_squeeze %dma_start3A_354 : memref<1x63xf32, #tpu.memory_space<hbm>> -> memref<63xf32, #tpu.memory_space<hbm>>
    tpu.enqueue_dma source(%dma_start3A_355 : memref<63xf32, #tpu.memory_space<hbm>>) target(%arg11 : memref<63xf32, #tpu.memory_space<vmem>>) target_semaphore(%arg24 : memref<!tpu.dma_semaphore, #tpu.memory_space<semaphore_mem>>)
    %dma_start3A_356 = arith.constant 0 : i32
    %dma_start3A_357 = tpu.memref_slice %arg5[%add3A_349, %dma_start3A_356] : memref<64x63xf32, #tpu.memory_space<hbm>> -> memref<1x63xf32, #tpu.memory_space<hbm>>
    %dma_start3A_358 = tpu.memref_squeeze %dma_start3A_357 : memref<1x63xf32, #tpu.memory_space<hbm>> -> memref<63xf32, #tpu.memory_space<hbm>>
    %dma_start3A_359 = arith.constant 0 : i32
    %dma_start3A_360 = tpu.memref_slice %arg5[%add3A_349, %dma_start3A_359] : memref<64x63xf32, #tpu.memory_space<hbm>> -> memref<1x63xf32, #tpu.memory_space<hbm>>
    %dma_start3A_361 = tpu.memref_squeeze %dma_start3A_360 : memref<1x63xf32, #tpu.memory_space<hbm>> -> memref<63xf32, #tpu.memory_space<hbm>>
    tpu.enqueue_dma source(%dma_start3A_361 : memref<63xf32, #tpu.memory_space<hbm>>) target(%arg13 : memref<63xf32, #tpu.memory_space<vmem>>) target_semaphore(%arg26 : memref<!tpu.dma_semaphore, #tpu.memory_space<semaphore_mem>>)
    %mul3A_362 = arith.constant 2 : i32
    %mul3A_363 = arith.muli %add3A, %mul3A_362 : i32
    %add3A_364 = arith.constant 1 : i32
    %add3A_365 = arith.addi %mul3A_363, %add3A_364 : i32
    %dma_start3A_366 = arith.constant 0 : i32
    %dma_start3A_367 = tpu.memref_slice %arg4[%add3A_365, %dma_start3A_366] : memref<64x63xf32, #tpu.memory_space<hbm>> -> memref<1x63xf32, #tpu.memory_space<hbm>>
    %dma_start3A_368 = tpu.memref_squeeze %dma_start3A_367 : memref<1x63xf32, #tpu.memory_space<hbm>> -> memref<63xf32, #tpu.memory_space<hbm>>
    %dma_start3A_369 = arith.constant 0 : i32
    %dma_start3A_370 = tpu.memref_slice %arg4[%add3A_365, %dma_start3A_369] : memref<64x63xf32, #tpu.memory_space<hbm>> -> memref<1x63xf32, #tpu.memory_space<hbm>>
    %dma_start3A_371 = tpu.memref_squeeze %dma_start3A_370 : memref<1x63xf32, #tpu.memory_space<hbm>> -> memref<63xf32, #tpu.memory_space<hbm>>
    tpu.enqueue_dma source(%dma_start3A_371 : memref<63xf32, #tpu.memory_space<hbm>>) target(%arg12 : memref<63xf32, #tpu.memory_space<vmem>>) target_semaphore(%arg25 : memref<!tpu.dma_semaphore, #tpu.memory_space<semaphore_mem>>)
    %dma_start3A_372 = arith.constant 0 : i32
    %dma_start3A_373 = tpu.memref_slice %arg5[%add3A_365, %dma_start3A_372] : memref<64x63xf32, #tpu.memory_space<hbm>> -> memref<1x63xf32, #tpu.memory_space<hbm>>
    %dma_start3A_374 = tpu.memref_squeeze %dma_start3A_373 : memref<1x63xf32, #tpu.memory_space<hbm>> -> memref<63xf32, #tpu.memory_space<hbm>>
    %dma_start3A_375 = arith.constant 0 : i32
    %dma_start3A_376 = tpu.memref_slice %arg5[%add3A_365, %dma_start3A_375] : memref<64x63xf32, #tpu.memory_space<hbm>> -> memref<1x63xf32, #tpu.memory_space<hbm>>
    %dma_start3A_377 = tpu.memref_squeeze %dma_start3A_376 : memref<1x63xf32, #tpu.memory_space<hbm>> -> memref<63xf32, #tpu.memory_space<hbm>>
    tpu.enqueue_dma source(%dma_start3A_377 : memref<63xf32, #tpu.memory_space<hbm>>) target(%arg14 : memref<63xf32, #tpu.memory_space<vmem>>) target_semaphore(%arg27 : memref<!tpu.dma_semaphore, #tpu.memory_space<semaphore_mem>>)
    %mul3A_378 = arith.constant 2 : i32
    %mul3A_379 = arith.muli %add3A, %mul3A_378 : i32
    %add3A_380 = arith.constant 0 : i32
    %add3A_381 = arith.addi %mul3A_379, %add3A_380 : i32
    %dma_wait3A = tpu.memref_slice %arg3[%multiple_of3A] : memref<256xf32, #tpu.memory_space<hbm>> -> memref<16xf32, #tpu.memory_space<hbm>>
    %dma_wait3A_382 = tpu.memref_slice %arg3[%multiple_of3A] : memref<256xf32, #tpu.memory_space<hbm>> -> memref<16xf32, #tpu.memory_space<hbm>>
    tpu.wait_dma2 semaphore(%arg22 : memref<!tpu.dma_semaphore, #tpu.memory_space<semaphore_mem>>) src(%dma_wait3A_382 : memref<16xf32, #tpu.memory_space<hbm>>) dst(%arg9 : memref<16xf32, #tpu.memory_space<vmem>>)
    %get3A = arith.constant 0 : index
    %get3A_383 = tpu.vector_load %arg9[%get3A] {strides = array<i32>} : memref<16xf32, #tpu.memory_space<vmem>>, vector<16xf32>,
    %get3A_384 = vector.shape_cast %get3A_383 : vector<16xf32> to vector<16xf32>
    %broadcast_in_dim3A_385 = vector.broadcast %sub3A_317 : i32 to vector<16xi32>
    %broadcast_in_dim3A_386 = vector.shape_cast %broadcast_in_dim3A_385 : vector<16xi32> to vector<16x1xi32>
    %gather3A = vector.shape_cast %broadcast_in_dim3A_386 : vector<16x1xi32> to vector<16xi32>
    %gather3A_387 = tpu.dynamic_gather %get3A_384[%gather3A] in [0] : vector<16xf32>, vector<16xi32> -> vector<16xf32>
    %mul3A_388 = arith.constant 1.300000e+01 : f32
    %mul3A_389 = vector.broadcast %mul3A_388 : f32 to vector<16xf32>
    %mul3A_390 = arith.mulf %gather3A_387, %mul3A_389 : vector<16xf32>
    %add3A_391 = arith.constant 1 : i32
    %add3A_392 = arith.addi %sub3A_317, %add3A_391 : i32
    %broadcast_in_dim3A_393 = vector.broadcast %add3A_392 : i32 to vector<16xi32>
    %broadcast_in_dim3A_394 = vector.shape_cast %broadcast_in_dim3A_393 : vector<16xi32> to vector<16x1xi32>
    %gather3A_395 = vector.shape_cast %broadcast_in_dim3A_394 : vector<16x1xi32> to vector<16xi32>
    %gather3A_396 = tpu.dynamic_gather %get3A_384[%gather3A_395] in [0] : vector<16xf32>, vector<16xi32> -> vector<16xf32>
    %mul3A_397 = arith.constant 1.300000e+01 : f32
    %mul3A_398 = vector.broadcast %mul3A_397 : f32 to vector<16xf32>
    %mul3A_399 = arith.mulf %gather3A_396, %mul3A_398 : vector<16xf32>
    %add3A_400 = arith.constant 2 : i32
    %add3A_401 = arith.addi %sub3A_317, %add3A_400 : i32
    %broadcast_in_dim3A_402 = vector.broadcast %add3A_401 : i32 to vector<16xi32>
    %broadcast_in_dim3A_403 = vector.shape_cast %broadcast_in_dim3A_402 : vector<16xi32> to vector<16x1xi32>
    %gather3A_404 = vector.shape_cast %broadcast_in_dim3A_403 : vector<16x1xi32> to vector<16xi32>
    %gather3A_405 = tpu.dynamic_gather %get3A_384[%gather3A_404] in [0] : vector<16xf32>, vector<16xi32> -> vector<16xf32>
    %mul3A_406 = arith.constant 1.300000e+01 : f32
    %mul3A_407 = vector.broadcast %mul3A_406 : f32 to vector<16xf32>
    %mul3A_408 = arith.mulf %gather3A_405, %mul3A_407 : vector<16xf32>
    %add3A_409 = arith.constant 3 : i32
    %add3A_410 = arith.addi %sub3A_317, %add3A_409 : i32
    %broadcast_in_dim3A_411 = vector.broadcast %add3A_410 : i32 to vector<16xi32>
    %broadcast_in_dim3A_412 = vector.shape_cast %broadcast_in_dim3A_411 : vector<16xi32> to vector<16x1xi32>
    %gather3A_413 = vector.shape_cast %broadcast_in_dim3A_412 : vector<16x1xi32> to vector<16xi32>
    %gather3A_414 = tpu.dynamic_gather %get3A_384[%gather3A_413] in [0] : vector<16xf32>, vector<16xi32> -> vector<16xf32>
    %mul3A_415 = arith.constant 1.300000e+01 : f32
    %mul3A_416 = vector.broadcast %mul3A_415 : f32 to vector<16xf32>
    %mul3A_417 = arith.mulf %gather3A_414, %mul3A_416 : vector<16xf32>
    %mul3A_418 = arith.constant 5.000000e-01 : f32
    %mul3A_419 = vector.broadcast %mul3A_418 : f32 to vector<16xf32>
    %mul3A_420 = arith.mulf %mul3A_408, %mul3A_419 : vector<16xf32>
    %sub3A_421 = arith.subf %mul3A_390, %mul3A_420 : vector<16xf32>
    %mul3A_422 = arith.constant 5.000000e-01 : f32
    %mul3A_423 = vector.broadcast %mul3A_422 : f32 to vector<16xf32>
    %mul3A_424 = arith.mulf %mul3A_408, %mul3A_423 : vector<16xf32>
    %add3A_425 = arith.addf %mul3A_390, %mul3A_424 : vector<16xf32>
    %mul3A_426 = arith.constant 5.000000e-01 : f32
    %mul3A_427 = vector.broadcast %mul3A_426 : f32 to vector<16xf32>
    %mul3A_428 = arith.mulf %mul3A_417, %mul3A_427 : vector<16xf32>
    %sub3A_429 = arith.subf %mul3A_399, %mul3A_428 : vector<16xf32>
    %mul3A_430 = arith.constant 5.000000e-01 : f32
    %mul3A_431 = vector.broadcast %mul3A_430 : f32 to vector<16xf32>
    %mul3A_432 = arith.mulf %mul3A_417, %mul3A_431 : vector<16xf32>
    %add3A_433 = arith.addf %mul3A_399, %mul3A_432 : vector<16xf32>
    %mul3A_434 = arith.mulf %mul3A_408, %mul3A_417 : vector<16xf32>
    %broadcast_in_dim3A_435 = arith.constant 0 : i32
    %broadcast_in_dim3A_436 = vector.broadcast %broadcast_in_dim3A_435 : i32 to vector<16xi32>
    %max3A = arith.constant 1.322100e+00 : f32
    %max3A_437 = vector.broadcast %max3A : f32 to vector<16xf32>
    %max3A_438 = arith.maximumf %mul3A_408, %max3A_437 : vector<16xf32>
    %max3A_439 = arith.constant 1.731450e+00 : f32
    %max3A_440 = vector.broadcast %max3A_439 : f32 to vector<16xf32>
    %max3A_441 = arith.maximumf %mul3A_417, %max3A_440 : vector<16xf32>
    %add3A_442 = arith.constant 1.322100e+00 : f32
    %add3A_443 = vector.broadcast %add3A_442 : f32 to vector<16xf32>
    %add3A_444 = arith.addf %mul3A_408, %add3A_443 : vector<16xf32>
    %sub3A_445 = arith.subf %add3A_444, %max3A_438 : vector<16xf32>
    %add3A_446 = arith.constant 1.731450e+00 : f32
    %add3A_447 = vector.broadcast %add3A_446 : f32 to vector<16xf32>
    %add3A_448 = arith.addf %mul3A_417, %add3A_447 : vector<16xf32>
    %sub3A_449 = arith.subf %add3A_448, %max3A_441 : vector<16xf32>
    %max3A_450 = arith.constant 0.000000e+00 : f32
    %max3A_451 = vector.broadcast %max3A_450 : f32 to vector<16xf32>
    %max3A_452 = arith.maximumf %sub3A_445, %max3A_451 : vector<16xf32>
    %max3A_453 = arith.constant 0.000000e+00 : f32
    %max3A_454 = vector.broadcast %max3A_453 : f32 to vector<16xf32>
    %max3A_455 = arith.maximumf %sub3A_449, %max3A_454 : vector<16xf32>
    %mul3A_456 = arith.mulf %max3A_452, %max3A_455 : vector<16xf32>
    %add3A_457 = arith.constant 2.289150e+00 : f32
    %add3A_458 = vector.broadcast %add3A_457 : f32 to vector<16xf32>
    %add3A_459 = arith.addf %add3A_458, %mul3A_434 : vector<16xf32>
    %sub3A_460 = arith.subf %add3A_459, %mul3A_456 : vector<16xf32>
    %div3A_461 = arith.divf %mul3A_456, %sub3A_460 : vector<16xf32>
    %max3A_462 = arith.constant 3.192750e+00 : f32
    %max3A_463 = vector.broadcast %max3A_462 : f32 to vector<16xf32>
    %max3A_464 = arith.maximumf %mul3A_408, %max3A_463 : vector<16xf32>
    %max3A_465 = arith.constant 4.009440e+00 : f32
    %max3A_466 = vector.broadcast %max3A_465 : f32 to vector<16xf32>
    %max3A_467 = arith.maximumf %mul3A_417, %max3A_466 : vector<16xf32>
    %add3A_468 = arith.constant 3.192750e+00 : f32
    %add3A_469 = vector.broadcast %add3A_468 : f32 to vector<16xf32>
    %add3A_470 = arith.addf %mul3A_408, %add3A_469 : vector<16xf32>
    %sub3A_471 = arith.subf %add3A_470, %max3A_464 : vector<16xf32>
    %add3A_472 = arith.constant 4.009440e+00 : f32
    %add3A_473 = vector.broadcast %add3A_472 : f32 to vector<16xf32>
    %add3A_474 = arith.addf %mul3A_417, %add3A_473 : vector<16xf32>
    %sub3A_475 = arith.subf %add3A_474, %max3A_467 : vector<16xf32>
    %max3A_476 = arith.constant 0.000000e+00 : f32
    %max3A_477 = vector.broadcast %max3A_476 : f32 to vector<16xf32>
    %max3A_478 = arith.maximumf %sub3A_471, %max3A_477 : vector<16xf32>
    %max3A_479 = arith.constant 0.000000e+00 : f32
    %max3A_480 = vector.broadcast %max3A_479 : f32 to vector<16xf32>
    %max3A_481 = arith.maximumf %sub3A_475, %max3A_480 : vector<16xf32>
    %mul3A_482 = arith.mulf %max3A_478, %max3A_481 : vector<16xf32>
    %add3A_483 = arith.constant 12.8011398 : f32
    %add3A_484 = vector.broadcast %add3A_483 : f32 to vector<16xf32>
    %add3A_485 = arith.addf %add3A_484, %mul3A_434 : vector<16xf32>
    %sub3A_486 = arith.subf %add3A_485, %mul3A_482 : vector<16xf32>
    %div3A_487 = arith.divf %mul3A_482, %sub3A_486 : vector<16xf32>
    %gt3A = arith.cmpf ogt, %div3A_487, %div3A_461 : vector<16xf32>
    %jit3A_488 = arith.constant 1 : i32
    %broadcast_in_dim3A_489 = vector.broadcast %jit3A_488 : i32 to vector<16xi32>
    %select_n3A_490 = arith.select %gt3A, %broadcast_in_dim3A_489, %broadcast_in_dim3A_436 : vector<16xi1>, vector<16xi32>
    %select_n3A_491 = arith.select %gt3A, %div3A_487, %div3A_461 : vector<16xi1>, vector<16xf32>
    %max3A_492 = arith.constant 5.055870e+00 : f32
    %max3A_493 = vector.broadcast %max3A_492 : f32 to vector<16xf32>
    %max3A_494 = arith.maximumf %mul3A_408, %max3A_493 : vector<16xf32>
    %max3A_495 = arith.constant 8.09891986 : f32
    %max3A_496 = vector.broadcast %max3A_495 : f32 to vector<16xf32>
    %max3A_497 = arith.maximumf %mul3A_417, %max3A_496 : vector<16xf32>
    %add3A_498 = arith.constant 5.055870e+00 : f32
    %add3A_499 = vector.broadcast %add3A_498 : f32 to vector<16xf32>
    %add3A_500 = arith.addf %mul3A_408, %add3A_499 : vector<16xf32>
    %sub3A_501 = arith.subf %add3A_500, %max3A_494 : vector<16xf32>
    %add3A_502 = arith.constant 8.09891986 : f32
    %add3A_503 = vector.broadcast %add3A_502 : f32 to vector<16xf32>
    %add3A_504 = arith.addf %mul3A_417, %add3A_503 : vector<16xf32>
    %sub3A_505 = arith.subf %add3A_504, %max3A_497 : vector<16xf32>
    %max3A_506 = arith.constant 0.000000e+00 : f32
    %max3A_507 = vector.broadcast %max3A_506 : f32 to vector<16xf32>
    %max3A_508 = arith.maximumf %sub3A_501, %max3A_507 : vector<16xf32>
    %max3A_509 = arith.constant 0.000000e+00 : f32
    %max3A_510 = vector.broadcast %max3A_509 : f32 to vector<16xf32>
    %max3A_511 = arith.maximumf %sub3A_505, %max3A_510 : vector<16xf32>
    %mul3A_512 = arith.mulf %max3A_508, %max3A_511 : vector<16xf32>
    %add3A_513 = arith.constant 40.9470863 : f32
    %add3A_514 = vector.broadcast %add3A_513 : f32 to vector<16xf32>
    %add3A_515 = arith.addf %add3A_514, %mul3A_434 : vector<16xf32>
    %sub3A_516 = arith.subf %add3A_515, %mul3A_512 : vector<16xf32>
    %div3A_517 = arith.divf %mul3A_512, %sub3A_516 : vector<16xf32>
    %gt3A_518 = arith.cmpf ogt, %div3A_517, %select_n3A_491 : vector<16xf32>
    %jit3A_519 = arith.constant 2 : i32
    %broadcast_in_dim3A_520 = vector.broadcast %jit3A_519 : i32 to vector<16xi32>
    %select_n3A_521 = arith.select %gt3A_518, %broadcast_in_dim3A_520, %select_n3A_490 : vector<16xi1>, vector<16xi32>
    %select_n3A_522 = arith.select %gt3A_518, %div3A_517, %select_n3A_491 : vector<16xi1>, vector<16xf32>
    %max3A_523 = arith.constant 9.47111988 : f32
    %max3A_524 = vector.broadcast %max3A_523 : f32 to vector<16xf32>
    %max3A_525 = arith.maximumf %mul3A_408, %max3A_524 : vector<16xf32>
    %max3A_526 = arith.constant 4.840530e+00 : f32
    %max3A_527 = vector.broadcast %max3A_526 : f32 to vector<16xf32>
    %max3A_528 = arith.maximumf %mul3A_417, %max3A_527 : vector<16xf32>
    %add3A_529 = arith.constant 9.47111988 : f32
    %add3A_530 = vector.broadcast %add3A_529 : f32 to vector<16xf32>
    %add3A_531 = arith.addf %mul3A_408, %add3A_530 : vector<16xf32>
    %sub3A_532 = arith.subf %add3A_531, %max3A_525 : vector<16xf32>
    %add3A_533 = arith.constant 4.840530e+00 : f32
    %add3A_534 = vector.broadcast %add3A_533 : f32 to vector<16xf32>
    %add3A_535 = arith.addf %mul3A_417, %add3A_534 : vector<16xf32>
    %sub3A_536 = arith.subf %add3A_535, %max3A_528 : vector<16xf32>
    %max3A_537 = arith.constant 0.000000e+00 : f32
    %max3A_538 = vector.broadcast %max3A_537 : f32 to vector<16xf32>
    %max3A_539 = arith.maximumf %sub3A_532, %max3A_538 : vector<16xf32>
    %max3A_540 = arith.constant 0.000000e+00 : f32
    %max3A_541 = vector.broadcast %max3A_540 : f32 to vector<16xf32>
    %max3A_542 = arith.maximumf %sub3A_536, %max3A_541 : vector<16xf32>
    %mul3A_543 = arith.mulf %max3A_539, %max3A_542 : vector<16xf32>
    %add3A_544 = arith.constant 45.8452415 : f32
    %add3A_545 = vector.broadcast %add3A_544 : f32 to vector<16xf32>
    %add3A_546 = arith.addf %add3A_545, %mul3A_434 : vector<16xf32>
    %sub3A_547 = arith.subf %add3A_546, %mul3A_543 : vector<16xf32>
    %div3A_548 = arith.divf %mul3A_543, %sub3A_547 : vector<16xf32>
    %gt3A_549 = arith.cmpf ogt, %div3A_548, %select_n3A_522 : vector<16xf32>
    %jit3A_550 = arith.constant 3 : i32
    %broadcast_in_dim3A_551 = vector.broadcast %jit3A_550 : i32 to vector<16xi32>
    %select_n3A_552 = arith.select %gt3A_549, %broadcast_in_dim3A_551, %select_n3A_521 : vector<16xi1>, vector<16xi32>
    %select_n3A_553 = arith.select %gt3A_549, %div3A_548, %select_n3A_522 : vector<16xi1>, vector<16xf32>
    %max3A_554 = arith.constant 1.123640e+01 : f32
    %max3A_555 = vector.broadcast %max3A_554 : f32 to vector<16xf32>
    %max3A_556 = arith.maximumf %mul3A_408, %max3A_555 : vector<16xf32>
    %max3A_557 = arith.constant 1.000710e+01 : f32
    %max3A_558 = vector.broadcast %max3A_557 : f32 to vector<16xf32>
    %max3A_559 = arith.maximumf %mul3A_417, %max3A_558 : vector<16xf32>
    %add3A_560 = arith.constant 1.123640e+01 : f32
    %add3A_561 = vector.broadcast %add3A_560 : f32 to vector<16xf32>
    %add3A_562 = arith.addf %mul3A_408, %add3A_561 : vector<16xf32>
    %sub3A_563 = arith.subf %add3A_562, %max3A_556 : vector<16xf32>
    %add3A_564 = arith.constant 1.000710e+01 : f32
    %add3A_565 = vector.broadcast %add3A_564 : f32 to vector<16xf32>
    %add3A_566 = arith.addf %mul3A_417, %add3A_565 : vector<16xf32>
    %sub3A_567 = arith.subf %add3A_566, %max3A_559 : vector<16xf32>
    %max3A_568 = arith.constant 0.000000e+00 : f32
    %max3A_569 = vector.broadcast %max3A_568 : f32 to vector<16xf32>
    %max3A_570 = arith.maximumf %sub3A_563, %max3A_569 : vector<16xf32>
    %max3A_571 = arith.constant 0.000000e+00 : f32
    %max3A_572 = vector.broadcast %max3A_571 : f32 to vector<16xf32>
    %max3A_573 = arith.maximumf %sub3A_567, %max3A_572 : vector<16xf32>
    %mul3A_574 = arith.mulf %max3A_570, %max3A_573 : vector<16xf32>
    %add3A_575 = arith.constant 112.443779 : f32
    %add3A_576 = vector.broadcast %add3A_575 : f32 to vector<16xf32>
    %add3A_577 = arith.addf %add3A_576, %mul3A_434 : vector<16xf32>
    %sub3A_578 = arith.subf %add3A_577, %mul3A_574 : vector<16xf32>
    %div3A_579 = arith.divf %mul3A_574, %sub3A_578 : vector<16xf32>
    %gt3A_580 = arith.cmpf ogt, %div3A_579, %select_n3A_553 : vector<16xf32>
    %jit3A_581 = arith.constant 4 : i32
    %broadcast_in_dim3A_582 = vector.broadcast %jit3A_581 : i32 to vector<16xi32>
    %select_n3A_583 = arith.select %gt3A_580, %broadcast_in_dim3A_582, %select_n3A_552 : vector<16xi1>, vector<16xi32>
    %select_n3A_584 = arith.select %gt3A_580, %div3A_579, %select_n3A_553 : vector<16xi1>, vector<16xf32>
    %eq3A = arith.constant 0 : i32
    %eq3A_585 = vector.broadcast %eq3A : i32 to vector<16xi32>
    %eq3A_586 = arith.cmpi eq, %select_n3A_583, %eq3A_585 : vector<16xi32>
    %jit3A_587 = arith.constant 1.322100e+00 : f32
    %jit3A_588 = arith.constant 0.000000e+00 : f32
    %broadcast_in_dim3A_589 = vector.broadcast %jit3A_587 : f32 to vector<16xf32>
    %broadcast_in_dim3A_590 = vector.broadcast %jit3A_588 : f32 to vector<16xf32>
    %select_n3A_591 = arith.select %eq3A_586, %broadcast_in_dim3A_589, %broadcast_in_dim3A_590 : vector<16xi1>, vector<16xf32>
    %add3A_592 = arith.addf %broadcast_in_dim3A_1, %select_n3A_591 : vector<16xf32>
    %jit3A_593 = arith.constant 1.731450e+00 : f32
    %jit3A_594 = arith.constant 0.000000e+00 : f32
    %broadcast_in_dim3A_595 = vector.broadcast %jit3A_593 : f32 to vector<16xf32>
    %broadcast_in_dim3A_596 = vector.broadcast %jit3A_594 : f32 to vector<16xf32>
    %select_n3A_597 = arith.select %eq3A_586, %broadcast_in_dim3A_595, %broadcast_in_dim3A_596 : vector<16xi1>, vector<16xf32>
    %add3A_598 = arith.addf %broadcast_in_dim3A_1, %select_n3A_597 : vector<16xf32>
    %eq3A_599 = arith.constant 1 : i32
    %eq3A_600 = vector.broadcast %eq3A_599 : i32 to vector<16xi32>
    %eq3A_601 = arith.cmpi eq, %select_n3A_583, %eq3A_600 : vector<16xi32>
    %jit3A_602 = arith.constant 3.192750e+00 : f32
    %jit3A_603 = arith.constant 0.000000e+00 : f32
    %broadcast_in_dim3A_604 = vector.broadcast %jit3A_602 : f32 to vector<16xf32>
    %broadcast_in_dim3A_605 = vector.broadcast %jit3A_603 : f32 to vector<16xf32>
    %select_n3A_606 = arith.select %eq3A_601, %broadcast_in_dim3A_604, %broadcast_in_dim3A_605 : vector<16xi1>, vector<16xf32>
    %add3A_607 = arith.addf %add3A_592, %select_n3A_606 : vector<16xf32>
    %jit3A_608 = arith.constant 4.009440e+00 : f32
    %jit3A_609 = arith.constant 0.000000e+00 : f32
    %broadcast_in_dim3A_610 = vector.broadcast %jit3A_608 : f32 to vector<16xf32>
    %broadcast_in_dim3A_611 = vector.broadcast %jit3A_609 : f32 to vector<16xf32>
    %select_n3A_612 = arith.select %eq3A_601, %broadcast_in_dim3A_610, %broadcast_in_dim3A_611 : vector<16xi1>, vector<16xf32>
    %add3A_613 = arith.addf %add3A_598, %select_n3A_612 : vector<16xf32>
    %eq3A_614 = arith.constant 2 : i32
    %eq3A_615 = vector.broadcast %eq3A_614 : i32 to vector<16xi32>
    %eq3A_616 = arith.cmpi eq, %select_n3A_583, %eq3A_615 : vector<16xi32>
    %jit3A_617 = arith.constant 5.055870e+00 : f32
    %jit3A_618 = arith.constant 0.000000e+00 : f32
    %broadcast_in_dim3A_619 = vector.broadcast %jit3A_617 : f32 to vector<16xf32>
    %broadcast_in_dim3A_620 = vector.broadcast %jit3A_618 : f32 to vector<16xf32>
    %select_n3A_621 = arith.select %eq3A_616, %broadcast_in_dim3A_619, %broadcast_in_dim3A_620 : vector<16xi1>, vector<16xf32>
    %add3A_622 = arith.addf %add3A_607, %select_n3A_621 : vector<16xf32>
    %jit3A_623 = arith.constant 8.09891986 : f32
    %jit3A_624 = arith.constant 0.000000e+00 : f32
    %broadcast_in_dim3A_625 = vector.broadcast %jit3A_623 : f32 to vector<16xf32>
    %broadcast_in_dim3A_626 = vector.broadcast %jit3A_624 : f32 to vector<16xf32>
    %select_n3A_627 = arith.select %eq3A_616, %broadcast_in_dim3A_625, %broadcast_in_dim3A_626 : vector<16xi1>, vector<16xf32>
    %add3A_628 = arith.addf %add3A_613, %select_n3A_627 : vector<16xf32>
    %eq3A_629 = arith.constant 3 : i32
    %eq3A_630 = vector.broadcast %eq3A_629 : i32 to vector<16xi32>
    %eq3A_631 = arith.cmpi eq, %select_n3A_583, %eq3A_630 : vector<16xi32>
    %jit3A_632 = arith.constant 9.47111988 : f32
    %jit3A_633 = arith.constant 0.000000e+00 : f32
    %broadcast_in_dim3A_634 = vector.broadcast %jit3A_632 : f32 to vector<16xf32>
    %broadcast_in_dim3A_635 = vector.broadcast %jit3A_633 : f32 to vector<16xf32>
    %select_n3A_636 = arith.select %eq3A_631, %broadcast_in_dim3A_634, %broadcast_in_dim3A_635 : vector<16xi1>, vector<16xf32>
    %add3A_637 = arith.addf %add3A_622, %select_n3A_636 : vector<16xf32>
    %jit3A_638 = arith.constant 4.840530e+00 : f32
    %jit3A_639 = arith.constant 0.000000e+00 : f32
    %broadcast_in_dim3A_640 = vector.broadcast %jit3A_638 : f32 to vector<16xf32>
    %broadcast_in_dim3A_641 = vector.broadcast %jit3A_639 : f32 to vector<16xf32>
    %select_n3A_642 = arith.select %eq3A_631, %broadcast_in_dim3A_640, %broadcast_in_dim3A_641 : vector<16xi1>, vector<16xf32>
    %add3A_643 = arith.addf %add3A_628, %select_n3A_642 : vector<16xf32>
    %eq3A_644 = arith.constant 4 : i32
    %eq3A_645 = vector.broadcast %eq3A_644 : i32 to vector<16xi32>
    %eq3A_646 = arith.cmpi eq, %select_n3A_583, %eq3A_645 : vector<16xi32>
    %jit3A_647 = arith.constant 1.123640e+01 : f32
    %jit3A_648 = arith.constant 0.000000e+00 : f32
    %broadcast_in_dim3A_649 = vector.broadcast %jit3A_647 : f32 to vector<16xf32>
    %broadcast_in_dim3A_650 = vector.broadcast %jit3A_648 : f32 to vector<16xf32>
    %select_n3A_651 = arith.select %eq3A_646, %broadcast_in_dim3A_649, %broadcast_in_dim3A_650 : vector<16xi1>, vector<16xf32>
    %add3A_652 = arith.addf %add3A_637, %select_n3A_651 : vector<16xf32>
    %jit3A_653 = arith.constant 1.000710e+01 : f32
    %jit3A_654 = arith.constant 0.000000e+00 : f32
    %broadcast_in_dim3A_655 = vector.broadcast %jit3A_653 : f32 to vector<16xf32>
    %broadcast_in_dim3A_656 = vector.broadcast %jit3A_654 : f32 to vector<16xf32>
    %select_n3A_657 = arith.select %eq3A_646, %broadcast_in_dim3A_655, %broadcast_in_dim3A_656 : vector<16xi1>, vector<16xf32>
    %add3A_658 = arith.addf %add3A_643, %select_n3A_657 : vector<16xf32>
    %div3A_659 = arith.divf %mul3A_408, %add3A_652 : vector<16xf32>
    %bitcast_convert_type3A = tpu.bitcast %div3A_659 : vector<16xf32> -> vector<16xi32>
    %shift_right_arithmetic3A = arith.constant 23 : i32
    %shift_right_arithmetic3A_660 = vector.broadcast %shift_right_arithmetic3A : i32 to vector<16xi32>
    %shift_right_arithmetic3A_661 = arith.shrsi %bitcast_convert_type3A, %shift_right_arithmetic3A_660 : vector<16xi32>
    %sub3A_662 = arith.constant 127 : i32
    %sub3A_663 = vector.broadcast %sub3A_662 : i32 to vector<16xi32>
    %sub3A_664 = arith.subi %shift_right_arithmetic3A_661, %sub3A_663 : vector<16xi32>
    %and3A = arith.constant 8388607 : i32
    %and3A_665 = vector.broadcast %and3A : i32 to vector<16xi32>
    %and3A_666 = arith.andi %bitcast_convert_type3A, %and3A_665 : vector<16xi32>
    %or3A = arith.constant 1065353216 : i32
    %or3A_667 = vector.broadcast %or3A : i32 to vector<16xi32>
    %or3A_668 = arith.ori %and3A_666, %or3A_667 : vector<16xi32>
    %bitcast_convert_type3A_669 = tpu.bitcast %or3A_668 : vector<16xi32> -> vector<16xf32>
    %gt3A_670 = arith.constant 1.41421354 : f32
    %gt3A_671 = vector.broadcast %gt3A_670 : f32 to vector<16xf32>
    %gt3A_672 = arith.cmpf ogt, %bitcast_convert_type3A_669, %gt3A_671 : vector<16xf32>
    %mul3A_673 = arith.constant 5.000000e-01 : f32
    %mul3A_674 = vector.broadcast %mul3A_673 : f32 to vector<16xf32>
    %mul3A_675 = arith.mulf %bitcast_convert_type3A_669, %mul3A_674 : vector<16xf32>
    %select_n3A_676 = arith.select %gt3A_672, %mul3A_675, %bitcast_convert_type3A_669 : vector<16xi1>, vector<16xf32>
    %jit3A_677 = arith.constant 1 : i32
    %jit3A_678 = arith.constant 0 : i32
    %broadcast_in_dim3A_679 = vector.broadcast %jit3A_677 : i32 to vector<16xi32>
    %broadcast_in_dim3A_680 = vector.broadcast %jit3A_678 : i32 to vector<16xi32>
    %select_n3A_681 = arith.select %gt3A_672, %broadcast_in_dim3A_679, %broadcast_in_dim3A_680 : vector<16xi1>, vector<16xi32>
    %add3A_682 = arith.addi %sub3A_664, %select_n3A_681 : vector<16xi32>
    %sub3A_683 = arith.constant 1.000000e+00 : f32
    %sub3A_684 = vector.broadcast %sub3A_683 : f32 to vector<16xf32>
    %sub3A_685 = arith.subf %select_n3A_676, %sub3A_684 : vector<16xf32>
    %mul3A_686 = arith.mulf %sub3A_685, %sub3A_685 : vector<16xf32>
    %broadcast_in_dim3A_687 = arith.constant 0.0703768358 : f32
    %broadcast_in_dim3A_688 = vector.broadcast %broadcast_in_dim3A_687 : f32 to vector<16xf32>
    %mul3A_689 = arith.mulf %broadcast_in_dim3A_688, %sub3A_685 : vector<16xf32>
    %add3A_690 = arith.constant -0.115146101 : f32
    %add3A_691 = vector.broadcast %add3A_690 : f32 to vector<16xf32>
    %add3A_692 = arith.addf %mul3A_689, %add3A_691 : vector<16xf32>
    %mul3A_693 = arith.mulf %add3A_692, %sub3A_685 : vector<16xf32>
    %add3A_694 = arith.constant 0.116769984 : f32
    %add3A_695 = vector.broadcast %add3A_694 : f32 to vector<16xf32>
    %add3A_696 = arith.addf %mul3A_693, %add3A_695 : vector<16xf32>
    %mul3A_697 = arith.mulf %add3A_696, %sub3A_685 : vector<16xf32>
    %add3A_698 = arith.constant -0.12420141 : f32
    %add3A_699 = vector.broadcast %add3A_698 : f32 to vector<16xf32>
    %add3A_700 = arith.addf %mul3A_697, %add3A_699 : vector<16xf32>
    %mul3A_701 = arith.mulf %add3A_700, %sub3A_685 : vector<16xf32>
    %add3A_702 = arith.constant 0.142493233 : f32
    %add3A_703 = vector.broadcast %add3A_702 : f32 to vector<16xf32>
    %add3A_704 = arith.addf %mul3A_701, %add3A_703 : vector<16xf32>
    %mul3A_705 = arith.mulf %add3A_704, %sub3A_685 : vector<16xf32>
    %add3A_706 = arith.constant -0.166680574 : f32
    %add3A_707 = vector.broadcast %add3A_706 : f32 to vector<16xf32>
    %add3A_708 = arith.addf %mul3A_705, %add3A_707 : vector<16xf32>
    %mul3A_709 = arith.mulf %add3A_708, %sub3A_685 : vector<16xf32>
    %add3A_710 = arith.constant 0.200007141 : f32
    %add3A_711 = vector.broadcast %add3A_710 : f32 to vector<16xf32>
    %add3A_712 = arith.addf %mul3A_709, %add3A_711 : vector<16xf32>
    %mul3A_713 = arith.mulf %add3A_712, %sub3A_685 : vector<16xf32>
    %add3A_714 = arith.constant -0.24999994 : f32
    %add3A_715 = vector.broadcast %add3A_714 : f32 to vector<16xf32>
    %add3A_716 = arith.addf %mul3A_713, %add3A_715 : vector<16xf32>
    %mul3A_717 = arith.mulf %add3A_716, %sub3A_685 : vector<16xf32>
    %add3A_718 = arith.constant 0.333333313 : f32
    %add3A_719 = vector.broadcast %add3A_718 : f32 to vector<16xf32>
    %add3A_720 = arith.addf %mul3A_717, %add3A_719 : vector<16xf32>
    %mul3A_721 = arith.mulf %sub3A_685, %mul3A_686 : vector<16xf32>
    %mul3A_722 = arith.mulf %mul3A_721, %add3A_720 : vector<16xf32>
    %mul3A_723 = arith.constant 5.000000e-01 : f32
    %mul3A_724 = vector.broadcast %mul3A_723 : f32 to vector<16xf32>
    %mul3A_725 = arith.mulf %mul3A_724, %mul3A_686 : vector<16xf32>
    %sub3A_726 = arith.subf %mul3A_722, %mul3A_725 : vector<16xf32>
    %add3A_727 = arith.addf %sub3A_685, %sub3A_726 : vector<16xf32>
    %convert_element_type3A_728 = arith.sitofp %add3A_682 : vector<16xi32> to vector<16xf32>
    %mul3A_729 = arith.constant 0.693147182 : f32
    %mul3A_730 = vector.broadcast %mul3A_729 : f32 to vector<16xf32>
    %mul3A_731 = arith.mulf %convert_element_type3A_728, %mul3A_730 : vector<16xf32>
    %add3A_732 = arith.addf %add3A_727, %mul3A_731 : vector<16xf32>
    %div3A_733 = arith.divf %mul3A_417, %add3A_658 : vector<16xf32>
    %bitcast_convert_type3A_734 = tpu.bitcast %div3A_733 : vector<16xf32> -> vector<16xi32>
    %shift_right_arithmetic3A_735 = arith.constant 23 : i32
    %shift_right_arithmetic3A_736 = vector.broadcast %shift_right_arithmetic3A_735 : i32 to vector<16xi32>
    %shift_right_arithmetic3A_737 = arith.shrsi %bitcast_convert_type3A_734, %shift_right_arithmetic3A_736 : vector<16xi32>
    %sub3A_738 = arith.constant 127 : i32
    %sub3A_739 = vector.broadcast %sub3A_738 : i32 to vector<16xi32>
    %sub3A_740 = arith.subi %shift_right_arithmetic3A_737, %sub3A_739 : vector<16xi32>
    %and3A_741 = arith.constant 8388607 : i32
    %and3A_742 = vector.broadcast %and3A_741 : i32 to vector<16xi32>
    %and3A_743 = arith.andi %bitcast_convert_type3A_734, %and3A_742 : vector<16xi32>
    %or3A_744 = arith.constant 1065353216 : i32
    %or3A_745 = vector.broadcast %or3A_744 : i32 to vector<16xi32>
    %or3A_746 = arith.ori %and3A_743, %or3A_745 : vector<16xi32>
    %bitcast_convert_type3A_747 = tpu.bitcast %or3A_746 : vector<16xi32> -> vector<16xf32>
    %gt3A_748 = arith.constant 1.41421354 : f32
    %gt3A_749 = vector.broadcast %gt3A_748 : f32 to vector<16xf32>
    %gt3A_750 = arith.cmpf ogt, %bitcast_convert_type3A_747, %gt3A_749 : vector<16xf32>
    %mul3A_751 = arith.constant 5.000000e-01 : f32
    %mul3A_752 = vector.broadcast %mul3A_751 : f32 to vector<16xf32>
    %mul3A_753 = arith.mulf %bitcast_convert_type3A_747, %mul3A_752 : vector<16xf32>
    %select_n3A_754 = arith.select %gt3A_750, %mul3A_753, %bitcast_convert_type3A_747 : vector<16xi1>, vector<16xf32>
    %jit3A_755 = arith.constant 1 : i32
    %jit3A_756 = arith.constant 0 : i32
    %broadcast_in_dim3A_757 = vector.broadcast %jit3A_755 : i32 to vector<16xi32>
    %broadcast_in_dim3A_758 = vector.broadcast %jit3A_756 : i32 to vector<16xi32>
    %select_n3A_759 = arith.select %gt3A_750, %broadcast_in_dim3A_757, %broadcast_in_dim3A_758 : vector<16xi1>, vector<16xi32>
    %add3A_760 = arith.addi %sub3A_740, %select_n3A_759 : vector<16xi32>
    %sub3A_761 = arith.constant 1.000000e+00 : f32
    %sub3A_762 = vector.broadcast %sub3A_761 : f32 to vector<16xf32>
    %sub3A_763 = arith.subf %select_n3A_754, %sub3A_762 : vector<16xf32>
    %mul3A_764 = arith.mulf %sub3A_763, %sub3A_763 : vector<16xf32>
    %broadcast_in_dim3A_765 = arith.constant 0.0703768358 : f32
    %broadcast_in_dim3A_766 = vector.broadcast %broadcast_in_dim3A_765 : f32 to vector<16xf32>
    %mul3A_767 = arith.mulf %broadcast_in_dim3A_766, %sub3A_763 : vector<16xf32>
    %add3A_768 = arith.constant -0.115146101 : f32
    %add3A_769 = vector.broadcast %add3A_768 : f32 to vector<16xf32>
    %add3A_770 = arith.addf %mul3A_767, %add3A_769 : vector<16xf32>
    %mul3A_771 = arith.mulf %add3A_770, %sub3A_763 : vector<16xf32>
    %add3A_772 = arith.constant 0.116769984 : f32
    %add3A_773 = vector.broadcast %add3A_772 : f32 to vector<16xf32>
    %add3A_774 = arith.addf %mul3A_771, %add3A_773 : vector<16xf32>
    %mul3A_775 = arith.mulf %add3A_774, %sub3A_763 : vector<16xf32>
    %add3A_776 = arith.constant -0.12420141 : f32
    %add3A_777 = vector.broadcast %add3A_776 : f32 to vector<16xf32>
    %add3A_778 = arith.addf %mul3A_775, %add3A_777 : vector<16xf32>
    %mul3A_779 = arith.mulf %add3A_778, %sub3A_763 : vector<16xf32>
    %add3A_780 = arith.constant 0.142493233 : f32
    %add3A_781 = vector.broadcast %add3A_780 : f32 to vector<16xf32>
    %add3A_782 = arith.addf %mul3A_779, %add3A_781 : vector<16xf32>
    %mul3A_783 = arith.mulf %add3A_782, %sub3A_763 : vector<16xf32>
    %add3A_784 = arith.constant -0.166680574 : f32
    %add3A_785 = vector.broadcast %add3A_784 : f32 to vector<16xf32>
    %add3A_786 = arith.addf %mul3A_783, %add3A_785 : vector<16xf32>
    %mul3A_787 = arith.mulf %add3A_786, %sub3A_763 : vector<16xf32>
    %add3A_788 = arith.constant 0.200007141 : f32
    %add3A_789 = vector.broadcast %add3A_788 : f32 to vector<16xf32>
    %add3A_790 = arith.addf %mul3A_787, %add3A_789 : vector<16xf32>
    %mul3A_791 = arith.mulf %add3A_790, %sub3A_763 : vector<16xf32>
    %add3A_792 = arith.constant -0.24999994 : f32
    %add3A_793 = vector.broadcast %add3A_792 : f32 to vector<16xf32>
    %add3A_794 = arith.addf %mul3A_791, %add3A_793 : vector<16xf32>
    %mul3A_795 = arith.mulf %add3A_794, %sub3A_763 : vector<16xf32>
    %add3A_796 = arith.constant 0.333333313 : f32
    %add3A_797 = vector.broadcast %add3A_796 : f32 to vector<16xf32>
    %add3A_798 = arith.addf %mul3A_795, %add3A_797 : vector<16xf32>
    %mul3A_799 = arith.mulf %sub3A_763, %mul3A_764 : vector<16xf32>
    %mul3A_800 = arith.mulf %mul3A_799, %add3A_798 : vector<16xf32>
    %mul3A_801 = arith.constant 5.000000e-01 : f32
    %mul3A_802 = vector.broadcast %mul3A_801 : f32 to vector<16xf32>
    %mul3A_803 = arith.mulf %mul3A_802, %mul3A_764 : vector<16xf32>
    %sub3A_804 = arith.subf %mul3A_800, %mul3A_803 : vector<16xf32>
    %add3A_805 = arith.addf %sub3A_763, %sub3A_804 : vector<16xf32>
    %convert_element_type3A_806 = arith.sitofp %add3A_760 : vector<16xi32> to vector<16xf32>
    %mul3A_807 = arith.constant 0.693147182 : f32
    %mul3A_808 = vector.broadcast %mul3A_807 : f32 to vector<16xf32>
    %mul3A_809 = arith.mulf %convert_element_type3A_806, %mul3A_808 : vector<16xf32>
    %add3A_810 = arith.addf %add3A_805, %mul3A_809 : vector<16xf32>
    %convert_element_type3A_811 = arith.fptosi %mul3A_390 : vector<16xf32> to vector<16xi32>
    %convert_element_type3A_812 = arith.fptosi %mul3A_399 : vector<16xf32> to vector<16xi32>
    %convert_element_type3A_813 = arith.sitofp %convert_element_type3A_811 : vector<16xi32> to vector<16xf32>
    %sub3A_814 = arith.subf %mul3A_390, %convert_element_type3A_813 : vector<16xf32>
    %convert_element_type3A_815 = arith.sitofp %convert_element_type3A_812 : vector<16xi32> to vector<16xf32>
    %sub3A_816 = arith.subf %mul3A_399, %convert_element_type3A_815 : vector<16xf32>
    %mul3A_817 = arith.constant 13 : i32
    %mul3A_818 = vector.broadcast %mul3A_817 : i32 to vector<16xi32>
    %mul3A_819 = arith.muli %convert_element_type3A_812, %mul3A_818 : vector<16xi32>
    %add3A_820 = arith.addi %mul3A_819, %convert_element_type3A_811 : vector<16xi32>
    %dma_wait3A_821 = arith.constant 0 : i32
    %dma_wait3A_822 = tpu.memref_slice %arg2[%add3A_311, %dma_wait3A_821] : memref<64x4225xf32, #tpu.memory_space<hbm>> -> memref<1x4225xf32, #tpu.memory_space<hbm>>
    %dma_wait3A_823 = tpu.memref_squeeze %dma_wait3A_822 : memref<1x4225xf32, #tpu.memory_space<hbm>> -> memref<4225xf32, #tpu.memory_space<hbm>>
    %dma_wait3A_824 = arith.constant 0 : i32
    %dma_wait3A_825 = tpu.memref_slice %arg2[%add3A_311, %dma_wait3A_824] : memref<64x4225xf32, #tpu.memory_space<hbm>> -> memref<1x4225xf32, #tpu.memory_space<hbm>>
    %dma_wait3A_826 = tpu.memref_squeeze %dma_wait3A_825 : memref<1x4225xf32, #tpu.memory_space<hbm>> -> memref<4225xf32, #tpu.memory_space<hbm>>
    tpu.wait_dma2 semaphore(%arg20 : memref<!tpu.dma_semaphore, #tpu.memory_space<semaphore_mem>>) src(%dma_wait3A_826 : memref<4225xf32, #tpu.memory_space<hbm>>) dst(%arg7 : memref<4225xf32, #tpu.memory_space<vmem>>)
    %parallel_loop3A = arith.constant 0 : i32
    %parallel_loop3A_827 = arith.constant 880 : i32
    %parallel_loop3A_828 = arith.constant 16 : i32
    %parallel_loop3A_829 = scf.for %parallel_loop3A_1406 = %parallel_loop3A to %parallel_loop3A_827 step %parallel_loop3A_828 iter_args(%parallel_loop3A_1407 = %broadcast_in_dim3A_1) -> (vector<16xf32>)  : i32 {
      %parallel_loop3A_1408 = arith.constant 176 : i32
      %parallel_loop3A_1409 = arith.divsi %parallel_loop3A_1406, %parallel_loop3A_1408 : i32
      %parallel_loop3A_1410 = arith.constant 176 : i32
      %parallel_loop3A_1411 = arith.muli %parallel_loop3A_1409, %parallel_loop3A_1410 : i32
      %parallel_loop3A_1412 = arith.subi %parallel_loop3A_1406, %parallel_loop3A_1411 : i32
      %parallel_loop3A_1413 = arith.constant 1.123640e+01 : f32
      %parallel_loop3A_1414 = vector.broadcast %parallel_loop3A_1413 : f32 to vector<16xf32>
      %parallel_loop3A_1415 = arith.constant 1.000710e+01 : f32
      %parallel_loop3A_1416 = vector.broadcast %parallel_loop3A_1415 : f32 to vector<16xf32>
      %parallel_loop3A_1417 = arith.constant 0 : i32
      %parallel_loop3A_1418 = arith.cmpi eq, %parallel_loop3A_1409, %parallel_loop3A_1417 : i32
      %parallel_loop3A_1419 = arith.constant 1.322100e+00 : f32
      %parallel_loop3A_1420 = vector.broadcast %parallel_loop3A_1419 : f32 to vector<16xf32>
      %parallel_loop3A_1421 = arith.select %parallel_loop3A_1418, %parallel_loop3A_1420, %parallel_loop3A_1414 : vector<16xf32>
      %parallel_loop3A_1422 = arith.constant 0 : i32
      %parallel_loop3A_1423 = arith.cmpi eq, %parallel_loop3A_1409, %parallel_loop3A_1422 : i32
      %parallel_loop3A_1424 = arith.constant 1.731450e+00 : f32
      %parallel_loop3A_1425 = vector.broadcast %parallel_loop3A_1424 : f32 to vector<16xf32>
      %parallel_loop3A_1426 = arith.select %parallel_loop3A_1423, %parallel_loop3A_1425, %parallel_loop3A_1416 : vector<16xf32>
      %parallel_loop3A_1427 = arith.constant 1 : i32
      %parallel_loop3A_1428 = arith.cmpi eq, %parallel_loop3A_1409, %parallel_loop3A_1427 : i32
      %parallel_loop3A_1429 = arith.constant 3.192750e+00 : f32
      %parallel_loop3A_1430 = vector.broadcast %parallel_loop3A_1429 : f32 to vector<16xf32>
      %parallel_loop3A_1431 = arith.select %parallel_loop3A_1428, %parallel_loop3A_1430, %parallel_loop3A_1421 : vector<16xf32>
      %parallel_loop3A_1432 = arith.constant 1 : i32
      %parallel_loop3A_1433 = arith.cmpi eq, %parallel_loop3A_1409, %parallel_loop3A_1432 : i32
      %parallel_loop3A_1434 = arith.constant 4.009440e+00 : f32
      %parallel_loop3A_1435 = vector.broadcast %parallel_loop3A_1434 : f32 to vector<16xf32>
      %parallel_loop3A_1436 = arith.select %parallel_loop3A_1433, %parallel_loop3A_1435, %parallel_loop3A_1426 : vector<16xf32>
      %parallel_loop3A_1437 = arith.constant 2 : i32
      %parallel_loop3A_1438 = arith.cmpi eq, %parallel_loop3A_1409, %parallel_loop3A_1437 : i32
      %parallel_loop3A_1439 = arith.constant 5.055870e+00 : f32
      %parallel_loop3A_1440 = vector.broadcast %parallel_loop3A_1439 : f32 to vector<16xf32>
      %parallel_loop3A_1441 = arith.select %parallel_loop3A_1438, %parallel_loop3A_1440, %parallel_loop3A_1431 : vector<16xf32>
      %parallel_loop3A_1442 = arith.constant 2 : i32
      %parallel_loop3A_1443 = arith.cmpi eq, %parallel_loop3A_1409, %parallel_loop3A_1442 : i32
      %parallel_loop3A_1444 = arith.constant 8.09891986 : f32
      %parallel_loop3A_1445 = vector.broadcast %parallel_loop3A_1444 : f32 to vector<16xf32>
      %parallel_loop3A_1446 = arith.select %parallel_loop3A_1443, %parallel_loop3A_1445, %parallel_loop3A_1436 : vector<16xf32>
      %parallel_loop3A_1447 = arith.constant 3 : i32
      %parallel_loop3A_1448 = arith.cmpi eq, %parallel_loop3A_1409, %parallel_loop3A_1447 : i32
      %parallel_loop3A_1449 = arith.constant 9.47111988 : f32
      %parallel_loop3A_1450 = vector.broadcast %parallel_loop3A_1449 : f32 to vector<16xf32>
      %parallel_loop3A_1451 = arith.select %parallel_loop3A_1448, %parallel_loop3A_1450, %parallel_loop3A_1441 : vector<16xf32>
      %parallel_loop3A_1452 = arith.constant 3 : i32
      %parallel_loop3A_1453 = arith.cmpi eq, %parallel_loop3A_1409, %parallel_loop3A_1452 : i32
      %parallel_loop3A_1454 = arith.constant 4.840530e+00 : f32
      %parallel_loop3A_1455 = vector.broadcast %parallel_loop3A_1454 : f32 to vector<16xf32>
      %parallel_loop3A_1456 = arith.select %parallel_loop3A_1453, %parallel_loop3A_1455, %parallel_loop3A_1446 : vector<16xf32>
      %parallel_loop3A_1457 = vector.broadcast %parallel_loop3A_1409 : i32 to vector<16xi32>
      %parallel_loop3A_1458 = arith.cmpi eq, %select_n3A_583, %parallel_loop3A_1457 : vector<16xi32>
      %parallel_loop3A_1459 = arith.constant 1.000000e+00 : f32
      %parallel_loop3A_1460 = arith.constant 0.000000e+00 : f32
      %parallel_loop3A_1461 = vector.broadcast %parallel_loop3A_1459 : f32 to vector<16xf32>
      %parallel_loop3A_1462 = vector.broadcast %parallel_loop3A_1460 : f32 to vector<16xf32>
      %parallel_loop3A_1463 = arith.select %parallel_loop3A_1458, %parallel_loop3A_1461, %parallel_loop3A_1462 : vector<16xi1>, vector<16xf32>
      %parallel_loop3A_1464 = arith.constant 153 : i32
      %parallel_loop3A_1465 = arith.minsi %parallel_loop3A_1412, %parallel_loop3A_1464 : i32
      %parallel_loop3A_1466 = arith.constant 845 : i32
      %parallel_loop3A_1467 = arith.muli %parallel_loop3A_1409, %parallel_loop3A_1466 : i32
      %parallel_loop3A_1468 = arith.addi %parallel_loop3A_1465, %parallel_loop3A_1467 : i32
      %parallel_loop3A_1469 = arith.index_cast %parallel_loop3A_1468 : i32 to index
      %parallel_loop3A_1470 = tpu.vector_load %arg7[%parallel_loop3A_1469] {strides = array<i32>} : memref<4225xf32, #tpu.memory_space<vmem>>, vector<16xf32>,
      %parallel_loop3A_1471 = vector.shape_cast %parallel_loop3A_1470 : vector<16xf32> to vector<16xf32>
      %parallel_loop3A_1472 = arith.constant 169 : i32
      %parallel_loop3A_1473 = arith.addi %parallel_loop3A_1468, %parallel_loop3A_1472 : i32
      %parallel_loop3A_1474 = arith.index_cast %parallel_loop3A_1473 : i32 to index
      %parallel_loop3A_1475 = tpu.vector_load %arg7[%parallel_loop3A_1474] {strides = array<i32>} : memref<4225xf32, #tpu.memory_space<vmem>>, vector<16xf32>,
      %parallel_loop3A_1476 = vector.shape_cast %parallel_loop3A_1475 : vector<16xf32> to vector<16xf32>
      %parallel_loop3A_1477 = arith.constant 338 : i32
      %parallel_loop3A_1478 = arith.addi %parallel_loop3A_1468, %parallel_loop3A_1477 : i32
      %parallel_loop3A_1479 = arith.index_cast %parallel_loop3A_1478 : i32 to index
      %parallel_loop3A_1480 = tpu.vector_load %arg7[%parallel_loop3A_1479] {strides = array<i32>} : memref<4225xf32, #tpu.memory_space<vmem>>, vector<16xf32>,
      %parallel_loop3A_1481 = vector.shape_cast %parallel_loop3A_1480 : vector<16xf32> to vector<16xf32>
      %parallel_loop3A_1482 = arith.constant 507 : i32
      %parallel_loop3A_1483 = arith.addi %parallel_loop3A_1468, %parallel_loop3A_1482 : i32
      %parallel_loop3A_1484 = arith.index_cast %parallel_loop3A_1483 : i32 to index
      %parallel_loop3A_1485 = tpu.vector_load %arg7[%parallel_loop3A_1484] {strides = array<i32>} : memref<4225xf32, #tpu.memory_space<vmem>>, vector<16xf32>,
      %parallel_loop3A_1486 = vector.shape_cast %parallel_loop3A_1485 : vector<16xf32> to vector<16xf32>
      %parallel_loop3A_1487 = arith.constant 676 : i32
      %parallel_loop3A_1488 = arith.addi %parallel_loop3A_1468, %parallel_loop3A_1487 : i32
      %parallel_loop3A_1489 = arith.index_cast %parallel_loop3A_1488 : i32 to index
      %parallel_loop3A_1490 = tpu.vector_load %arg7[%parallel_loop3A_1489] {strides = array<i32>} : memref<4225xf32, #tpu.memory_space<vmem>>, vector<16xf32>,
      %parallel_loop3A_1491 = vector.shape_cast %parallel_loop3A_1490 : vector<16xf32> to vector<16xf32>
      %parallel_loop3A_1492 = arith.index_cast %parallel_loop3A_1412 : i32 to index
      %parallel_loop3A_1493 = tpu.vector_load %arg16[%parallel_loop3A_1492] {strides = array<i32>} : memref<176xf32, #tpu.memory_space<vmem>>, vector<16xf32>,
      %parallel_loop3A_1494 = vector.shape_cast %parallel_loop3A_1493 : vector<16xf32> to vector<16xf32>
      %parallel_loop3A_1495 = arith.index_cast %parallel_loop3A_1412 : i32 to index
      %parallel_loop3A_1496 = tpu.vector_load %arg17[%parallel_loop3A_1495] {strides = array<i32>} : memref<176xf32, #tpu.memory_space<vmem>>, vector<16xf32>,
      %parallel_loop3A_1497 = vector.shape_cast %parallel_loop3A_1496 : vector<16xf32> to vector<16xf32>
      %parallel_loop3A_1498 = arith.index_cast %parallel_loop3A_1412 : i32 to index
      %parallel_loop3A_1499 = tpu.vector_load %arg18[%parallel_loop3A_1498] {strides = array<i32>} : memref<176xi32, #tpu.memory_space<vmem>>, vector<16xi32>,
      %parallel_loop3A_1500 = vector.shape_cast %parallel_loop3A_1499 : vector<16xi32> to vector<16xi32>
      %parallel_loop3A_1501 = arith.index_cast %parallel_loop3A_1412 : i32 to index
      %parallel_loop3A_1502 = tpu.vector_load %arg19[%parallel_loop3A_1501] {strides = array<i32>} : memref<176xf32, #tpu.memory_space<vmem>>, vector<16xf32>,
      %parallel_loop3A_1503 = vector.shape_cast %parallel_loop3A_1502 : vector<16xf32> to vector<16xf32>
      %parallel_loop3A_1504 = arith.constant 0.000000e+00 : f32
      %parallel_loop3A_1505 = vector.broadcast %parallel_loop3A_1504 : f32 to vector<16xf32>
      %parallel_loop3A_1506 = arith.subf %parallel_loop3A_1505, %parallel_loop3A_1471 : vector<16xf32>
      %parallel_loop3A_1507 = math.exp %parallel_loop3A_1506 : vector<16xf32>
      %parallel_loop3A_1508 = arith.constant 1.000000e+00 : f32
      %parallel_loop3A_1509 = vector.broadcast %parallel_loop3A_1508 : f32 to vector<16xf32>
      %parallel_loop3A_1510 = arith.addf %parallel_loop3A_1509, %parallel_loop3A_1507 : vector<16xf32>
      %parallel_loop3A_1511 = arith.constant 0.000000e+00 : f32
      %parallel_loop3A_1512 = vector.broadcast %parallel_loop3A_1511 : f32 to vector<16xf32>
      %parallel_loop3A_1513 = arith.subf %parallel_loop3A_1512, %parallel_loop3A_1476 : vector<16xf32>
      %parallel_loop3A_1514 = math.exp %parallel_loop3A_1513 : vector<16xf32>
      %parallel_loop3A_1515 = arith.constant 1.000000e+00 : f32
      %parallel_loop3A_1516 = vector.broadcast %parallel_loop3A_1515 : f32 to vector<16xf32>
      %parallel_loop3A_1517 = arith.addf %parallel_loop3A_1516, %parallel_loop3A_1514 : vector<16xf32>
      %parallel_loop3A_1518 = arith.constant 0.000000e+00 : f32
      %parallel_loop3A_1519 = vector.broadcast %parallel_loop3A_1518 : f32 to vector<16xf32>
      %parallel_loop3A_1520 = arith.subf %parallel_loop3A_1519, %parallel_loop3A_1491 : vector<16xf32>
      %parallel_loop3A_1521 = math.exp %parallel_loop3A_1520 : vector<16xf32>
      %parallel_loop3A_1522 = arith.constant 1.000000e+00 : f32
      %parallel_loop3A_1523 = vector.broadcast %parallel_loop3A_1522 : f32 to vector<16xf32>
      %parallel_loop3A_1524 = arith.addf %parallel_loop3A_1523, %parallel_loop3A_1521 : vector<16xf32>
      %parallel_loop3A_1525 = arith.mulf %parallel_loop3A_1510, %parallel_loop3A_1517 : vector<16xf32>
      %parallel_loop3A_1526 = math.exp %parallel_loop3A_1481 : vector<16xf32>
      %parallel_loop3A_1527 = arith.mulf %parallel_loop3A_1526, %parallel_loop3A_1451 : vector<16xf32>
      %parallel_loop3A_1528 = math.exp %parallel_loop3A_1486 : vector<16xf32>
      %parallel_loop3A_1529 = arith.mulf %parallel_loop3A_1528, %parallel_loop3A_1456 : vector<16xf32>
      %parallel_loop3A_1530 = arith.constant 1.000000e+00 : f32
      %parallel_loop3A_1531 = vector.broadcast %parallel_loop3A_1530 : f32 to vector<16xf32>
      %parallel_loop3A_1532 = arith.divf %parallel_loop3A_1531, %parallel_loop3A_1525 : vector<16xf32>
      %parallel_loop3A_1533 = arith.mulf %parallel_loop3A_1532, %parallel_loop3A_1517 : vector<16xf32>
      %parallel_loop3A_1534 = arith.mulf %parallel_loop3A_1532, %parallel_loop3A_1510 : vector<16xf32>
      %parallel_loop3A_1535 = arith.addf %parallel_loop3A_1533, %parallel_loop3A_1494 : vector<16xf32>
      %parallel_loop3A_1536 = arith.addf %parallel_loop3A_1534, %parallel_loop3A_1497 : vector<16xf32>
      %parallel_loop3A_1537 = arith.constant 5.000000e-01 : f32
      %parallel_loop3A_1538 = vector.broadcast %parallel_loop3A_1537 : f32 to vector<16xf32>
      %parallel_loop3A_1539 = arith.mulf %parallel_loop3A_1527, %parallel_loop3A_1538 : vector<16xf32>
      %parallel_loop3A_1540 = arith.subf %parallel_loop3A_1535, %parallel_loop3A_1539 : vector<16xf32>
      %parallel_loop3A_1541 = arith.minimumf %parallel_loop3A_1540, %sub3A_421 : vector<16xf32>
      %parallel_loop3A_1542 = arith.constant 5.000000e-01 : f32
      %parallel_loop3A_1543 = vector.broadcast %parallel_loop3A_1542 : f32 to vector<16xf32>
      %parallel_loop3A_1544 = arith.mulf %parallel_loop3A_1527, %parallel_loop3A_1543 : vector<16xf32>
      %parallel_loop3A_1545 = arith.addf %parallel_loop3A_1535, %parallel_loop3A_1544 : vector<16xf32>
      %parallel_loop3A_1546 = arith.maximumf %parallel_loop3A_1545, %add3A_425 : vector<16xf32>
      %parallel_loop3A_1547 = arith.constant 5.000000e-01 : f32
      %parallel_loop3A_1548 = vector.broadcast %parallel_loop3A_1547 : f32 to vector<16xf32>
      %parallel_loop3A_1549 = arith.mulf %parallel_loop3A_1529, %parallel_loop3A_1548 : vector<16xf32>
      %parallel_loop3A_1550 = arith.subf %parallel_loop3A_1536, %parallel_loop3A_1549 : vector<16xf32>
      %parallel_loop3A_1551 = arith.minimumf %parallel_loop3A_1550, %sub3A_429 : vector<16xf32>
      %parallel_loop3A_1552 = arith.constant 5.000000e-01 : f32
      %parallel_loop3A_1553 = vector.broadcast %parallel_loop3A_1552 : f32 to vector<16xf32>
      %parallel_loop3A_1554 = arith.mulf %parallel_loop3A_1529, %parallel_loop3A_1553 : vector<16xf32>
      %parallel_loop3A_1555 = arith.addf %parallel_loop3A_1536, %parallel_loop3A_1554 : vector<16xf32>
      %parallel_loop3A_1556 = arith.maximumf %parallel_loop3A_1555, %add3A_433 : vector<16xf32>
      %parallel_loop3A_1557 = arith.addf %parallel_loop3A_1527, %mul3A_408 : vector<16xf32>
      %parallel_loop3A_1558 = arith.subf %parallel_loop3A_1546, %parallel_loop3A_1541 : vector<16xf32>
      %parallel_loop3A_1559 = arith.subf %parallel_loop3A_1557, %parallel_loop3A_1558 : vector<16xf32>
      %parallel_loop3A_1560 = arith.addf %parallel_loop3A_1529, %mul3A_417 : vector<16xf32>
      %parallel_loop3A_1561 = arith.subf %parallel_loop3A_1556, %parallel_loop3A_1551 : vector<16xf32>
      %parallel_loop3A_1562 = arith.subf %parallel_loop3A_1560, %parallel_loop3A_1561 : vector<16xf32>
      %parallel_loop3A_1563 = arith.constant 0.000000e+00 : f32
      %parallel_loop3A_1564 = vector.broadcast %parallel_loop3A_1563 : f32 to vector<16xf32>
      %parallel_loop3A_1565 = arith.maximumf %parallel_loop3A_1559, %parallel_loop3A_1564 : vector<16xf32>
      %parallel_loop3A_1566 = arith.constant 0.000000e+00 : f32
      %parallel_loop3A_1567 = vector.broadcast %parallel_loop3A_1566 : f32 to vector<16xf32>
      %parallel_loop3A_1568 = arith.maximumf %parallel_loop3A_1562, %parallel_loop3A_1567 : vector<16xf32>
      %parallel_loop3A_1569 = arith.mulf %parallel_loop3A_1565, %parallel_loop3A_1568 : vector<16xf32>
      %parallel_loop3A_1570 = arith.mulf %parallel_loop3A_1527, %parallel_loop3A_1529 : vector<16xf32>
      %parallel_loop3A_1571 = arith.addf %parallel_loop3A_1570, %mul3A_434 : vector<16xf32>
      %parallel_loop3A_1572 = arith.subf %parallel_loop3A_1571, %parallel_loop3A_1569 : vector<16xf32>
      %parallel_loop3A_1573 = arith.mulf %parallel_loop3A_1524, %parallel_loop3A_1572 : vector<16xf32>
      %parallel_loop3A_1574 = arith.constant 1.000000e+00 : f32
      %parallel_loop3A_1575 = vector.broadcast %parallel_loop3A_1574 : f32 to vector<16xf32>
      %parallel_loop3A_1576 = arith.divf %parallel_loop3A_1575, %parallel_loop3A_1573 : vector<16xf32>
      %parallel_loop3A_1577 = arith.mulf %parallel_loop3A_1576, %parallel_loop3A_1572 : vector<16xf32>
      %parallel_loop3A_1578 = arith.mulf %parallel_loop3A_1576, %parallel_loop3A_1524 : vector<16xf32>
      %parallel_loop3A_1579 = arith.mulf %parallel_loop3A_1578, %parallel_loop3A_1569 : vector<16xf32>
      %parallel_loop3A_1580 = arith.constant 6.000000e-01 : f32
      %parallel_loop3A_1581 = vector.broadcast %parallel_loop3A_1580 : f32 to vector<16xf32>
      %parallel_loop3A_1582 = arith.cmpf ogt, %parallel_loop3A_1579, %parallel_loop3A_1581 : vector<16xf32>
      %parallel_loop3A_1583 = arith.constant 0.000000e+00 : f32
      %parallel_loop3A_1584 = vector.broadcast %parallel_loop3A_1583 : f32 to vector<16xf32>
      %parallel_loop3A_1585 = arith.select %parallel_loop3A_1582, %parallel_loop3A_1584, %parallel_loop3A_1503 : vector<16xi1>, vector<16xf32>
      %parallel_loop3A_1586 = arith.constant 5.000000e-01 : f32
      %parallel_loop3A_1587 = vector.broadcast %parallel_loop3A_1586 : f32 to vector<16xf32>
      %parallel_loop3A_1588 = arith.subf %parallel_loop3A_1533, %parallel_loop3A_1587 : vector<16xf32>
      %parallel_loop3A_1589 = arith.constant 5.000000e-01 : f32
      %parallel_loop3A_1590 = vector.broadcast %parallel_loop3A_1589 : f32 to vector<16xf32>
      %parallel_loop3A_1591 = arith.subf %parallel_loop3A_1534, %parallel_loop3A_1590 : vector<16xf32>
      %parallel_loop3A_1592 = arith.mulf %parallel_loop3A_1588, %parallel_loop3A_1588 : vector<16xf32>
      %parallel_loop3A_1593 = arith.mulf %parallel_loop3A_1591, %parallel_loop3A_1591 : vector<16xf32>
      %parallel_loop3A_1594 = arith.addf %parallel_loop3A_1592, %parallel_loop3A_1593 : vector<16xf32>
      %parallel_loop3A_1595 = arith.mulf %parallel_loop3A_1481, %parallel_loop3A_1481 : vector<16xf32>
      %parallel_loop3A_1596 = arith.addf %parallel_loop3A_1594, %parallel_loop3A_1595 : vector<16xf32>
      %parallel_loop3A_1597 = arith.mulf %parallel_loop3A_1486, %parallel_loop3A_1486 : vector<16xf32>
      %parallel_loop3A_1598 = arith.addf %parallel_loop3A_1596, %parallel_loop3A_1597 : vector<16xf32>
      %parallel_loop3A_1599 = arith.mulf %parallel_loop3A_1577, %parallel_loop3A_1577 : vector<16xf32>
      %parallel_loop3A_1600 = arith.mulf %parallel_loop3A_1599, %parallel_loop3A_1585 : vector<16xf32>
      %parallel_loop3A_1601 = arith.cmpi eq, %parallel_loop3A_1500, %add3A_820 : vector<16xi32>
      %parallel_loop3A_1602 = arith.constant 0.000000e+00 : f32
      %parallel_loop3A_1603 = vector.broadcast %parallel_loop3A_1602 : f32 to vector<16xf32>
      %parallel_loop3A_1604 = arith.select %parallel_loop3A_1601, %parallel_loop3A_1463, %parallel_loop3A_1603 : vector<16xi1>, vector<16xf32>
      %parallel_loop3A_1605 = arith.subf %parallel_loop3A_1533, %sub3A_814 : vector<16xf32>
      %parallel_loop3A_1606 = arith.subf %parallel_loop3A_1534, %sub3A_816 : vector<16xf32>
      %parallel_loop3A_1607 = arith.subf %parallel_loop3A_1481, %add3A_732 : vector<16xf32>
      %parallel_loop3A_1608 = arith.subf %parallel_loop3A_1486, %add3A_810 : vector<16xf32>
      %parallel_loop3A_1609 = arith.subf %parallel_loop3A_1577, %parallel_loop3A_1579 : vector<16xf32>
      %parallel_loop3A_1610 = arith.mulf %parallel_loop3A_1605, %parallel_loop3A_1605 : vector<16xf32>
      %parallel_loop3A_1611 = arith.mulf %parallel_loop3A_1606, %parallel_loop3A_1606 : vector<16xf32>
      %parallel_loop3A_1612 = arith.addf %parallel_loop3A_1610, %parallel_loop3A_1611 : vector<16xf32>
      %parallel_loop3A_1613 = arith.mulf %parallel_loop3A_1607, %parallel_loop3A_1607 : vector<16xf32>
      %parallel_loop3A_1614 = arith.addf %parallel_loop3A_1612, %parallel_loop3A_1613 : vector<16xf32>
      %parallel_loop3A_1615 = arith.mulf %parallel_loop3A_1608, %parallel_loop3A_1608 : vector<16xf32>
      %parallel_loop3A_1616 = arith.addf %parallel_loop3A_1614, %parallel_loop3A_1615 : vector<16xf32>
      %parallel_loop3A_1617 = arith.mulf %parallel_loop3A_1609, %parallel_loop3A_1609 : vector<16xf32>
      %parallel_loop3A_1618 = arith.constant 5.000000e+00 : f32
      %parallel_loop3A_1619 = vector.broadcast %parallel_loop3A_1618 : f32 to vector<16xf32>
      %parallel_loop3A_1620 = arith.mulf %parallel_loop3A_1619, %parallel_loop3A_1617 : vector<16xf32>
      %parallel_loop3A_1621 = arith.addf %parallel_loop3A_1616, %parallel_loop3A_1620 : vector<16xf32>
      %parallel_loop3A_1622 = arith.subf %parallel_loop3A_1621, %parallel_loop3A_1598 : vector<16xf32>
      %parallel_loop3A_1623 = arith.subf %parallel_loop3A_1622, %parallel_loop3A_1600 : vector<16xf32>
      %parallel_loop3A_1624 = arith.mulf %parallel_loop3A_1598, %parallel_loop3A_1503 : vector<16xf32>
      %parallel_loop3A_1625 = arith.addf %parallel_loop3A_1407, %parallel_loop3A_1624 : vector<16xf32>
      %parallel_loop3A_1626 = arith.addf %parallel_loop3A_1625, %parallel_loop3A_1600 : vector<16xf32>
      %parallel_loop3A_1627 = arith.mulf %parallel_loop3A_1604, %parallel_loop3A_1623 : vector<16xf32>
      %parallel_loop3A_1628 = arith.addf %parallel_loop3A_1626, %parallel_loop3A_1627 : vector<16xf32>
      scf.yield %parallel_loop3A_1628 : vector<16xf32>
    } {sc.loop_unroll_factor = 2 : i64, sc.parallel_access}
    %mul3A_830 = arith.constant 2 : i32
    %mul3A_831 = arith.muli %add3A, %mul3A_830 : i32
    %add3A_832 = arith.constant 1 : i32
    %add3A_833 = arith.addi %mul3A_831, %add3A_832 : i32
    %dma_wait3A_834 = tpu.memref_slice %arg3[%multiple_of3A_343] : memref<256xf32, #tpu.memory_space<hbm>> -> memref<16xf32, #tpu.memory_space<hbm>>
    %dma_wait3A_835 = tpu.memref_slice %arg3[%multiple_of3A_343] : memref<256xf32, #tpu.memory_space<hbm>> -> memref<16xf32, #tpu.memory_space<hbm>>
    tpu.wait_dma2 semaphore(%arg23 : memref<!tpu.dma_semaphore, #tpu.memory_space<semaphore_mem>>) src(%dma_wait3A_835 : memref<16xf32, #tpu.memory_space<hbm>>) dst(%arg10 : memref<16xf32, #tpu.memory_space<vmem>>)
    %get3A_836 = arith.constant 0 : index
    %get3A_837 = tpu.vector_load %arg10[%get3A_836] {strides = array<i32>} : memref<16xf32, #tpu.memory_space<vmem>>, vector<16xf32>,
    %get3A_838 = vector.shape_cast %get3A_837 : vector<16xf32> to vector<16xf32>
    %broadcast_in_dim3A_839 = vector.broadcast %sub3A_336 : i32 to vector<16xi32>
    %broadcast_in_dim3A_840 = vector.shape_cast %broadcast_in_dim3A_839 : vector<16xi32> to vector<16x1xi32>
    %gather3A_841 = vector.shape_cast %broadcast_in_dim3A_840 : vector<16x1xi32> to vector<16xi32>
    %gather3A_842 = tpu.dynamic_gather %get3A_838[%gather3A_841] in [0] : vector<16xf32>, vector<16xi32> -> vector<16xf32>
    %mul3A_843 = arith.constant 1.300000e+01 : f32
    %mul3A_844 = vector.broadcast %mul3A_843 : f32 to vector<16xf32>
    %mul3A_845 = arith.mulf %gather3A_842, %mul3A_844 : vector<16xf32>
    %add3A_846 = arith.constant 1 : i32
    %add3A_847 = arith.addi %sub3A_336, %add3A_846 : i32
    %broadcast_in_dim3A_848 = vector.broadcast %add3A_847 : i32 to vector<16xi32>
    %broadcast_in_dim3A_849 = vector.shape_cast %broadcast_in_dim3A_848 : vector<16xi32> to vector<16x1xi32>
    %gather3A_850 = vector.shape_cast %broadcast_in_dim3A_849 : vector<16x1xi32> to vector<16xi32>
    %gather3A_851 = tpu.dynamic_gather %get3A_838[%gather3A_850] in [0] : vector<16xf32>, vector<16xi32> -> vector<16xf32>
    %mul3A_852 = arith.constant 1.300000e+01 : f32
    %mul3A_853 = vector.broadcast %mul3A_852 : f32 to vector<16xf32>
    %mul3A_854 = arith.mulf %gather3A_851, %mul3A_853 : vector<16xf32>
    %add3A_855 = arith.constant 2 : i32
    %add3A_856 = arith.addi %sub3A_336, %add3A_855 : i32
    %broadcast_in_dim3A_857 = vector.broadcast %add3A_856 : i32 to vector<16xi32>
    %broadcast_in_dim3A_858 = vector.shape_cast %broadcast_in_dim3A_857 : vector<16xi32> to vector<16x1xi32>
    %gather3A_859 = vector.shape_cast %broadcast_in_dim3A_858 : vector<16x1xi32> to vector<16xi32>
    %gather3A_860 = tpu.dynamic_gather %get3A_838[%gather3A_859] in [0] : vector<16xf32>, vector<16xi32> -> vector<16xf32>
    %mul3A_861 = arith.constant 1.300000e+01 : f32
    %mul3A_862 = vector.broadcast %mul3A_861 : f32 to vector<16xf32>
    %mul3A_863 = arith.mulf %gather3A_860, %mul3A_862 : vector<16xf32>
    %add3A_864 = arith.constant 3 : i32
    %add3A_865 = arith.addi %sub3A_336, %add3A_864 : i32
    %broadcast_in_dim3A_866 = vector.broadcast %add3A_865 : i32 to vector<16xi32>
    %broadcast_in_dim3A_867 = vector.shape_cast %broadcast_in_dim3A_866 : vector<16xi32> to vector<16x1xi32>
    %gather3A_868 = vector.shape_cast %broadcast_in_dim3A_867 : vector<16x1xi32> to vector<16xi32>
    %gather3A_869 = tpu.dynamic_gather %get3A_838[%gather3A_868] in [0] : vector<16xf32>, vector<16xi32> -> vector<16xf32>
    %mul3A_870 = arith.constant 1.300000e+01 : f32
    %mul3A_871 = vector.broadcast %mul3A_870 : f32 to vector<16xf32>
    %mul3A_872 = arith.mulf %gather3A_869, %mul3A_871 : vector<16xf32>
    %mul3A_873 = arith.constant 5.000000e-01 : f32
    %mul3A_874 = vector.broadcast %mul3A_873 : f32 to vector<16xf32>
    %mul3A_875 = arith.mulf %mul3A_863, %mul3A_874 : vector<16xf32>
    %sub3A_876 = arith.subf %mul3A_845, %mul3A_875 : vector<16xf32>
    %mul3A_877 = arith.constant 5.000000e-01 : f32
    %mul3A_878 = vector.broadcast %mul3A_877 : f32 to vector<16xf32>
    %mul3A_879 = arith.mulf %mul3A_863, %mul3A_878 : vector<16xf32>
    %add3A_880 = arith.addf %mul3A_845, %mul3A_879 : vector<16xf32>
    %mul3A_881 = arith.constant 5.000000e-01 : f32
    %mul3A_882 = vector.broadcast %mul3A_881 : f32 to vector<16xf32>
    %mul3A_883 = arith.mulf %mul3A_872, %mul3A_882 : vector<16xf32>
    %sub3A_884 = arith.subf %mul3A_854, %mul3A_883 : vector<16xf32>
    %mul3A_885 = arith.constant 5.000000e-01 : f32
    %mul3A_886 = vector.broadcast %mul3A_885 : f32 to vector<16xf32>
    %mul3A_887 = arith.mulf %mul3A_872, %mul3A_886 : vector<16xf32>
    %add3A_888 = arith.addf %mul3A_854, %mul3A_887 : vector<16xf32>
    %mul3A_889 = arith.mulf %mul3A_863, %mul3A_872 : vector<16xf32>
    %broadcast_in_dim3A_890 = arith.constant 0 : i32
    %broadcast_in_dim3A_891 = vector.broadcast %broadcast_in_dim3A_890 : i32 to vector<16xi32>
    %max3A_892 = arith.constant 1.322100e+00 : f32
    %max3A_893 = vector.broadcast %max3A_892 : f32 to vector<16xf32>
    %max3A_894 = arith.maximumf %mul3A_863, %max3A_893 : vector<16xf32>
    %max3A_895 = arith.constant 1.731450e+00 : f32
    %max3A_896 = vector.broadcast %max3A_895 : f32 to vector<16xf32>
    %max3A_897 = arith.maximumf %mul3A_872, %max3A_896 : vector<16xf32>
    %add3A_898 = arith.constant 1.322100e+00 : f32
    %add3A_899 = vector.broadcast %add3A_898 : f32 to vector<16xf32>
    %add3A_900 = arith.addf %mul3A_863, %add3A_899 : vector<16xf32>
    %sub3A_901 = arith.subf %add3A_900, %max3A_894 : vector<16xf32>
    %add3A_902 = arith.constant 1.731450e+00 : f32
    %add3A_903 = vector.broadcast %add3A_902 : f32 to vector<16xf32>
    %add3A_904 = arith.addf %mul3A_872, %add3A_903 : vector<16xf32>
    %sub3A_905 = arith.subf %add3A_904, %max3A_897 : vector<16xf32>
    %max3A_906 = arith.constant 0.000000e+00 : f32
    %max3A_907 = vector.broadcast %max3A_906 : f32 to vector<16xf32>
    %max3A_908 = arith.maximumf %sub3A_901, %max3A_907 : vector<16xf32>
    %max3A_909 = arith.constant 0.000000e+00 : f32
    %max3A_910 = vector.broadcast %max3A_909 : f32 to vector<16xf32>
    %max3A_911 = arith.maximumf %sub3A_905, %max3A_910 : vector<16xf32>
    %mul3A_912 = arith.mulf %max3A_908, %max3A_911 : vector<16xf32>
    %add3A_913 = arith.constant 2.289150e+00 : f32
    %add3A_914 = vector.broadcast %add3A_913 : f32 to vector<16xf32>
    %add3A_915 = arith.addf %add3A_914, %mul3A_889 : vector<16xf32>
    %sub3A_916 = arith.subf %add3A_915, %mul3A_912 : vector<16xf32>
    %div3A_917 = arith.divf %mul3A_912, %sub3A_916 : vector<16xf32>
    %max3A_918 = arith.constant 3.192750e+00 : f32
    %max3A_919 = vector.broadcast %max3A_918 : f32 to vector<16xf32>
    %max3A_920 = arith.maximumf %mul3A_863, %max3A_919 : vector<16xf32>
    %max3A_921 = arith.constant 4.009440e+00 : f32
    %max3A_922 = vector.broadcast %max3A_921 : f32 to vector<16xf32>
    %max3A_923 = arith.maximumf %mul3A_872, %max3A_922 : vector<16xf32>
    %add3A_924 = arith.constant 3.192750e+00 : f32
    %add3A_925 = vector.broadcast %add3A_924 : f32 to vector<16xf32>
    %add3A_926 = arith.addf %mul3A_863, %add3A_925 : vector<16xf32>
    %sub3A_927 = arith.subf %add3A_926, %max3A_920 : vector<16xf32>
    %add3A_928 = arith.constant 4.009440e+00 : f32
    %add3A_929 = vector.broadcast %add3A_928 : f32 to vector<16xf32>
    %add3A_930 = arith.addf %mul3A_872, %add3A_929 : vector<16xf32>
    %sub3A_931 = arith.subf %add3A_930, %max3A_923 : vector<16xf32>
    %max3A_932 = arith.constant 0.000000e+00 : f32
    %max3A_933 = vector.broadcast %max3A_932 : f32 to vector<16xf32>
    %max3A_934 = arith.maximumf %sub3A_927, %max3A_933 : vector<16xf32>
    %max3A_935 = arith.constant 0.000000e+00 : f32
    %max3A_936 = vector.broadcast %max3A_935 : f32 to vector<16xf32>
    %max3A_937 = arith.maximumf %sub3A_931, %max3A_936 : vector<16xf32>
    %mul3A_938 = arith.mulf %max3A_934, %max3A_937 : vector<16xf32>
    %add3A_939 = arith.constant 12.8011398 : f32
    %add3A_940 = vector.broadcast %add3A_939 : f32 to vector<16xf32>
    %add3A_941 = arith.addf %add3A_940, %mul3A_889 : vector<16xf32>
    %sub3A_942 = arith.subf %add3A_941, %mul3A_938 : vector<16xf32>
    %div3A_943 = arith.divf %mul3A_938, %sub3A_942 : vector<16xf32>
    %gt3A_944 = arith.cmpf ogt, %div3A_943, %div3A_917 : vector<16xf32>
    %jit3A_945 = arith.constant 1 : i32
    %broadcast_in_dim3A_946 = vector.broadcast %jit3A_945 : i32 to vector<16xi32>
    %select_n3A_947 = arith.select %gt3A_944, %broadcast_in_dim3A_946, %broadcast_in_dim3A_891 : vector<16xi1>, vector<16xi32>
    %select_n3A_948 = arith.select %gt3A_944, %div3A_943, %div3A_917 : vector<16xi1>, vector<16xf32>
    %max3A_949 = arith.constant 5.055870e+00 : f32
    %max3A_950 = vector.broadcast %max3A_949 : f32 to vector<16xf32>
    %max3A_951 = arith.maximumf %mul3A_863, %max3A_950 : vector<16xf32>
    %max3A_952 = arith.constant 8.09891986 : f32
    %max3A_953 = vector.broadcast %max3A_952 : f32 to vector<16xf32>
    %max3A_954 = arith.maximumf %mul3A_872, %max3A_953 : vector<16xf32>
    %add3A_955 = arith.constant 5.055870e+00 : f32
    %add3A_956 = vector.broadcast %add3A_955 : f32 to vector<16xf32>
    %add3A_957 = arith.addf %mul3A_863, %add3A_956 : vector<16xf32>
    %sub3A_958 = arith.subf %add3A_957, %max3A_951 : vector<16xf32>
    %add3A_959 = arith.constant 8.09891986 : f32
    %add3A_960 = vector.broadcast %add3A_959 : f32 to vector<16xf32>
    %add3A_961 = arith.addf %mul3A_872, %add3A_960 : vector<16xf32>
    %sub3A_962 = arith.subf %add3A_961, %max3A_954 : vector<16xf32>
    %max3A_963 = arith.constant 0.000000e+00 : f32
    %max3A_964 = vector.broadcast %max3A_963 : f32 to vector<16xf32>
    %max3A_965 = arith.maximumf %sub3A_958, %max3A_964 : vector<16xf32>
    %max3A_966 = arith.constant 0.000000e+00 : f32
    %max3A_967 = vector.broadcast %max3A_966 : f32 to vector<16xf32>
    %max3A_968 = arith.maximumf %sub3A_962, %max3A_967 : vector<16xf32>
    %mul3A_969 = arith.mulf %max3A_965, %max3A_968 : vector<16xf32>
    %add3A_970 = arith.constant 40.9470863 : f32
    %add3A_971 = vector.broadcast %add3A_970 : f32 to vector<16xf32>
    %add3A_972 = arith.addf %add3A_971, %mul3A_889 : vector<16xf32>
    %sub3A_973 = arith.subf %add3A_972, %mul3A_969 : vector<16xf32>
    %div3A_974 = arith.divf %mul3A_969, %sub3A_973 : vector<16xf32>
    %gt3A_975 = arith.cmpf ogt, %div3A_974, %select_n3A_948 : vector<16xf32>
    %jit3A_976 = arith.constant 2 : i32
    %broadcast_in_dim3A_977 = vector.broadcast %jit3A_976 : i32 to vector<16xi32>
    %select_n3A_978 = arith.select %gt3A_975, %broadcast_in_dim3A_977, %select_n3A_947 : vector<16xi1>, vector<16xi32>
    %select_n3A_979 = arith.select %gt3A_975, %div3A_974, %select_n3A_948 : vector<16xi1>, vector<16xf32>
    %max3A_980 = arith.constant 9.47111988 : f32
    %max3A_981 = vector.broadcast %max3A_980 : f32 to vector<16xf32>
    %max3A_982 = arith.maximumf %mul3A_863, %max3A_981 : vector<16xf32>
    %max3A_983 = arith.constant 4.840530e+00 : f32
    %max3A_984 = vector.broadcast %max3A_983 : f32 to vector<16xf32>
    %max3A_985 = arith.maximumf %mul3A_872, %max3A_984 : vector<16xf32>
    %add3A_986 = arith.constant 9.47111988 : f32
    %add3A_987 = vector.broadcast %add3A_986 : f32 to vector<16xf32>
    %add3A_988 = arith.addf %mul3A_863, %add3A_987 : vector<16xf32>
    %sub3A_989 = arith.subf %add3A_988, %max3A_982 : vector<16xf32>
    %add3A_990 = arith.constant 4.840530e+00 : f32
    %add3A_991 = vector.broadcast %add3A_990 : f32 to vector<16xf32>
    %add3A_992 = arith.addf %mul3A_872, %add3A_991 : vector<16xf32>
    %sub3A_993 = arith.subf %add3A_992, %max3A_985 : vector<16xf32>
    %max3A_994 = arith.constant 0.000000e+00 : f32
    %max3A_995 = vector.broadcast %max3A_994 : f32 to vector<16xf32>
    %max3A_996 = arith.maximumf %sub3A_989, %max3A_995 : vector<16xf32>
    %max3A_997 = arith.constant 0.000000e+00 : f32
    %max3A_998 = vector.broadcast %max3A_997 : f32 to vector<16xf32>
    %max3A_999 = arith.maximumf %sub3A_993, %max3A_998 : vector<16xf32>
    %mul3A_1000 = arith.mulf %max3A_996, %max3A_999 : vector<16xf32>
    %add3A_1001 = arith.constant 45.8452415 : f32
    %add3A_1002 = vector.broadcast %add3A_1001 : f32 to vector<16xf32>
    %add3A_1003 = arith.addf %add3A_1002, %mul3A_889 : vector<16xf32>
    %sub3A_1004 = arith.subf %add3A_1003, %mul3A_1000 : vector<16xf32>
    %div3A_1005 = arith.divf %mul3A_1000, %sub3A_1004 : vector<16xf32>
    %gt3A_1006 = arith.cmpf ogt, %div3A_1005, %select_n3A_979 : vector<16xf32>
    %jit3A_1007 = arith.constant 3 : i32
    %broadcast_in_dim3A_1008 = vector.broadcast %jit3A_1007 : i32 to vector<16xi32>
    %select_n3A_1009 = arith.select %gt3A_1006, %broadcast_in_dim3A_1008, %select_n3A_978 : vector<16xi1>, vector<16xi32>
    %select_n3A_1010 = arith.select %gt3A_1006, %div3A_1005, %select_n3A_979 : vector<16xi1>, vector<16xf32>
    %max3A_1011 = arith.constant 1.123640e+01 : f32
    %max3A_1012 = vector.broadcast %max3A_1011 : f32 to vector<16xf32>
    %max3A_1013 = arith.maximumf %mul3A_863, %max3A_1012 : vector<16xf32>
    %max3A_1014 = arith.constant 1.000710e+01 : f32
    %max3A_1015 = vector.broadcast %max3A_1014 : f32 to vector<16xf32>
    %max3A_1016 = arith.maximumf %mul3A_872, %max3A_1015 : vector<16xf32>
    %add3A_1017 = arith.constant 1.123640e+01 : f32
    %add3A_1018 = vector.broadcast %add3A_1017 : f32 to vector<16xf32>
    %add3A_1019 = arith.addf %mul3A_863, %add3A_1018 : vector<16xf32>
    %sub3A_1020 = arith.subf %add3A_1019, %max3A_1013 : vector<16xf32>
    %add3A_1021 = arith.constant 1.000710e+01 : f32
    %add3A_1022 = vector.broadcast %add3A_1021 : f32 to vector<16xf32>
    %add3A_1023 = arith.addf %mul3A_872, %add3A_1022 : vector<16xf32>
    %sub3A_1024 = arith.subf %add3A_1023, %max3A_1016 : vector<16xf32>
    %max3A_1025 = arith.constant 0.000000e+00 : f32
    %max3A_1026 = vector.broadcast %max3A_1025 : f32 to vector<16xf32>
    %max3A_1027 = arith.maximumf %sub3A_1020, %max3A_1026 : vector<16xf32>
    %max3A_1028 = arith.constant 0.000000e+00 : f32
    %max3A_1029 = vector.broadcast %max3A_1028 : f32 to vector<16xf32>
    %max3A_1030 = arith.maximumf %sub3A_1024, %max3A_1029 : vector<16xf32>
    %mul3A_1031 = arith.mulf %max3A_1027, %max3A_1030 : vector<16xf32>
    %add3A_1032 = arith.constant 112.443779 : f32
    %add3A_1033 = vector.broadcast %add3A_1032 : f32 to vector<16xf32>
    %add3A_1034 = arith.addf %add3A_1033, %mul3A_889 : vector<16xf32>
    %sub3A_1035 = arith.subf %add3A_1034, %mul3A_1031 : vector<16xf32>
    %div3A_1036 = arith.divf %mul3A_1031, %sub3A_1035 : vector<16xf32>
    %gt3A_1037 = arith.cmpf ogt, %div3A_1036, %select_n3A_1010 : vector<16xf32>
    %jit3A_1038 = arith.constant 4 : i32
    %broadcast_in_dim3A_1039 = vector.broadcast %jit3A_1038 : i32 to vector<16xi32>
    %select_n3A_1040 = arith.select %gt3A_1037, %broadcast_in_dim3A_1039, %select_n3A_1009 : vector<16xi1>, vector<16xi32>
    %select_n3A_1041 = arith.select %gt3A_1037, %div3A_1036, %select_n3A_1010 : vector<16xi1>, vector<16xf32>
    %eq3A_1042 = arith.constant 0 : i32
    %eq3A_1043 = vector.broadcast %eq3A_1042 : i32 to vector<16xi32>
    %eq3A_1044 = arith.cmpi eq, %select_n3A_1040, %eq3A_1043 : vector<16xi32>
    %jit3A_1045 = arith.constant 1.322100e+00 : f32
    %jit3A_1046 = arith.constant 0.000000e+00 : f32
    %broadcast_in_dim3A_1047 = vector.broadcast %jit3A_1045 : f32 to vector<16xf32>
    %broadcast_in_dim3A_1048 = vector.broadcast %jit3A_1046 : f32 to vector<16xf32>
    %select_n3A_1049 = arith.select %eq3A_1044, %broadcast_in_dim3A_1047, %broadcast_in_dim3A_1048 : vector<16xi1>, vector<16xf32>
    %add3A_1050 = arith.addf %broadcast_in_dim3A_1, %select_n3A_1049 : vector<16xf32>
    %jit3A_1051 = arith.constant 1.731450e+00 : f32
    %jit3A_1052 = arith.constant 0.000000e+00 : f32
    %broadcast_in_dim3A_1053 = vector.broadcast %jit3A_1051 : f32 to vector<16xf32>
    %broadcast_in_dim3A_1054 = vector.broadcast %jit3A_1052 : f32 to vector<16xf32>
    %select_n3A_1055 = arith.select %eq3A_1044, %broadcast_in_dim3A_1053, %broadcast_in_dim3A_1054 : vector<16xi1>, vector<16xf32>
    %add3A_1056 = arith.addf %broadcast_in_dim3A_1, %select_n3A_1055 : vector<16xf32>
    %eq3A_1057 = arith.constant 1 : i32
    %eq3A_1058 = vector.broadcast %eq3A_1057 : i32 to vector<16xi32>
    %eq3A_1059 = arith.cmpi eq, %select_n3A_1040, %eq3A_1058 : vector<16xi32>
    %jit3A_1060 = arith.constant 3.192750e+00 : f32
    %jit3A_1061 = arith.constant 0.000000e+00 : f32
    %broadcast_in_dim3A_1062 = vector.broadcast %jit3A_1060 : f32 to vector<16xf32>
    %broadcast_in_dim3A_1063 = vector.broadcast %jit3A_1061 : f32 to vector<16xf32>
    %select_n3A_1064 = arith.select %eq3A_1059, %broadcast_in_dim3A_1062, %broadcast_in_dim3A_1063 : vector<16xi1>, vector<16xf32>
    %add3A_1065 = arith.addf %add3A_1050, %select_n3A_1064 : vector<16xf32>
    %jit3A_1066 = arith.constant 4.009440e+00 : f32
    %jit3A_1067 = arith.constant 0.000000e+00 : f32
    %broadcast_in_dim3A_1068 = vector.broadcast %jit3A_1066 : f32 to vector<16xf32>
    %broadcast_in_dim3A_1069 = vector.broadcast %jit3A_1067 : f32 to vector<16xf32>
    %select_n3A_1070 = arith.select %eq3A_1059, %broadcast_in_dim3A_1068, %broadcast_in_dim3A_1069 : vector<16xi1>, vector<16xf32>
    %add3A_1071 = arith.addf %add3A_1056, %select_n3A_1070 : vector<16xf32>
    %eq3A_1072 = arith.constant 2 : i32
    %eq3A_1073 = vector.broadcast %eq3A_1072 : i32 to vector<16xi32>
    %eq3A_1074 = arith.cmpi eq, %select_n3A_1040, %eq3A_1073 : vector<16xi32>
    %jit3A_1075 = arith.constant 5.055870e+00 : f32
    %jit3A_1076 = arith.constant 0.000000e+00 : f32
    %broadcast_in_dim3A_1077 = vector.broadcast %jit3A_1075 : f32 to vector<16xf32>
    %broadcast_in_dim3A_1078 = vector.broadcast %jit3A_1076 : f32 to vector<16xf32>
    %select_n3A_1079 = arith.select %eq3A_1074, %broadcast_in_dim3A_1077, %broadcast_in_dim3A_1078 : vector<16xi1>, vector<16xf32>
    %add3A_1080 = arith.addf %add3A_1065, %select_n3A_1079 : vector<16xf32>
    %jit3A_1081 = arith.constant 8.09891986 : f32
    %jit3A_1082 = arith.constant 0.000000e+00 : f32
    %broadcast_in_dim3A_1083 = vector.broadcast %jit3A_1081 : f32 to vector<16xf32>
    %broadcast_in_dim3A_1084 = vector.broadcast %jit3A_1082 : f32 to vector<16xf32>
    %select_n3A_1085 = arith.select %eq3A_1074, %broadcast_in_dim3A_1083, %broadcast_in_dim3A_1084 : vector<16xi1>, vector<16xf32>
    %add3A_1086 = arith.addf %add3A_1071, %select_n3A_1085 : vector<16xf32>
    %eq3A_1087 = arith.constant 3 : i32
    %eq3A_1088 = vector.broadcast %eq3A_1087 : i32 to vector<16xi32>
    %eq3A_1089 = arith.cmpi eq, %select_n3A_1040, %eq3A_1088 : vector<16xi32>
    %jit3A_1090 = arith.constant 9.47111988 : f32
    %jit3A_1091 = arith.constant 0.000000e+00 : f32
    %broadcast_in_dim3A_1092 = vector.broadcast %jit3A_1090 : f32 to vector<16xf32>
    %broadcast_in_dim3A_1093 = vector.broadcast %jit3A_1091 : f32 to vector<16xf32>
    %select_n3A_1094 = arith.select %eq3A_1089, %broadcast_in_dim3A_1092, %broadcast_in_dim3A_1093 : vector<16xi1>, vector<16xf32>
    %add3A_1095 = arith.addf %add3A_1080, %select_n3A_1094 : vector<16xf32>
    %jit3A_1096 = arith.constant 4.840530e+00 : f32
    %jit3A_1097 = arith.constant 0.000000e+00 : f32
    %broadcast_in_dim3A_1098 = vector.broadcast %jit3A_1096 : f32 to vector<16xf32>
    %broadcast_in_dim3A_1099 = vector.broadcast %jit3A_1097 : f32 to vector<16xf32>
    %select_n3A_1100 = arith.select %eq3A_1089, %broadcast_in_dim3A_1098, %broadcast_in_dim3A_1099 : vector<16xi1>, vector<16xf32>
    %add3A_1101 = arith.addf %add3A_1086, %select_n3A_1100 : vector<16xf32>
    %eq3A_1102 = arith.constant 4 : i32
    %eq3A_1103 = vector.broadcast %eq3A_1102 : i32 to vector<16xi32>
    %eq3A_1104 = arith.cmpi eq, %select_n3A_1040, %eq3A_1103 : vector<16xi32>
    %jit3A_1105 = arith.constant 1.123640e+01 : f32
    %jit3A_1106 = arith.constant 0.000000e+00 : f32
    %broadcast_in_dim3A_1107 = vector.broadcast %jit3A_1105 : f32 to vector<16xf32>
    %broadcast_in_dim3A_1108 = vector.broadcast %jit3A_1106 : f32 to vector<16xf32>
    %select_n3A_1109 = arith.select %eq3A_1104, %broadcast_in_dim3A_1107, %broadcast_in_dim3A_1108 : vector<16xi1>, vector<16xf32>
    %add3A_1110 = arith.addf %add3A_1095, %select_n3A_1109 : vector<16xf32>
    %jit3A_1111 = arith.constant 1.000710e+01 : f32
    %jit3A_1112 = arith.constant 0.000000e+00 : f32
    %broadcast_in_dim3A_1113 = vector.broadcast %jit3A_1111 : f32 to vector<16xf32>
    %broadcast_in_dim3A_1114 = vector.broadcast %jit3A_1112 : f32 to vector<16xf32>
    %select_n3A_1115 = arith.select %eq3A_1104, %broadcast_in_dim3A_1113, %broadcast_in_dim3A_1114 : vector<16xi1>, vector<16xf32>
    %add3A_1116 = arith.addf %add3A_1101, %select_n3A_1115 : vector<16xf32>
    %div3A_1117 = arith.divf %mul3A_863, %add3A_1110 : vector<16xf32>
    %bitcast_convert_type3A_1118 = tpu.bitcast %div3A_1117 : vector<16xf32> -> vector<16xi32>
    %shift_right_arithmetic3A_1119 = arith.constant 23 : i32
    %shift_right_arithmetic3A_1120 = vector.broadcast %shift_right_arithmetic3A_1119 : i32 to vector<16xi32>
    %shift_right_arithmetic3A_1121 = arith.shrsi %bitcast_convert_type3A_1118, %shift_right_arithmetic3A_1120 : vector<16xi32>
    %sub3A_1122 = arith.constant 127 : i32
    %sub3A_1123 = vector.broadcast %sub3A_1122 : i32 to vector<16xi32>
    %sub3A_1124 = arith.subi %shift_right_arithmetic3A_1121, %sub3A_1123 : vector<16xi32>
    %and3A_1125 = arith.constant 8388607 : i32
    %and3A_1126 = vector.broadcast %and3A_1125 : i32 to vector<16xi32>
    %and3A_1127 = arith.andi %bitcast_convert_type3A_1118, %and3A_1126 : vector<16xi32>
    %or3A_1128 = arith.constant 1065353216 : i32
    %or3A_1129 = vector.broadcast %or3A_1128 : i32 to vector<16xi32>
    %or3A_1130 = arith.ori %and3A_1127, %or3A_1129 : vector<16xi32>
    %bitcast_convert_type3A_1131 = tpu.bitcast %or3A_1130 : vector<16xi32> -> vector<16xf32>
    %gt3A_1132 = arith.constant 1.41421354 : f32
    %gt3A_1133 = vector.broadcast %gt3A_1132 : f32 to vector<16xf32>
    %gt3A_1134 = arith.cmpf ogt, %bitcast_convert_type3A_1131, %gt3A_1133 : vector<16xf32>
    %mul3A_1135 = arith.constant 5.000000e-01 : f32
    %mul3A_1136 = vector.broadcast %mul3A_1135 : f32 to vector<16xf32>
    %mul3A_1137 = arith.mulf %bitcast_convert_type3A_1131, %mul3A_1136 : vector<16xf32>
    %select_n3A_1138 = arith.select %gt3A_1134, %mul3A_1137, %bitcast_convert_type3A_1131 : vector<16xi1>, vector<16xf32>
    %jit3A_1139 = arith.constant 1 : i32
    %jit3A_1140 = arith.constant 0 : i32
    %broadcast_in_dim3A_1141 = vector.broadcast %jit3A_1139 : i32 to vector<16xi32>
    %broadcast_in_dim3A_1142 = vector.broadcast %jit3A_1140 : i32 to vector<16xi32>
    %select_n3A_1143 = arith.select %gt3A_1134, %broadcast_in_dim3A_1141, %broadcast_in_dim3A_1142 : vector<16xi1>, vector<16xi32>
    %add3A_1144 = arith.addi %sub3A_1124, %select_n3A_1143 : vector<16xi32>
    %sub3A_1145 = arith.constant 1.000000e+00 : f32
    %sub3A_1146 = vector.broadcast %sub3A_1145 : f32 to vector<16xf32>
    %sub3A_1147 = arith.subf %select_n3A_1138, %sub3A_1146 : vector<16xf32>
    %mul3A_1148 = arith.mulf %sub3A_1147, %sub3A_1147 : vector<16xf32>
    %broadcast_in_dim3A_1149 = arith.constant 0.0703768358 : f32
    %broadcast_in_dim3A_1150 = vector.broadcast %broadcast_in_dim3A_1149 : f32 to vector<16xf32>
    %mul3A_1151 = arith.mulf %broadcast_in_dim3A_1150, %sub3A_1147 : vector<16xf32>
    %add3A_1152 = arith.constant -0.115146101 : f32
    %add3A_1153 = vector.broadcast %add3A_1152 : f32 to vector<16xf32>
    %add3A_1154 = arith.addf %mul3A_1151, %add3A_1153 : vector<16xf32>
    %mul3A_1155 = arith.mulf %add3A_1154, %sub3A_1147 : vector<16xf32>
    %add3A_1156 = arith.constant 0.116769984 : f32
    %add3A_1157 = vector.broadcast %add3A_1156 : f32 to vector<16xf32>
    %add3A_1158 = arith.addf %mul3A_1155, %add3A_1157 : vector<16xf32>
    %mul3A_1159 = arith.mulf %add3A_1158, %sub3A_1147 : vector<16xf32>
    %add3A_1160 = arith.constant -0.12420141 : f32
    %add3A_1161 = vector.broadcast %add3A_1160 : f32 to vector<16xf32>
    %add3A_1162 = arith.addf %mul3A_1159, %add3A_1161 : vector<16xf32>
    %mul3A_1163 = arith.mulf %add3A_1162, %sub3A_1147 : vector<16xf32>
    %add3A_1164 = arith.constant 0.142493233 : f32
    %add3A_1165 = vector.broadcast %add3A_1164 : f32 to vector<16xf32>
    %add3A_1166 = arith.addf %mul3A_1163, %add3A_1165 : vector<16xf32>
    %mul3A_1167 = arith.mulf %add3A_1166, %sub3A_1147 : vector<16xf32>
    %add3A_1168 = arith.constant -0.166680574 : f32
    %add3A_1169 = vector.broadcast %add3A_1168 : f32 to vector<16xf32>
    %add3A_1170 = arith.addf %mul3A_1167, %add3A_1169 : vector<16xf32>
    %mul3A_1171 = arith.mulf %add3A_1170, %sub3A_1147 : vector<16xf32>
    %add3A_1172 = arith.constant 0.200007141 : f32
    %add3A_1173 = vector.broadcast %add3A_1172 : f32 to vector<16xf32>
    %add3A_1174 = arith.addf %mul3A_1171, %add3A_1173 : vector<16xf32>
    %mul3A_1175 = arith.mulf %add3A_1174, %sub3A_1147 : vector<16xf32>
    %add3A_1176 = arith.constant -0.24999994 : f32
    %add3A_1177 = vector.broadcast %add3A_1176 : f32 to vector<16xf32>
    %add3A_1178 = arith.addf %mul3A_1175, %add3A_1177 : vector<16xf32>
    %mul3A_1179 = arith.mulf %add3A_1178, %sub3A_1147 : vector<16xf32>
    %add3A_1180 = arith.constant 0.333333313 : f32
    %add3A_1181 = vector.broadcast %add3A_1180 : f32 to vector<16xf32>
    %add3A_1182 = arith.addf %mul3A_1179, %add3A_1181 : vector<16xf32>
    %mul3A_1183 = arith.mulf %sub3A_1147, %mul3A_1148 : vector<16xf32>
    %mul3A_1184 = arith.mulf %mul3A_1183, %add3A_1182 : vector<16xf32>
    %mul3A_1185 = arith.constant 5.000000e-01 : f32
    %mul3A_1186 = vector.broadcast %mul3A_1185 : f32 to vector<16xf32>
    %mul3A_1187 = arith.mulf %mul3A_1186, %mul3A_1148 : vector<16xf32>
    %sub3A_1188 = arith.subf %mul3A_1184, %mul3A_1187 : vector<16xf32>
    %add3A_1189 = arith.addf %sub3A_1147, %sub3A_1188 : vector<16xf32>
    %convert_element_type3A_1190 = arith.sitofp %add3A_1144 : vector<16xi32> to vector<16xf32>
    %mul3A_1191 = arith.constant 0.693147182 : f32
    %mul3A_1192 = vector.broadcast %mul3A_1191 : f32 to vector<16xf32>
    %mul3A_1193 = arith.mulf %convert_element_type3A_1190, %mul3A_1192 : vector<16xf32>
    %add3A_1194 = arith.addf %add3A_1189, %mul3A_1193 : vector<16xf32>
    %div3A_1195 = arith.divf %mul3A_872, %add3A_1116 : vector<16xf32>
    %bitcast_convert_type3A_1196 = tpu.bitcast %div3A_1195 : vector<16xf32> -> vector<16xi32>
    %shift_right_arithmetic3A_1197 = arith.constant 23 : i32
    %shift_right_arithmetic3A_1198 = vector.broadcast %shift_right_arithmetic3A_1197 : i32 to vector<16xi32>
    %shift_right_arithmetic3A_1199 = arith.shrsi %bitcast_convert_type3A_1196, %shift_right_arithmetic3A_1198 : vector<16xi32>
    %sub3A_1200 = arith.constant 127 : i32
    %sub3A_1201 = vector.broadcast %sub3A_1200 : i32 to vector<16xi32>
    %sub3A_1202 = arith.subi %shift_right_arithmetic3A_1199, %sub3A_1201 : vector<16xi32>
    %and3A_1203 = arith.constant 8388607 : i32
    %and3A_1204 = vector.broadcast %and3A_1203 : i32 to vector<16xi32>
    %and3A_1205 = arith.andi %bitcast_convert_type3A_1196, %and3A_1204 : vector<16xi32>
    %or3A_1206 = arith.constant 1065353216 : i32
    %or3A_1207 = vector.broadcast %or3A_1206 : i32 to vector<16xi32>
    %or3A_1208 = arith.ori %and3A_1205, %or3A_1207 : vector<16xi32>
    %bitcast_convert_type3A_1209 = tpu.bitcast %or3A_1208 : vector<16xi32> -> vector<16xf32>
    %gt3A_1210 = arith.constant 1.41421354 : f32
    %gt3A_1211 = vector.broadcast %gt3A_1210 : f32 to vector<16xf32>
    %gt3A_1212 = arith.cmpf ogt, %bitcast_convert_type3A_1209, %gt3A_1211 : vector<16xf32>
    %mul3A_1213 = arith.constant 5.000000e-01 : f32
    %mul3A_1214 = vector.broadcast %mul3A_1213 : f32 to vector<16xf32>
    %mul3A_1215 = arith.mulf %bitcast_convert_type3A_1209, %mul3A_1214 : vector<16xf32>
    %select_n3A_1216 = arith.select %gt3A_1212, %mul3A_1215, %bitcast_convert_type3A_1209 : vector<16xi1>, vector<16xf32>
    %jit3A_1217 = arith.constant 1 : i32
    %jit3A_1218 = arith.constant 0 : i32
    %broadcast_in_dim3A_1219 = vector.broadcast %jit3A_1217 : i32 to vector<16xi32>
    %broadcast_in_dim3A_1220 = vector.broadcast %jit3A_1218 : i32 to vector<16xi32>
    %select_n3A_1221 = arith.select %gt3A_1212, %broadcast_in_dim3A_1219, %broadcast_in_dim3A_1220 : vector<16xi1>, vector<16xi32>
    %add3A_1222 = arith.addi %sub3A_1202, %select_n3A_1221 : vector<16xi32>
    %sub3A_1223 = arith.constant 1.000000e+00 : f32
    %sub3A_1224 = vector.broadcast %sub3A_1223 : f32 to vector<16xf32>
    %sub3A_1225 = arith.subf %select_n3A_1216, %sub3A_1224 : vector<16xf32>
    %mul3A_1226 = arith.mulf %sub3A_1225, %sub3A_1225 : vector<16xf32>
    %broadcast_in_dim3A_1227 = arith.constant 0.0703768358 : f32
    %broadcast_in_dim3A_1228 = vector.broadcast %broadcast_in_dim3A_1227 : f32 to vector<16xf32>
    %mul3A_1229 = arith.mulf %broadcast_in_dim3A_1228, %sub3A_1225 : vector<16xf32>
    %add3A_1230 = arith.constant -0.115146101 : f32
    %add3A_1231 = vector.broadcast %add3A_1230 : f32 to vector<16xf32>
    %add3A_1232 = arith.addf %mul3A_1229, %add3A_1231 : vector<16xf32>
    %mul3A_1233 = arith.mulf %add3A_1232, %sub3A_1225 : vector<16xf32>
    %add3A_1234 = arith.constant 0.116769984 : f32
    %add3A_1235 = vector.broadcast %add3A_1234 : f32 to vector<16xf32>
    %add3A_1236 = arith.addf %mul3A_1233, %add3A_1235 : vector<16xf32>
    %mul3A_1237 = arith.mulf %add3A_1236, %sub3A_1225 : vector<16xf32>
    %add3A_1238 = arith.constant -0.12420141 : f32
    %add3A_1239 = vector.broadcast %add3A_1238 : f32 to vector<16xf32>
    %add3A_1240 = arith.addf %mul3A_1237, %add3A_1239 : vector<16xf32>
    %mul3A_1241 = arith.mulf %add3A_1240, %sub3A_1225 : vector<16xf32>
    %add3A_1242 = arith.constant 0.142493233 : f32
    %add3A_1243 = vector.broadcast %add3A_1242 : f32 to vector<16xf32>
    %add3A_1244 = arith.addf %mul3A_1241, %add3A_1243 : vector<16xf32>
    %mul3A_1245 = arith.mulf %add3A_1244, %sub3A_1225 : vector<16xf32>
    %add3A_1246 = arith.constant -0.166680574 : f32
    %add3A_1247 = vector.broadcast %add3A_1246 : f32 to vector<16xf32>
    %add3A_1248 = arith.addf %mul3A_1245, %add3A_1247 : vector<16xf32>
    %mul3A_1249 = arith.mulf %add3A_1248, %sub3A_1225 : vector<16xf32>
    %add3A_1250 = arith.constant 0.200007141 : f32
    %add3A_1251 = vector.broadcast %add3A_1250 : f32 to vector<16xf32>
    %add3A_1252 = arith.addf %mul3A_1249, %add3A_1251 : vector<16xf32>
    %mul3A_1253 = arith.mulf %add3A_1252, %sub3A_1225 : vector<16xf32>
    %add3A_1254 = arith.constant -0.24999994 : f32
    %add3A_1255 = vector.broadcast %add3A_1254 : f32 to vector<16xf32>
    %add3A_1256 = arith.addf %mul3A_1253, %add3A_1255 : vector<16xf32>
    %mul3A_1257 = arith.mulf %add3A_1256, %sub3A_1225 : vector<16xf32>
    %add3A_1258 = arith.constant 0.333333313 : f32
    %add3A_1259 = vector.broadcast %add3A_1258 : f32 to vector<16xf32>
    %add3A_1260 = arith.addf %mul3A_1257, %add3A_1259 : vector<16xf32>
    %mul3A_1261 = arith.mulf %sub3A_1225, %mul3A_1226 : vector<16xf32>
    %mul3A_1262 = arith.mulf %mul3A_1261, %add3A_1260 : vector<16xf32>
    %mul3A_1263 = arith.constant 5.000000e-01 : f32
    %mul3A_1264 = vector.broadcast %mul3A_1263 : f32 to vector<16xf32>
    %mul3A_1265 = arith.mulf %mul3A_1264, %mul3A_1226 : vector<16xf32>
    %sub3A_1266 = arith.subf %mul3A_1262, %mul3A_1265 : vector<16xf32>
    %add3A_1267 = arith.addf %sub3A_1225, %sub3A_1266 : vector<16xf32>
    %convert_element_type3A_1268 = arith.sitofp %add3A_1222 : vector<16xi32> to vector<16xf32>
    %mul3A_1269 = arith.constant 0.693147182 : f32
    %mul3A_1270 = vector.broadcast %mul3A_1269 : f32 to vector<16xf32>
    %mul3A_1271 = arith.mulf %convert_element_type3A_1268, %mul3A_1270 : vector<16xf32>
    %add3A_1272 = arith.addf %add3A_1267, %mul3A_1271 : vector<16xf32>
    %convert_element_type3A_1273 = arith.fptosi %mul3A_845 : vector<16xf32> to vector<16xi32>
    %convert_element_type3A_1274 = arith.fptosi %mul3A_854 : vector<16xf32> to vector<16xi32>
    %convert_element_type3A_1275 = arith.sitofp %convert_element_type3A_1273 : vector<16xi32> to vector<16xf32>
    %sub3A_1276 = arith.subf %mul3A_845, %convert_element_type3A_1275 : vector<16xf32>
    %convert_element_type3A_1277 = arith.sitofp %convert_element_type3A_1274 : vector<16xi32> to vector<16xf32>
    %sub3A_1278 = arith.subf %mul3A_854, %convert_element_type3A_1277 : vector<16xf32>
    %mul3A_1279 = arith.constant 13 : i32
    %mul3A_1280 = vector.broadcast %mul3A_1279 : i32 to vector<16xi32>
    %mul3A_1281 = arith.muli %convert_element_type3A_1274, %mul3A_1280 : vector<16xi32>
    %add3A_1282 = arith.addi %mul3A_1281, %convert_element_type3A_1273 : vector<16xi32>
    %dma_wait3A_1283 = arith.constant 0 : i32
    %dma_wait3A_1284 = tpu.memref_slice %arg2[%add3A_328, %dma_wait3A_1283] : memref<64x4225xf32, #tpu.memory_space<hbm>> -> memref<1x4225xf32, #tpu.memory_space<hbm>>
    %dma_wait3A_1285 = tpu.memref_squeeze %dma_wait3A_1284 : memref<1x4225xf32, #tpu.memory_space<hbm>> -> memref<4225xf32, #tpu.memory_space<hbm>>
    %dma_wait3A_1286 = arith.constant 0 : i32
    %dma_wait3A_1287 = tpu.memref_slice %arg2[%add3A_328, %dma_wait3A_1286] : memref<64x4225xf32, #tpu.memory_space<hbm>> -> memref<1x4225xf32, #tpu.memory_space<hbm>>
    %dma_wait3A_1288 = tpu.memref_squeeze %dma_wait3A_1287 : memref<1x4225xf32, #tpu.memory_space<hbm>> -> memref<4225xf32, #tpu.memory_space<hbm>>
    tpu.wait_dma2 semaphore(%arg21 : memref<!tpu.dma_semaphore, #tpu.memory_space<semaphore_mem>>) src(%dma_wait3A_1288 : memref<4225xf32, #tpu.memory_space<hbm>>) dst(%arg8 : memref<4225xf32, #tpu.memory_space<vmem>>)
    %parallel_loop3A_1289 = arith.constant 0 : i32
    %parallel_loop3A_1290 = arith.constant 880 : i32
    %parallel_loop3A_1291 = arith.constant 16 : i32
    %parallel_loop3A_1292 = scf.for %parallel_loop3A_1406 = %parallel_loop3A_1289 to %parallel_loop3A_1290 step %parallel_loop3A_1291 iter_args(%parallel_loop3A_1407 = %parallel_loop3A_829) -> (vector<16xf32>)  : i32 {
      %parallel_loop3A_1408 = arith.constant 176 : i32
      %parallel_loop3A_1409 = arith.divsi %parallel_loop3A_1406, %parallel_loop3A_1408 : i32
      %parallel_loop3A_1410 = arith.constant 176 : i32
      %parallel_loop3A_1411 = arith.muli %parallel_loop3A_1409, %parallel_loop3A_1410 : i32
      %parallel_loop3A_1412 = arith.subi %parallel_loop3A_1406, %parallel_loop3A_1411 : i32
      %parallel_loop3A_1413 = arith.constant 1.123640e+01 : f32
      %parallel_loop3A_1414 = vector.broadcast %parallel_loop3A_1413 : f32 to vector<16xf32>
      %parallel_loop3A_1415 = arith.constant 1.000710e+01 : f32
      %parallel_loop3A_1416 = vector.broadcast %parallel_loop3A_1415 : f32 to vector<16xf32>
      %parallel_loop3A_1417 = arith.constant 0 : i32
      %parallel_loop3A_1418 = arith.cmpi eq, %parallel_loop3A_1409, %parallel_loop3A_1417 : i32
      %parallel_loop3A_1419 = arith.constant 1.322100e+00 : f32
      %parallel_loop3A_1420 = vector.broadcast %parallel_loop3A_1419 : f32 to vector<16xf32>
      %parallel_loop3A_1421 = arith.select %parallel_loop3A_1418, %parallel_loop3A_1420, %parallel_loop3A_1414 : vector<16xf32>
      %parallel_loop3A_1422 = arith.constant 0 : i32
      %parallel_loop3A_1423 = arith.cmpi eq, %parallel_loop3A_1409, %parallel_loop3A_1422 : i32
      %parallel_loop3A_1424 = arith.constant 1.731450e+00 : f32
      %parallel_loop3A_1425 = vector.broadcast %parallel_loop3A_1424 : f32 to vector<16xf32>
      %parallel_loop3A_1426 = arith.select %parallel_loop3A_1423, %parallel_loop3A_1425, %parallel_loop3A_1416 : vector<16xf32>
      %parallel_loop3A_1427 = arith.constant 1 : i32
      %parallel_loop3A_1428 = arith.cmpi eq, %parallel_loop3A_1409, %parallel_loop3A_1427 : i32
      %parallel_loop3A_1429 = arith.constant 3.192750e+00 : f32
      %parallel_loop3A_1430 = vector.broadcast %parallel_loop3A_1429 : f32 to vector<16xf32>
      %parallel_loop3A_1431 = arith.select %parallel_loop3A_1428, %parallel_loop3A_1430, %parallel_loop3A_1421 : vector<16xf32>
      %parallel_loop3A_1432 = arith.constant 1 : i32
      %parallel_loop3A_1433 = arith.cmpi eq, %parallel_loop3A_1409, %parallel_loop3A_1432 : i32
      %parallel_loop3A_1434 = arith.constant 4.009440e+00 : f32
      %parallel_loop3A_1435 = vector.broadcast %parallel_loop3A_1434 : f32 to vector<16xf32>
      %parallel_loop3A_1436 = arith.select %parallel_loop3A_1433, %parallel_loop3A_1435, %parallel_loop3A_1426 : vector<16xf32>
      %parallel_loop3A_1437 = arith.constant 2 : i32
      %parallel_loop3A_1438 = arith.cmpi eq, %parallel_loop3A_1409, %parallel_loop3A_1437 : i32
      %parallel_loop3A_1439 = arith.constant 5.055870e+00 : f32
      %parallel_loop3A_1440 = vector.broadcast %parallel_loop3A_1439 : f32 to vector<16xf32>
      %parallel_loop3A_1441 = arith.select %parallel_loop3A_1438, %parallel_loop3A_1440, %parallel_loop3A_1431 : vector<16xf32>
      %parallel_loop3A_1442 = arith.constant 2 : i32
      %parallel_loop3A_1443 = arith.cmpi eq, %parallel_loop3A_1409, %parallel_loop3A_1442 : i32
      %parallel_loop3A_1444 = arith.constant 8.09891986 : f32
      %parallel_loop3A_1445 = vector.broadcast %parallel_loop3A_1444 : f32 to vector<16xf32>
      %parallel_loop3A_1446 = arith.select %parallel_loop3A_1443, %parallel_loop3A_1445, %parallel_loop3A_1436 : vector<16xf32>
      %parallel_loop3A_1447 = arith.constant 3 : i32
      %parallel_loop3A_1448 = arith.cmpi eq, %parallel_loop3A_1409, %parallel_loop3A_1447 : i32
      %parallel_loop3A_1449 = arith.constant 9.47111988 : f32
      %parallel_loop3A_1450 = vector.broadcast %parallel_loop3A_1449 : f32 to vector<16xf32>
      %parallel_loop3A_1451 = arith.select %parallel_loop3A_1448, %parallel_loop3A_1450, %parallel_loop3A_1441 : vector<16xf32>
      %parallel_loop3A_1452 = arith.constant 3 : i32
      %parallel_loop3A_1453 = arith.cmpi eq, %parallel_loop3A_1409, %parallel_loop3A_1452 : i32
      %parallel_loop3A_1454 = arith.constant 4.840530e+00 : f32
      %parallel_loop3A_1455 = vector.broadcast %parallel_loop3A_1454 : f32 to vector<16xf32>
      %parallel_loop3A_1456 = arith.select %parallel_loop3A_1453, %parallel_loop3A_1455, %parallel_loop3A_1446 : vector<16xf32>
      %parallel_loop3A_1457 = vector.broadcast %parallel_loop3A_1409 : i32 to vector<16xi32>
      %parallel_loop3A_1458 = arith.cmpi eq, %select_n3A_1040, %parallel_loop3A_1457 : vector<16xi32>
      %parallel_loop3A_1459 = arith.constant 1.000000e+00 : f32
      %parallel_loop3A_1460 = arith.constant 0.000000e+00 : f32
      %parallel_loop3A_1461 = vector.broadcast %parallel_loop3A_1459 : f32 to vector<16xf32>
      %parallel_loop3A_1462 = vector.broadcast %parallel_loop3A_1460 : f32 to vector<16xf32>
      %parallel_loop3A_1463 = arith.select %parallel_loop3A_1458, %parallel_loop3A_1461, %parallel_loop3A_1462 : vector<16xi1>, vector<16xf32>
      %parallel_loop3A_1464 = arith.constant 153 : i32
      %parallel_loop3A_1465 = arith.minsi %parallel_loop3A_1412, %parallel_loop3A_1464 : i32
      %parallel_loop3A_1466 = arith.constant 845 : i32
      %parallel_loop3A_1467 = arith.muli %parallel_loop3A_1409, %parallel_loop3A_1466 : i32
      %parallel_loop3A_1468 = arith.addi %parallel_loop3A_1465, %parallel_loop3A_1467 : i32
      %parallel_loop3A_1469 = arith.index_cast %parallel_loop3A_1468 : i32 to index
      %parallel_loop3A_1470 = tpu.vector_load %arg8[%parallel_loop3A_1469] {strides = array<i32>} : memref<4225xf32, #tpu.memory_space<vmem>>, vector<16xf32>,
      %parallel_loop3A_1471 = vector.shape_cast %parallel_loop3A_1470 : vector<16xf32> to vector<16xf32>
      %parallel_loop3A_1472 = arith.constant 169 : i32
      %parallel_loop3A_1473 = arith.addi %parallel_loop3A_1468, %parallel_loop3A_1472 : i32
      %parallel_loop3A_1474 = arith.index_cast %parallel_loop3A_1473 : i32 to index
      %parallel_loop3A_1475 = tpu.vector_load %arg8[%parallel_loop3A_1474] {strides = array<i32>} : memref<4225xf32, #tpu.memory_space<vmem>>, vector<16xf32>,
      %parallel_loop3A_1476 = vector.shape_cast %parallel_loop3A_1475 : vector<16xf32> to vector<16xf32>
      %parallel_loop3A_1477 = arith.constant 338 : i32
      %parallel_loop3A_1478 = arith.addi %parallel_loop3A_1468, %parallel_loop3A_1477 : i32
      %parallel_loop3A_1479 = arith.index_cast %parallel_loop3A_1478 : i32 to index
      %parallel_loop3A_1480 = tpu.vector_load %arg8[%parallel_loop3A_1479] {strides = array<i32>} : memref<4225xf32, #tpu.memory_space<vmem>>, vector<16xf32>,
      %parallel_loop3A_1481 = vector.shape_cast %parallel_loop3A_1480 : vector<16xf32> to vector<16xf32>
      %parallel_loop3A_1482 = arith.constant 507 : i32
      %parallel_loop3A_1483 = arith.addi %parallel_loop3A_1468, %parallel_loop3A_1482 : i32
      %parallel_loop3A_1484 = arith.index_cast %parallel_loop3A_1483 : i32 to index
      %parallel_loop3A_1485 = tpu.vector_load %arg8[%parallel_loop3A_1484] {strides = array<i32>} : memref<4225xf32, #tpu.memory_space<vmem>>, vector<16xf32>,
      %parallel_loop3A_1486 = vector.shape_cast %parallel_loop3A_1485 : vector<16xf32> to vector<16xf32>
      %parallel_loop3A_1487 = arith.constant 676 : i32
      %parallel_loop3A_1488 = arith.addi %parallel_loop3A_1468, %parallel_loop3A_1487 : i32
      %parallel_loop3A_1489 = arith.index_cast %parallel_loop3A_1488 : i32 to index
      %parallel_loop3A_1490 = tpu.vector_load %arg8[%parallel_loop3A_1489] {strides = array<i32>} : memref<4225xf32, #tpu.memory_space<vmem>>, vector<16xf32>,
      %parallel_loop3A_1491 = vector.shape_cast %parallel_loop3A_1490 : vector<16xf32> to vector<16xf32>
      %parallel_loop3A_1492 = arith.index_cast %parallel_loop3A_1412 : i32 to index
      %parallel_loop3A_1493 = tpu.vector_load %arg16[%parallel_loop3A_1492] {strides = array<i32>} : memref<176xf32, #tpu.memory_space<vmem>>, vector<16xf32>,
      %parallel_loop3A_1494 = vector.shape_cast %parallel_loop3A_1493 : vector<16xf32> to vector<16xf32>
      %parallel_loop3A_1495 = arith.index_cast %parallel_loop3A_1412 : i32 to index
      %parallel_loop3A_1496 = tpu.vector_load %arg17[%parallel_loop3A_1495] {strides = array<i32>} : memref<176xf32, #tpu.memory_space<vmem>>, vector<16xf32>,
      %parallel_loop3A_1497 = vector.shape_cast %parallel_loop3A_1496 : vector<16xf32> to vector<16xf32>
      %parallel_loop3A_1498 = arith.index_cast %parallel_loop3A_1412 : i32 to index
      %parallel_loop3A_1499 = tpu.vector_load %arg18[%parallel_loop3A_1498] {strides = array<i32>} : memref<176xi32, #tpu.memory_space<vmem>>, vector<16xi32>,
      %parallel_loop3A_1500 = vector.shape_cast %parallel_loop3A_1499 : vector<16xi32> to vector<16xi32>
      %parallel_loop3A_1501 = arith.index_cast %parallel_loop3A_1412 : i32 to index
      %parallel_loop3A_1502 = tpu.vector_load %arg19[%parallel_loop3A_1501] {strides = array<i32>} : memref<176xf32, #tpu.memory_space<vmem>>, vector<16xf32>,
      %parallel_loop3A_1503 = vector.shape_cast %parallel_loop3A_1502 : vector<16xf32> to vector<16xf32>
      %parallel_loop3A_1504 = arith.constant 0.000000e+00 : f32
      %parallel_loop3A_1505 = vector.broadcast %parallel_loop3A_1504 : f32 to vector<16xf32>
      %parallel_loop3A_1506 = arith.subf %parallel_loop3A_1505, %parallel_loop3A_1471 : vector<16xf32>
      %parallel_loop3A_1507 = math.exp %parallel_loop3A_1506 : vector<16xf32>
      %parallel_loop3A_1508 = arith.constant 1.000000e+00 : f32
      %parallel_loop3A_1509 = vector.broadcast %parallel_loop3A_1508 : f32 to vector<16xf32>
      %parallel_loop3A_1510 = arith.addf %parallel_loop3A_1509, %parallel_loop3A_1507 : vector<16xf32>
      %parallel_loop3A_1511 = arith.constant 0.000000e+00 : f32
      %parallel_loop3A_1512 = vector.broadcast %parallel_loop3A_1511 : f32 to vector<16xf32>
      %parallel_loop3A_1513 = arith.subf %parallel_loop3A_1512, %parallel_loop3A_1476 : vector<16xf32>
      %parallel_loop3A_1514 = math.exp %parallel_loop3A_1513 : vector<16xf32>
      %parallel_loop3A_1515 = arith.constant 1.000000e+00 : f32
      %parallel_loop3A_1516 = vector.broadcast %parallel_loop3A_1515 : f32 to vector<16xf32>
      %parallel_loop3A_1517 = arith.addf %parallel_loop3A_1516, %parallel_loop3A_1514 : vector<16xf32>
      %parallel_loop3A_1518 = arith.constant 0.000000e+00 : f32
      %parallel_loop3A_1519 = vector.broadcast %parallel_loop3A_1518 : f32 to vector<16xf32>
      %parallel_loop3A_1520 = arith.subf %parallel_loop3A_1519, %parallel_loop3A_1491 : vector<16xf32>
      %parallel_loop3A_1521 = math.exp %parallel_loop3A_1520 : vector<16xf32>
      %parallel_loop3A_1522 = arith.constant 1.000000e+00 : f32
      %parallel_loop3A_1523 = vector.broadcast %parallel_loop3A_1522 : f32 to vector<16xf32>
      %parallel_loop3A_1524 = arith.addf %parallel_loop3A_1523, %parallel_loop3A_1521 : vector<16xf32>
      %parallel_loop3A_1525 = arith.mulf %parallel_loop3A_1510, %parallel_loop3A_1517 : vector<16xf32>
      %parallel_loop3A_1526 = math.exp %parallel_loop3A_1481 : vector<16xf32>
      %parallel_loop3A_1527 = arith.mulf %parallel_loop3A_1526, %parallel_loop3A_1451 : vector<16xf32>
      %parallel_loop3A_1528 = math.exp %parallel_loop3A_1486 : vector<16xf32>
      %parallel_loop3A_1529 = arith.mulf %parallel_loop3A_1528, %parallel_loop3A_1456 : vector<16xf32>
      %parallel_loop3A_1530 = arith.constant 1.000000e+00 : f32
      %parallel_loop3A_1531 = vector.broadcast %parallel_loop3A_1530 : f32 to vector<16xf32>
      %parallel_loop3A_1532 = arith.divf %parallel_loop3A_1531, %parallel_loop3A_1525 : vector<16xf32>
      %parallel_loop3A_1533 = arith.mulf %parallel_loop3A_1532, %parallel_loop3A_1517 : vector<16xf32>
      %parallel_loop3A_1534 = arith.mulf %parallel_loop3A_1532, %parallel_loop3A_1510 : vector<16xf32>
      %parallel_loop3A_1535 = arith.addf %parallel_loop3A_1533, %parallel_loop3A_1494 : vector<16xf32>
      %parallel_loop3A_1536 = arith.addf %parallel_loop3A_1534, %parallel_loop3A_1497 : vector<16xf32>
      %parallel_loop3A_1537 = arith.constant 5.000000e-01 : f32
      %parallel_loop3A_1538 = vector.broadcast %parallel_loop3A_1537 : f32 to vector<16xf32>
      %parallel_loop3A_1539 = arith.mulf %parallel_loop3A_1527, %parallel_loop3A_1538 : vector<16xf32>
      %parallel_loop3A_1540 = arith.subf %parallel_loop3A_1535, %parallel_loop3A_1539 : vector<16xf32>
      %parallel_loop3A_1541 = arith.minimumf %parallel_loop3A_1540, %sub3A_876 : vector<16xf32>
      %parallel_loop3A_1542 = arith.constant 5.000000e-01 : f32
      %parallel_loop3A_1543 = vector.broadcast %parallel_loop3A_1542 : f32 to vector<16xf32>
      %parallel_loop3A_1544 = arith.mulf %parallel_loop3A_1527, %parallel_loop3A_1543 : vector<16xf32>
      %parallel_loop3A_1545 = arith.addf %parallel_loop3A_1535, %parallel_loop3A_1544 : vector<16xf32>
      %parallel_loop3A_1546 = arith.maximumf %parallel_loop3A_1545, %add3A_880 : vector<16xf32>
      %parallel_loop3A_1547 = arith.constant 5.000000e-01 : f32
      %parallel_loop3A_1548 = vector.broadcast %parallel_loop3A_1547 : f32 to vector<16xf32>
      %parallel_loop3A_1549 = arith.mulf %parallel_loop3A_1529, %parallel_loop3A_1548 : vector<16xf32>
      %parallel_loop3A_1550 = arith.subf %parallel_loop3A_1536, %parallel_loop3A_1549 : vector<16xf32>
      %parallel_loop3A_1551 = arith.minimumf %parallel_loop3A_1550, %sub3A_884 : vector<16xf32>
      %parallel_loop3A_1552 = arith.constant 5.000000e-01 : f32
      %parallel_loop3A_1553 = vector.broadcast %parallel_loop3A_1552 : f32 to vector<16xf32>
      %parallel_loop3A_1554 = arith.mulf %parallel_loop3A_1529, %parallel_loop3A_1553 : vector<16xf32>
      %parallel_loop3A_1555 = arith.addf %parallel_loop3A_1536, %parallel_loop3A_1554 : vector<16xf32>
      %parallel_loop3A_1556 = arith.maximumf %parallel_loop3A_1555, %add3A_888 : vector<16xf32>
      %parallel_loop3A_1557 = arith.addf %parallel_loop3A_1527, %mul3A_863 : vector<16xf32>
      %parallel_loop3A_1558 = arith.subf %parallel_loop3A_1546, %parallel_loop3A_1541 : vector<16xf32>
      %parallel_loop3A_1559 = arith.subf %parallel_loop3A_1557, %parallel_loop3A_1558 : vector<16xf32>
      %parallel_loop3A_1560 = arith.addf %parallel_loop3A_1529, %mul3A_872 : vector<16xf32>
      %parallel_loop3A_1561 = arith.subf %parallel_loop3A_1556, %parallel_loop3A_1551 : vector<16xf32>
      %parallel_loop3A_1562 = arith.subf %parallel_loop3A_1560, %parallel_loop3A_1561 : vector<16xf32>
      %parallel_loop3A_1563 = arith.constant 0.000000e+00 : f32
      %parallel_loop3A_1564 = vector.broadcast %parallel_loop3A_1563 : f32 to vector<16xf32>
      %parallel_loop3A_1565 = arith.maximumf %parallel_loop3A_1559, %parallel_loop3A_1564 : vector<16xf32>
      %parallel_loop3A_1566 = arith.constant 0.000000e+00 : f32
      %parallel_loop3A_1567 = vector.broadcast %parallel_loop3A_1566 : f32 to vector<16xf32>
      %parallel_loop3A_1568 = arith.maximumf %parallel_loop3A_1562, %parallel_loop3A_1567 : vector<16xf32>
      %parallel_loop3A_1569 = arith.mulf %parallel_loop3A_1565, %parallel_loop3A_1568 : vector<16xf32>
      %parallel_loop3A_1570 = arith.mulf %parallel_loop3A_1527, %parallel_loop3A_1529 : vector<16xf32>
      %parallel_loop3A_1571 = arith.addf %parallel_loop3A_1570, %mul3A_889 : vector<16xf32>
      %parallel_loop3A_1572 = arith.subf %parallel_loop3A_1571, %parallel_loop3A_1569 : vector<16xf32>
      %parallel_loop3A_1573 = arith.mulf %parallel_loop3A_1524, %parallel_loop3A_1572 : vector<16xf32>
      %parallel_loop3A_1574 = arith.constant 1.000000e+00 : f32
      %parallel_loop3A_1575 = vector.broadcast %parallel_loop3A_1574 : f32 to vector<16xf32>
      %parallel_loop3A_1576 = arith.divf %parallel_loop3A_1575, %parallel_loop3A_1573 : vector<16xf32>
      %parallel_loop3A_1577 = arith.mulf %parallel_loop3A_1576, %parallel_loop3A_1572 : vector<16xf32>
      %parallel_loop3A_1578 = arith.mulf %parallel_loop3A_1576, %parallel_loop3A_1524 : vector<16xf32>
      %parallel_loop3A_1579 = arith.mulf %parallel_loop3A_1578, %parallel_loop3A_1569 : vector<16xf32>
      %parallel_loop3A_1580 = arith.constant 6.000000e-01 : f32
      %parallel_loop3A_1581 = vector.broadcast %parallel_loop3A_1580 : f32 to vector<16xf32>
      %parallel_loop3A_1582 = arith.cmpf ogt, %parallel_loop3A_1579, %parallel_loop3A_1581 : vector<16xf32>
      %parallel_loop3A_1583 = arith.constant 0.000000e+00 : f32
      %parallel_loop3A_1584 = vector.broadcast %parallel_loop3A_1583 : f32 to vector<16xf32>
      %parallel_loop3A_1585 = arith.select %parallel_loop3A_1582, %parallel_loop3A_1584, %parallel_loop3A_1503 : vector<16xi1>, vector<16xf32>
      %parallel_loop3A_1586 = arith.constant 5.000000e-01 : f32
      %parallel_loop3A_1587 = vector.broadcast %parallel_loop3A_1586 : f32 to vector<16xf32>
      %parallel_loop3A_1588 = arith.subf %parallel_loop3A_1533, %parallel_loop3A_1587 : vector<16xf32>
      %parallel_loop3A_1589 = arith.constant 5.000000e-01 : f32
      %parallel_loop3A_1590 = vector.broadcast %parallel_loop3A_1589 : f32 to vector<16xf32>
      %parallel_loop3A_1591 = arith.subf %parallel_loop3A_1534, %parallel_loop3A_1590 : vector<16xf32>
      %parallel_loop3A_1592 = arith.mulf %parallel_loop3A_1588, %parallel_loop3A_1588 : vector<16xf32>
      %parallel_loop3A_1593 = arith.mulf %parallel_loop3A_1591, %parallel_loop3A_1591 : vector<16xf32>
      %parallel_loop3A_1594 = arith.addf %parallel_loop3A_1592, %parallel_loop3A_1593 : vector<16xf32>
      %parallel_loop3A_1595 = arith.mulf %parallel_loop3A_1481, %parallel_loop3A_1481 : vector<16xf32>
      %parallel_loop3A_1596 = arith.addf %parallel_loop3A_1594, %parallel_loop3A_1595 : vector<16xf32>
      %parallel_loop3A_1597 = arith.mulf %parallel_loop3A_1486, %parallel_loop3A_1486 : vector<16xf32>
      %parallel_loop3A_1598 = arith.addf %parallel_loop3A_1596, %parallel_loop3A_1597 : vector<16xf32>
      %parallel_loop3A_1599 = arith.mulf %parallel_loop3A_1577, %parallel_loop3A_1577 : vector<16xf32>
      %parallel_loop3A_1600 = arith.mulf %parallel_loop3A_1599, %parallel_loop3A_1585 : vector<16xf32>
      %parallel_loop3A_1601 = arith.cmpi eq, %parallel_loop3A_1500, %add3A_1282 : vector<16xi32>
      %parallel_loop3A_1602 = arith.constant 0.000000e+00 : f32
      %parallel_loop3A_1603 = vector.broadcast %parallel_loop3A_1602 : f32 to vector<16xf32>
      %parallel_loop3A_1604 = arith.select %parallel_loop3A_1601, %parallel_loop3A_1463, %parallel_loop3A_1603 : vector<16xi1>, vector<16xf32>
      %parallel_loop3A_1605 = arith.subf %parallel_loop3A_1533, %sub3A_1276 : vector<16xf32>
      %parallel_loop3A_1606 = arith.subf %parallel_loop3A_1534, %sub3A_1278 : vector<16xf32>
      %parallel_loop3A_1607 = arith.subf %parallel_loop3A_1481, %add3A_1194 : vector<16xf32>
      %parallel_loop3A_1608 = arith.subf %parallel_loop3A_1486, %add3A_1272 : vector<16xf32>
      %parallel_loop3A_1609 = arith.subf %parallel_loop3A_1577, %parallel_loop3A_1579 : vector<16xf32>
      %parallel_loop3A_1610 = arith.mulf %parallel_loop3A_1605, %parallel_loop3A_1605 : vector<16xf32>
      %parallel_loop3A_1611 = arith.mulf %parallel_loop3A_1606, %parallel_loop3A_1606 : vector<16xf32>
      %parallel_loop3A_1612 = arith.addf %parallel_loop3A_1610, %parallel_loop3A_1611 : vector<16xf32>
      %parallel_loop3A_1613 = arith.mulf %parallel_loop3A_1607, %parallel_loop3A_1607 : vector<16xf32>
      %parallel_loop3A_1614 = arith.addf %parallel_loop3A_1612, %parallel_loop3A_1613 : vector<16xf32>
      %parallel_loop3A_1615 = arith.mulf %parallel_loop3A_1608, %parallel_loop3A_1608 : vector<16xf32>
      %parallel_loop3A_1616 = arith.addf %parallel_loop3A_1614, %parallel_loop3A_1615 : vector<16xf32>
      %parallel_loop3A_1617 = arith.mulf %parallel_loop3A_1609, %parallel_loop3A_1609 : vector<16xf32>
      %parallel_loop3A_1618 = arith.constant 5.000000e+00 : f32
      %parallel_loop3A_1619 = vector.broadcast %parallel_loop3A_1618 : f32 to vector<16xf32>
      %parallel_loop3A_1620 = arith.mulf %parallel_loop3A_1619, %parallel_loop3A_1617 : vector<16xf32>
      %parallel_loop3A_1621 = arith.addf %parallel_loop3A_1616, %parallel_loop3A_1620 : vector<16xf32>
      %parallel_loop3A_1622 = arith.subf %parallel_loop3A_1621, %parallel_loop3A_1598 : vector<16xf32>
      %parallel_loop3A_1623 = arith.subf %parallel_loop3A_1622, %parallel_loop3A_1600 : vector<16xf32>
      %parallel_loop3A_1624 = arith.mulf %parallel_loop3A_1598, %parallel_loop3A_1503 : vector<16xf32>
      %parallel_loop3A_1625 = arith.addf %parallel_loop3A_1407, %parallel_loop3A_1624 : vector<16xf32>
      %parallel_loop3A_1626 = arith.addf %parallel_loop3A_1625, %parallel_loop3A_1600 : vector<16xf32>
      %parallel_loop3A_1627 = arith.mulf %parallel_loop3A_1604, %parallel_loop3A_1623 : vector<16xf32>
      %parallel_loop3A_1628 = arith.addf %parallel_loop3A_1626, %parallel_loop3A_1627 : vector<16xf32>
      scf.yield %parallel_loop3A_1628 : vector<16xf32>
    } {sc.loop_unroll_factor = 2 : i64, sc.parallel_access}
    %dma_wait3A_1293 = arith.constant 0 : i32
    %dma_wait3A_1294 = tpu.memref_slice %arg4[%add3A_349, %dma_wait3A_1293] : memref<64x63xf32, #tpu.memory_space<hbm>> -> memref<1x63xf32, #tpu.memory_space<hbm>>
    %dma_wait3A_1295 = tpu.memref_squeeze %dma_wait3A_1294 : memref<1x63xf32, #tpu.memory_space<hbm>> -> memref<63xf32, #tpu.memory_space<hbm>>
    %dma_wait3A_1296 = arith.constant 0 : i32
    %dma_wait3A_1297 = tpu.memref_slice %arg4[%add3A_349, %dma_wait3A_1296] : memref<64x63xf32, #tpu.memory_space<hbm>> -> memref<1x63xf32, #tpu.memory_space<hbm>>
    %dma_wait3A_1298 = tpu.memref_squeeze %dma_wait3A_1297 : memref<1x63xf32, #tpu.memory_space<hbm>> -> memref<63xf32, #tpu.memory_space<hbm>>
    tpu.wait_dma2 semaphore(%arg24 : memref<!tpu.dma_semaphore, #tpu.memory_space<semaphore_mem>>) src(%dma_wait3A_1298 : memref<63xf32, #tpu.memory_space<hbm>>) dst(%arg11 : memref<63xf32, #tpu.memory_space<vmem>>)
    %dma_wait3A_1299 = arith.constant 0 : i32
    %dma_wait3A_1300 = tpu.memref_slice %arg5[%add3A_349, %dma_wait3A_1299] : memref<64x63xf32, #tpu.memory_space<hbm>> -> memref<1x63xf32, #tpu.memory_space<hbm>>
    %dma_wait3A_1301 = tpu.memref_squeeze %dma_wait3A_1300 : memref<1x63xf32, #tpu.memory_space<hbm>> -> memref<63xf32, #tpu.memory_space<hbm>>
    %dma_wait3A_1302 = arith.constant 0 : i32
    %dma_wait3A_1303 = tpu.memref_slice %arg5[%add3A_349, %dma_wait3A_1302] : memref<64x63xf32, #tpu.memory_space<hbm>> -> memref<1x63xf32, #tpu.memory_space<hbm>>
    %dma_wait3A_1304 = tpu.memref_squeeze %dma_wait3A_1303 : memref<1x63xf32, #tpu.memory_space<hbm>> -> memref<63xf32, #tpu.memory_space<hbm>>
    tpu.wait_dma2 semaphore(%arg26 : memref<!tpu.dma_semaphore, #tpu.memory_space<semaphore_mem>>) src(%dma_wait3A_1304 : memref<63xf32, #tpu.memory_space<hbm>>) dst(%arg13 : memref<63xf32, #tpu.memory_space<vmem>>)
    %dma_wait3A_1305 = arith.constant 0 : i32
    %dma_wait3A_1306 = tpu.memref_slice %arg4[%add3A_365, %dma_wait3A_1305] : memref<64x63xf32, #tpu.memory_space<hbm>> -> memref<1x63xf32, #tpu.memory_space<hbm>>
    %dma_wait3A_1307 = tpu.memref_squeeze %dma_wait3A_1306 : memref<1x63xf32, #tpu.memory_space<hbm>> -> memref<63xf32, #tpu.memory_space<hbm>>
    %dma_wait3A_1308 = arith.constant 0 : i32
    %dma_wait3A_1309 = tpu.memref_slice %arg4[%add3A_365, %dma_wait3A_1308] : memref<64x63xf32, #tpu.memory_space<hbm>> -> memref<1x63xf32, #tpu.memory_space<hbm>>
    %dma_wait3A_1310 = tpu.memref_squeeze %dma_wait3A_1309 : memref<1x63xf32, #tpu.memory_space<hbm>> -> memref<63xf32, #tpu.memory_space<hbm>>
    tpu.wait_dma2 semaphore(%arg25 : memref<!tpu.dma_semaphore, #tpu.memory_space<semaphore_mem>>) src(%dma_wait3A_1310 : memref<63xf32, #tpu.memory_space<hbm>>) dst(%arg12 : memref<63xf32, #tpu.memory_space<vmem>>)
    %dma_wait3A_1311 = arith.constant 0 : i32
    %dma_wait3A_1312 = tpu.memref_slice %arg5[%add3A_365, %dma_wait3A_1311] : memref<64x63xf32, #tpu.memory_space<hbm>> -> memref<1x63xf32, #tpu.memory_space<hbm>>
    %dma_wait3A_1313 = tpu.memref_squeeze %dma_wait3A_1312 : memref<1x63xf32, #tpu.memory_space<hbm>> -> memref<63xf32, #tpu.memory_space<hbm>>
    %dma_wait3A_1314 = arith.constant 0 : i32
    %dma_wait3A_1315 = tpu.memref_slice %arg5[%add3A_365, %dma_wait3A_1314] : memref<64x63xf32, #tpu.memory_space<hbm>> -> memref<1x63xf32, #tpu.memory_space<hbm>>
    %dma_wait3A_1316 = tpu.memref_squeeze %dma_wait3A_1315 : memref<1x63xf32, #tpu.memory_space<hbm>> -> memref<63xf32, #tpu.memory_space<hbm>>
    tpu.wait_dma2 semaphore(%arg27 : memref<!tpu.dma_semaphore, #tpu.memory_space<semaphore_mem>>) src(%dma_wait3A_1316 : memref<63xf32, #tpu.memory_space<hbm>>) dst(%arg14 : memref<63xf32, #tpu.memory_space<vmem>>)
    %lt3A_1317 = arith.constant 1 : i32
    %lt3A_1318 = vector.broadcast %lt3A_1317 : i32 to vector<16xi32>
    %lt3A_1319 = arith.cmpi slt, %iota3A, %lt3A_1318 : vector<16xi32>
    %jit3A_1320 = arith.constant 0.000000e+00 : f32
    %jit3A_1321 = arith.constant 1.000000e+00 : f32
    %broadcast_in_dim3A_1322 = vector.broadcast %jit3A_1320 : f32 to vector<16xf32>
    %broadcast_in_dim3A_1323 = vector.broadcast %jit3A_1321 : f32 to vector<16xf32>
    %select_n3A_1324 = arith.select %lt3A_1319, %broadcast_in_dim3A_1322, %broadcast_in_dim3A_1323 : vector<16xi1>, vector<16xf32>
    %get3A_1325 = arith.constant 0 : index
    %get3A_1326 = tpu.vector_load %arg13[%get3A_1325] {strides = array<i32>} : memref<63xf32, #tpu.memory_space<vmem>>, vector<16xf32>,
    %get3A_1327 = vector.shape_cast %get3A_1326 : vector<16xf32> to vector<16xf32>
    %get3A_1328 = arith.constant 0 : index
    %get3A_1329 = tpu.vector_load %arg11[%get3A_1328] {strides = array<i32>} : memref<63xf32, #tpu.memory_space<vmem>>, vector<16xf32>,
    %get3A_1330 = vector.shape_cast %get3A_1329 : vector<16xf32> to vector<16xf32>
    %sub3A_1331 = arith.subf %get3A_1327, %get3A_1330 : vector<16xf32>
    %mul3A_1332 = arith.mulf %sub3A_1331, %sub3A_1331 : vector<16xf32>
    %add3A_1333 = arith.addf %parallel_loop3A_1292, %mul3A_1332 : vector<16xf32>
    %get3A_1334 = arith.constant 16 : index
    %get3A_1335 = tpu.vector_load %arg13[%get3A_1334] {strides = array<i32>} : memref<63xf32, #tpu.memory_space<vmem>>, vector<16xf32>,
    %get3A_1336 = vector.shape_cast %get3A_1335 : vector<16xf32> to vector<16xf32>
    %get3A_1337 = arith.constant 16 : index
    %get3A_1338 = tpu.vector_load %arg11[%get3A_1337] {strides = array<i32>} : memref<63xf32, #tpu.memory_space<vmem>>, vector<16xf32>,
    %get3A_1339 = vector.shape_cast %get3A_1338 : vector<16xf32> to vector<16xf32>
    %sub3A_1340 = arith.subf %get3A_1336, %get3A_1339 : vector<16xf32>
    %mul3A_1341 = arith.mulf %sub3A_1340, %sub3A_1340 : vector<16xf32>
    %add3A_1342 = arith.addf %add3A_1333, %mul3A_1341 : vector<16xf32>
    %get3A_1343 = arith.constant 32 : index
    %get3A_1344 = tpu.vector_load %arg13[%get3A_1343] {strides = array<i32>} : memref<63xf32, #tpu.memory_space<vmem>>, vector<16xf32>,
    %get3A_1345 = vector.shape_cast %get3A_1344 : vector<16xf32> to vector<16xf32>
    %get3A_1346 = arith.constant 32 : index
    %get3A_1347 = tpu.vector_load %arg11[%get3A_1346] {strides = array<i32>} : memref<63xf32, #tpu.memory_space<vmem>>, vector<16xf32>,
    %get3A_1348 = vector.shape_cast %get3A_1347 : vector<16xf32> to vector<16xf32>
    %sub3A_1349 = arith.subf %get3A_1345, %get3A_1348 : vector<16xf32>
    %mul3A_1350 = arith.mulf %sub3A_1349, %sub3A_1349 : vector<16xf32>
    %add3A_1351 = arith.addf %add3A_1342, %mul3A_1350 : vector<16xf32>
    %get3A_1352 = arith.constant 47 : index
    %get3A_1353 = tpu.vector_load %arg13[%get3A_1352] {strides = array<i32>} : memref<63xf32, #tpu.memory_space<vmem>>, vector<16xf32>,
    %get3A_1354 = vector.shape_cast %get3A_1353 : vector<16xf32> to vector<16xf32>
    %get3A_1355 = arith.constant 47 : index
    %get3A_1356 = tpu.vector_load %arg11[%get3A_1355] {strides = array<i32>} : memref<63xf32, #tpu.memory_space<vmem>>, vector<16xf32>,
    %get3A_1357 = vector.shape_cast %get3A_1356 : vector<16xf32> to vector<16xf32>
    %sub3A_1358 = arith.subf %get3A_1354, %get3A_1357 : vector<16xf32>
    %mul3A_1359 = arith.mulf %sub3A_1358, %select_n3A_1324 : vector<16xf32>
    %mul3A_1360 = arith.mulf %mul3A_1359, %mul3A_1359 : vector<16xf32>
    %add3A_1361 = arith.addf %add3A_1351, %mul3A_1360 : vector<16xf32>
    %get3A_1362 = arith.constant 0 : index
    %get3A_1363 = tpu.vector_load %arg14[%get3A_1362] {strides = array<i32>} : memref<63xf32, #tpu.memory_space<vmem>>, vector<16xf32>,
    %get3A_1364 = vector.shape_cast %get3A_1363 : vector<16xf32> to vector<16xf32>
    %get3A_1365 = arith.constant 0 : index
    %get3A_1366 = tpu.vector_load %arg12[%get3A_1365] {strides = array<i32>} : memref<63xf32, #tpu.memory_space<vmem>>, vector<16xf32>,
    %get3A_1367 = vector.shape_cast %get3A_1366 : vector<16xf32> to vector<16xf32>
    %sub3A_1368 = arith.subf %get3A_1364, %get3A_1367 : vector<16xf32>
    %mul3A_1369 = arith.mulf %sub3A_1368, %sub3A_1368 : vector<16xf32>
    %add3A_1370 = arith.addf %add3A_1361, %mul3A_1369 : vector<16xf32>
    %get3A_1371 = arith.constant 16 : index
    %get3A_1372 = tpu.vector_load %arg14[%get3A_1371] {strides = array<i32>} : memref<63xf32, #tpu.memory_space<vmem>>, vector<16xf32>,
    %get3A_1373 = vector.shape_cast %get3A_1372 : vector<16xf32> to vector<16xf32>
    %get3A_1374 = arith.constant 16 : index
    %get3A_1375 = tpu.vector_load %arg12[%get3A_1374] {strides = array<i32>} : memref<63xf32, #tpu.memory_space<vmem>>, vector<16xf32>,
    %get3A_1376 = vector.shape_cast %get3A_1375 : vector<16xf32> to vector<16xf32>
    %sub3A_1377 = arith.subf %get3A_1373, %get3A_1376 : vector<16xf32>
    %mul3A_1378 = arith.mulf %sub3A_1377, %sub3A_1377 : vector<16xf32>
    %add3A_1379 = arith.addf %add3A_1370, %mul3A_1378 : vector<16xf32>
    %get3A_1380 = arith.constant 32 : index
    %get3A_1381 = tpu.vector_load %arg14[%get3A_1380] {strides = array<i32>} : memref<63xf32, #tpu.memory_space<vmem>>, vector<16xf32>,
    %get3A_1382 = vector.shape_cast %get3A_1381 : vector<16xf32> to vector<16xf32>
    %get3A_1383 = arith.constant 32 : index
    %get3A_1384 = tpu.vector_load %arg12[%get3A_1383] {strides = array<i32>} : memref<63xf32, #tpu.memory_space<vmem>>, vector<16xf32>,
    %get3A_1385 = vector.shape_cast %get3A_1384 : vector<16xf32> to vector<16xf32>
    %sub3A_1386 = arith.subf %get3A_1382, %get3A_1385 : vector<16xf32>
    %mul3A_1387 = arith.mulf %sub3A_1386, %sub3A_1386 : vector<16xf32>
    %add3A_1388 = arith.addf %add3A_1379, %mul3A_1387 : vector<16xf32>
    %get3A_1389 = arith.constant 47 : index
    %get3A_1390 = tpu.vector_load %arg14[%get3A_1389] {strides = array<i32>} : memref<63xf32, #tpu.memory_space<vmem>>, vector<16xf32>,
    %get3A_1391 = vector.shape_cast %get3A_1390 : vector<16xf32> to vector<16xf32>
    %get3A_1392 = arith.constant 47 : index
    %get3A_1393 = tpu.vector_load %arg12[%get3A_1392] {strides = array<i32>} : memref<63xf32, #tpu.memory_space<vmem>>, vector<16xf32>,
    %get3A_1394 = vector.shape_cast %get3A_1393 : vector<16xf32> to vector<16xf32>
    %sub3A_1395 = arith.subf %get3A_1391, %get3A_1394 : vector<16xf32>
    %mul3A_1396 = arith.mulf %sub3A_1395, %select_n3A_1324 : vector<16xf32>
    %mul3A_1397 = arith.mulf %mul3A_1396, %mul3A_1396 : vector<16xf32>
    %add3A_1398 = arith.addf %add3A_1388, %mul3A_1397 : vector<16xf32>
    %mul3A_1399 = arith.constant 5.000000e-01 : f32
    %mul3A_1400 = vector.broadcast %mul3A_1399 : f32 to vector<16xf32>
    %mul3A_1401 = arith.mulf %add3A_1398, %mul3A_1400 : vector<16xf32>
    %swap3A_1402 = arith.constant 0 : index
    %swap3A_1403 = tpu.vector_load %arg15[%swap3A_1402] {strides = array<i32>} : memref<16xf32, #tpu.memory_space<vmem>>, vector<16xf32>,
    %swap3A_1404 = vector.shape_cast %swap3A_1403 : vector<16xf32> to vector<16xf32>
    %swap3A_1405 = vector.shape_cast %mul3A_1401 : vector<16xf32> to vector<16xf32>
    tpu.vector_store %arg15[%swap3A_1402], %swap3A_1405 {strides = array<i32>} : memref<16xf32, #tpu.memory_space<vmem>>, vector<16xf32>,
    "tpu.region"() ({
      %run_scoped3A = tpu.sem_alloc : memref<!tpu.dma_semaphore, #tpu.memory_space<semaphore_mem>>
      %dma_start3A_1406 = arith.constant 0 : i32
      %dma_start3A_1407 = tpu.memref_slice %arg6[%add3A, %dma_start3A_1406] : memref<32x16xf32, #tpu.memory_space<hbm>> -> memref<1x16xf32, #tpu.memory_space<hbm>>
      %dma_start3A_1408 = tpu.memref_squeeze %dma_start3A_1407 : memref<1x16xf32, #tpu.memory_space<hbm>> -> memref<16xf32, #tpu.memory_space<hbm>>
      %dma_start3A_1409 = arith.constant 0 : i32
      %dma_start3A_1410 = tpu.memref_slice %arg6[%add3A, %dma_start3A_1409] : memref<32x16xf32, #tpu.memory_space<hbm>> -> memref<1x16xf32, #tpu.memory_space<hbm>>
      %dma_start3A_1411 = tpu.memref_squeeze %dma_start3A_1410 : memref<1x16xf32, #tpu.memory_space<hbm>> -> memref<16xf32, #tpu.memory_space<hbm>>
      tpu.enqueue_dma source(%arg15 : memref<16xf32, #tpu.memory_space<vmem>>) target(%dma_start3A_1411 : memref<16xf32, #tpu.memory_space<hbm>>) target_semaphore(%run_scoped3A : memref<!tpu.dma_semaphore, #tpu.memory_space<semaphore_mem>>)
      %dma_wait3A_1412 = arith.constant 0 : i32
      %dma_wait3A_1413 = tpu.memref_slice %arg6[%add3A, %dma_wait3A_1412] : memref<32x16xf32, #tpu.memory_space<hbm>> -> memref<1x16xf32, #tpu.memory_space<hbm>>
      %dma_wait3A_1414 = tpu.memref_squeeze %dma_wait3A_1413 : memref<1x16xf32, #tpu.memory_space<hbm>> -> memref<16xf32, #tpu.memory_space<hbm>>
      %dma_wait3A_1415 = arith.constant 0 : i32
      %dma_wait3A_1416 = tpu.memref_slice %arg6[%add3A, %dma_wait3A_1415] : memref<32x16xf32, #tpu.memory_space<hbm>> -> memref<1x16xf32, #tpu.memory_space<hbm>>
      %dma_wait3A_1417 = tpu.memref_squeeze %dma_wait3A_1416 : memref<1x16xf32, #tpu.memory_space<hbm>> -> memref<16xf32, #tpu.memory_space<hbm>>
      tpu.wait_dma2 semaphore(%run_scoped3A : memref<!tpu.dma_semaphore, #tpu.memory_space<semaphore_mem>>) src(%arg15 : memref<16xf32, #tpu.memory_space<vmem>>) dst(%dma_wait3A_1417 : memref<16xf32, #tpu.memory_space<hbm>>)
      tpu.yield
    }) : () -> ()
    return
  }
}

</mosaic_0001>

<sc_bundles>
// kernel: kernel.3.cloned.1.call-start
scs
__scs_entry_jumppad:
0x0: {  	(pc) =	sbr.rel $0x88, $3  }
0x1: {  	(tag) =	ssettag $0x0;
	lr =	simm.s32 $0x1  }
0x2: {  	[smem:$0x3F9D] =	sst lr;
	_ =	strace $0xD0000000  }
0x3: {  	_ = 	snop  }
0x4: {  	_ = 	snop  }
0x5: {  	_ = 	snop  }
0x6: {  	_ = 	snop  }
0x7: {  	_ = 	snop  }
__scs_overlays_trampoline_lowered:
0x8: {  	[smem:$0x3FAC] =	sst s0  }
0x9: {  	[smem:$0x3FAD] =	sst s1  }
0xa: {  	[smem:$0x3FAE] =	sst s2  }
0xb: {  	[smem:$0x3FAF] =	sst s3  }
0xc: {  	[smem:$0x3FB0] =	sst s4  }
0xd: {  	[smem:$0x3FB1] =	sst s5  }
0xe: {  	[smem:$0x3FB2] =	sst s6  }
0xf: {  	[smem:$0x3FB3] =	sst s7  }
0x10: {  	[smem:$0x3FB4] =	sst s8  }
0x11: {  	[smem:$0x3FB5] =	sst s9;
	s0 =	simm.s32 @!p0 $0x0  }
0x12: {  	s1 =	sld [smem:$0x3F9B];
	s0 =	simm.s32 @p0 $0x1  }
0x13: {  	[smem:$0x3FB6] =	sst s0;
	s0 =	simm.s32 @!p1 $0x0  }
0x14: {  	s2 =	sld [smem:$0x3F9A];
	s0 =	simm.s32 @p1 $0x1  }
0x15: {  	[smem:$0x3FB7] =	sst s0;
	s0 =	simm.s32 @!p2 $0x0  }
0x16: {  	s3 =	sld [smem:$0x3FDB];
	s0 =	simm.s32 @p2 $0x1  }
0x17: {  	s4 =	simm.s32 $0x1BF5;
	[smem:$0x3FB9] =	sst s0  }
0x18: {  	s0 =	sld [smem:$0x3F9C];
	_ =	swait.ge [sflag:s4], $0x0  }
0x19: {  	s7 =	sld [smem:$0x3F9D]  }
0x1a: {  	s8 =	sadd.s32 $0xFFFFE003, lr  }
0x1b: {  	s9 =	sadd.s32 $0xFFFFFEF7, lr;
	s5 =	simm.s32 $0xFFFFFFFF;
	p2 =	slt.u32 s8, $0xFFFFF086  }
0x1c: {  	p1 =	slt.u32 s9, $0xF7A;
	s5 =	simm.s32 @!p2 $0x0  }
0x1d: {  	s5 =	simm.s32 @p1 $0x1;
	p0 =	seq.s32 s7, s2  }
0x1e: {  	s7 =	smul.u32 @!p0 $0xF7A, s2;
	p2 =	seq.s32 @!p0 s5, $0x0  }
0x1f: {  	s9 =	smul.u32 $0xF7A, s1;
	s8 =	simm.s32 @!p0 $0x1BF5;
	p2 =	por !p2, p0  }
0x20: {  	[sflag:s8] =	ssyncset.s32 @!p0 $0xFFFFF086;
	s6 =	sadd.s32 @!p0 s3, s7;
	s7 =	simm.s32 @!p0 $0x108  }
0x21: {  	s3 =	sadd.s32 s3, s9;
	s6 =	sadd.s32 @!p0 $0x88, s6;
	s7 =	simm.s32 @p2 $0x1082  }
0x22: {  	[simem:s7], [sflag:s8] =	dma.local @!p0 [hbm:s6], $0xF7A  }
0x23: {  	s9 =	sor.u32 $0xD0000000, s2;
	s6 =	simm.s32 $0x108;
	_ =	swait.ge @!p0 [sflag:s8], $0x0  }
0x24: {  	s3 =	sadd.s32 $0x88, s3;
	s6 =	simm.s32 @!p1 $0x1082;
	[sflag:s4] =	ssyncset.s32 $0xFFFFF086  }
0x25: {  	[simem:s6], [sflag:s4] =	dma.local [hbm:s3], $0xF7A  }
0x26: {  	[smem:$0x3F9D] =	sst s1;
	(tag) =	ssettag s2;
	_ =	strace s9  }
0x27: {  	s1 =	sld [smem:$0x3FAD]  }
0x28: {  	s2 =	sld [smem:$0x3FAE]  }
0x29: {  	s4 =	sld [smem:$0x3FB0]  }
0x2a: {  	p0 =	seq.s32 s5, $0x0;
	s5 =	sld [smem:$0x3FB1]  }
0x2b: {  	s6 =	sld [smem:$0x3FB2]  }
0x2c: {  	s7 =	sld [smem:$0x3FB3]  }
0x2d: {  	s3 =	simm.s32 $0x108;
	s8 =	sld [smem:$0x3FB4]  }
0x2e: {  	s3 =	simm.s32 @!p0 $0x1082;
	s9 =	sld [smem:$0x3FB5]  }
0x2f: {  	lr =	sadd.s32 s0, s3;
	s0 =	sld [smem:$0x3FAC]  }
0x30: {  	s3 =	sld [smem:$0x3FAF]  }
0x31: {  	[smem:$0x3FB8] =	sst s10  }
0x32: {  	s10 =	sld [smem:$0x3FB6];
	_ =	sdelay $0x3  }
0x33: {  	p0 =	seq.s32 s10, $0x1;
	s10 =	sld [smem:$0x3FB8];
	_ =	sdelay $0x3  }
0x34: {  	[smem:$0x3FB8] =	sst s10  }
0x35: {  	s10 =	sld [smem:$0x3FB7];
	_ =	sdelay $0x3  }
0x36: {  	p1 =	seq.s32 s10, $0x1;
	s10 =	sld [smem:$0x3FB8];
	_ =	sdelay $0x3  }
0x37: {  	[smem:$0x3FB8] =	sst s10  }
0x38: {  	s10 =	sld [smem:$0x3FB9]  }
0x39: {  	_ = 	snop;
	(pc) =	sbr.ind lr, $3  }
0x3a: {  	_ = 	snop  }
0x3b: {  	_ = 	snop  }
0x3c: {  	p2 =	seq.s32 s10, $0x1;
	s10 =	sld [smem:$0x3FB8]  }
0x3d: {  	_ =	shalt  }
0x3e: {  	_ =	shalt  }
0x3f: {  	_ =	shalt  }
0x40: {  	_ =	shalt  }
0x41: {  	_ =	shalt  }
0x42: {  	_ =	shalt  }
0x43: {  	_ =	shalt  }
0x44: {  	_ =	shalt  }
0x45: {  	_ =	shalt  }
0x46: {  	_ =	shalt  }
0x47: {  	_ =	shalt  }
0x48: {  	_ =	shalt  }
0x49: {  	_ =	shalt  }
0x4a: {  	_ =	shalt  }
0x4b: {  	_ =	shalt  }
0x4c: {  	_ =	shalt  }
0x4d: {  	_ =	shalt  }
0x4e: {  	_ =	shalt  }
0x4f: {  	_ =	shalt  }
0x50: {  	_ =	shalt  }
0x51: {  	_ =	shalt  }
0x52: {  	_ =	shalt  }
0x53: {  	_ =	shalt  }
0x54: {  	_ =	shalt  }
0x55: {  	_ =	shalt  }
0x56: {  	_ =	shalt  }
0x57: {  	_ =	shalt  }
0x58: {  	_ =	shalt  }
0x59: {  	_ =	shalt  }
0x5a: {  	_ =	shalt  }
0x5b: {  	_ =	shalt  }
0x5c: {  	_ =	shalt  }
0x5d: {  	_ =	shalt  }
0x5e: {  	_ =	shalt  }
0x5f: {  	_ =	shalt  }
0x60: {  	_ =	shalt  }
0x61: {  	_ =	shalt  }
0x62: {  	_ =	shalt  }
0x63: {  	_ =	shalt  }
0x64: {  	_ =	shalt  }
0x65: {  	_ =	shalt  }
0x66: {  	_ =	shalt  }
0x67: {  	_ =	shalt  }
0x68: {  	_ =	shalt  }
0x69: {  	_ =	shalt  }
0x6a: {  	_ =	shalt  }
0x6b: {  	_ =	shalt  }
0x6c: {  	_ =	shalt  }
0x6d: {  	_ =	shalt  }
0x6e: {  	_ =	shalt  }
0x6f: {  	_ =	shalt  }
0x70: {  	_ =	shalt  }
0x71: {  	_ =	shalt  }
0x72: {  	_ =	shalt  }
0x73: {  	_ =	shalt  }
0x74: {  	_ =	shalt  }
0x75: {  	_ =	shalt  }
0x76: {  	_ =	shalt  }
0x77: {  	_ =	shalt  }
0x78: {  	_ =	shalt  }
0x79: {  	_ =	shalt  }
0x7a: {  	_ =	shalt  }
0x7b: {  	_ =	shalt  }
0x7c: {  	_ =	shalt  }
0x7d: {  	_ =	shalt  }
0x7e: {  	_ =	shalt  }
0x7f: {  	_ =	shalt  }
0x80: {  	_ =	shalt  }
0x81: {  	_ =	shalt  }
0x82: {  	_ =	shalt  }
0x83: {  	_ =	shalt  }
0x84: {  	_ =	shalt  }
0x85: {  	_ =	shalt  }
0x86: {  	_ =	shalt  }
0x87: {  	_ =	shalt  }
.Lfunc_end0:
.L_simem_size_0:
called_computation_lowered:
.L_overlay_start_0:
0x88: {  	s2 =	sld [smem:$0x3FD9]  }
0x89: {  	s3 =	sld [smem:$0x3FFE];
	_ =	sdelay $0x1  }
0x8a: {  	s1 =	srdreg.scid  }
0x8b: {  	s0 =	sand.u32 $0x1, s1  }
0x8c: {  	s17 =	sshll.u32 s0, $0xA;
	s2 =	sadd.s32 s3, s2  }
0x8d: {  	s2 =	sadd.s32 s2, s17  }
0x8e: {  	[smem:$0x3FC4] =	sst s2  }
0x8f: {  	_ = 	snop  }
0x90: {  	s2 =	sld [smem:$0x3FC8]  }
0x91: {  	s18 =	sld [smem:$0x3FC6];
	(tm) =	ssettm $0x1  }
0x92: {  	s4 =	sld [smem:$0x3FFB];
	_ =	sdelay $0x3  }
0x93: {  	_ =	strace s4  }
0x94: {  	s4 =	sld [smem:$0x3FFC];
	_ =	sdelay $0x3  }
0x95: {  	_ =	strace s4  }
0x96: {  	s4 =	sld [smem:$0x3FFD];
	_ =	sdelay $0x3  }
0x97: {  	_ =	strace s4  }
0x98: {  	_ =	strace $0x8FFFFFFF  }
0x99: {  	s19 =	sld [smem:$0x3FDB];
	_ =	sdelay $0x1  }
0x9a: {  	s5 =	simm.s32 $_scs_section_size  }
0x9b: {  	s6 =	simm.s32 $_size__tile_overlayer_lowered;
	s7 =	simm.s32 $_tile_overlayer_lowered  }
0x9c: {  	s22 =	simm.s32 $0x1BFF;
	s21 =	sshll.u32 s7, $0x1;
	s4 =	sadd.s32 s5, s19  }
0x9d: {  	s8 =	simm.s32 $0x0;
	s20 =	sshll.u32 s6, $0x1;
	s6 =	sadd.s32 s21, s4  }
0x9e: {  	[timem:s8], [sflag:s22] =	dma.local [hbm:s6], s20  }
0x9f: {  	_ =	swait.ge [sflag:s22], s20  }
0xa0: {  	s5 =	ssub.s32 $0x0, s20;
	[sflag:s22] =	ssyncset.done $0x0  }
0xa1: {  	[sflag:s22] =	ssyncadd.s32 s5;
	_ =	sdelay $0x1  }
0xa2: {  	s23 =	simm.s32 $0x1B8B  }
0xa3: {  	_ =	swait.ge [sflag:s23], $0x1  }
0xa4: {  	[sflag:s23] =	ssyncset.done $0x0  }
0xa5: {  	s25 =	simm.s32 $0x1B8E;
	s24 =	sld [smem:$0x3FFE];
	[sflag:s23] =	ssyncadd.s32 $0xFFFFFFFF  }
0xa6: {  	s26 =	simm.s32 $execute0_lowered;
	[smem:$0x3FD2] =	sst s25  }
0xa7: {  	s6 =	sshll.u32 s26, $0x1;
	_ =	strace $0x80000046;
	[dreg:$0x1] =	wrdreg $0xFFFFFFFF  }
0xa8: {  	s28 =	simm.s32 $_size_execute0_lowered;
	s4 =	sadd.s32 s4, s6;
	[dreg:$0x0] =	wrdreg $0x0  }
0xa9: {  	s6 =	sshll.u32 s28, $0x1;
	[dreg:$0x2] =	wrdreg s4  }
0xaa: {  	[dreg:$0x3] =	wrdreg s6  }
0xab: {  	[dreg:$0x4] =	wrdreg $0xC0  }
0xac: {  	_ =	task [dreg:s8], $0x5FFFF  }
0xad: {  	[dreg:$0x1] =	wrdreg $0xFFFFFFFF  }
0xae: {  	[dreg:$0x0] =	wrdreg $0x60  }
0xaf: {  	[dreg:$0x2] =	wrdreg s24  }
0xb0: {  	[dreg:$0x3] =	wrdreg s2  }
0xb1: {  	[dreg:$0x4] =	wrdreg s18  }
0xb2: {  	[dreg:$0x5] =	wrdreg $0x9  }
0xb3: {  	_ =	task.clear_ibuf [dreg:s8], $0x6FFFF;
	_ =	strace $0x90000046  }
0xb4: {  	s29 =	simm.s32 $0x9;
	_ =	strace $0x80000048  }
0xb5: {  	_ =	swait.ge [sflag:s29], $0x1  }
0xb6: {  	[sflag:s29] =	ssyncadd.s32 $0xFFFFFFFF  }
0xb7: {  	_ =	strace $0x90000048  }
0xb8: {  	_ =	sfence  }
0xb9: {  	s30 =	sld [smem:$0x0];
	_ =	sdelay $0x2  }
0xba: {  	s31 =	sshll.u32 s1, $0xD;
	s1 =	sshrl.u32 s1, $0x2  }
0xbb: {  	s3 =	sand.u32 $0x4000, s31;
	s1 =	sadd.s32 s1, s30  }
0xbc: {  	s0 =	sor.u32 s3, s0;
	s1 =	sshll.u32 s1, $0x11  }
0xbd: {  	s0 =	sor.u32 s1, s0  }
0xbe: {  	s0 =	sadd.s32 $0x8F2B, s0  }
0xbf: {  	[sflag:s0] =	ssyncadd.remote.s32 $0x1  }
0xc0: {  	_ =	sfence.sel $0xFFFF  }
0xc1: {  	[dreg:$0x0] =	wrdreg $0xFFFFFFFF;
	(pc) =	sbr.abs _section_cstart, $3  }
0xc2: {  	[dreg:$0x1] =	wrdreg $0xFFFFFFFF  }
0xc3: {  	_ =	task.clear_ibuf [dreg:s8], $0x2FFFF;
	_ =	strace $0x9FFFFFFF  }
0xc4: {  	(tm) =	ssettm $0x7FFFFFFF  }
0xc5: {  	_ =	shalt  }
tec
execute0_lowered:
.L_overlay_start_1:
0x0: {  	(tag) =	ssettag $0x1  }
0x1: {  	s0 =	srdreg.scid;
	s11 =	stileid.u32  }
0x2: {  	s4 =	sand.u32 $0x1, s0;
	s9 =	sshll.u32 s11, $0x1  }
0x3: {  	s5 =	sor.u32 s4, s9  }
0x4: {  	s0 =	sshll.u32 s5, $0x3  }
0x5: {  	vm0 =	vcmask $0x300;
	s1 =	smin.u32 s0, $0xF0  }
0x6: {  	v63 =	vimm.f32 $2.000000000e+00;
	vm2 =	vcmask $0x704;
	vm3 =	vcmask $0xF0C;
	s2 =	ssub.s32 s0, s1  }
0x7: {  	vm15 =	vcmask $0x1310;
	vm4 =	vcmask $0x1714;
	v0 =	vmov s2  }
0x8: {  	vm5 =	vcmask $0x1B18;
	vm6 =	vcmask $0x1F1C;
	s7 =	sor.u32 $0x1, s2;
	v0 =	vand.u32 $0xF, v0  }
0x9: {  	v12 =	vimm.f32 $5.000000000e+00;
	s3 =	sshllo.u32 s5, $0x1;
	v1 =	vmov s7;
	v0 =	vbroadcast v0, $0x0  }
0xa: {  	vm7 =	vcmask $0x2320;
	vm8 =	vcmask $0x2724;
	s6 =	sshll.u32 s3, $0x2;
	v53 =	vand.u32 $0xF, v1  }
0xb: {  	vm9 =	vcmask $0x2B28;
	vm10 =	vcmask $0x2F2C;
	s10 =	smin.u32 s6, $0xF4;
	s8 =	sor.u32 $0x2, s2;
	s2 =	sor.u32 $0x3, s2;
	[tilespmem:$0x1FDB0] =	vst v0;
	v0 =	vbroadcast v53, $0x0  }
0xc: {  	vm11 =	vcmask $0x3330;
	vm12 =	vcmask $0x3734;
	s0 =	sadd.s32 $0xFFFFFFFC, s10;
	v56 =	vmov s2  }
0xd: {  	v9 =	vimm.f32 $1.000000000e+00;
	vm13 =	vcmask $0x3B38;
	s6 =	ssub.s32 s6, s0;
	[tilespmem:$0x1FDC0] =	vst v0;
	v0 =	vand.u32 $0xF, v56  }
0xe: {  	v3 =	vimm.f32 $8.000000000e+00;
	v57 =	vmov s6;
	v0 =	vbroadcast v0, $0x0  }
0xf: {  	vm1 =	vcmask $0x3300;
	v17 =	vimm.f32 $1.100000000e+01;
	v59 =	vand.u32 $0xF, v57  }
0x10: {  	vm14 =	vcmask $0x1B00;
	v25 =	vimm.f32 $3.000000000e+00;
	s13 =	sor.u32 $0x2, s6;
	[tilespmem:$0x1FDE0] =	vst v0;
	v0 =	vbroadcast v59, $0x0  }
0x11: {  	v27 =	vimm.f32 $4.000000000e+00;
	v36 =	vimm.f32 $6.000000000e+00;
	v62 =	vmov s13  }
0x12: {  	v37 =	vimm.f32 $7.000000000e+00;
	v41 =	vimm.f32 $1.000000000e+01;
	[tilespmem:$0x1FDF0] =	vst v0;
	v0 =	vand.u32 $0xF, v62  }
0x13: {  	v48 =	vimm.f32 $9.000000000e+00;
	v52 =	vimm.f32 $1.200000000e+01;
	v0 =	vbroadcast v0, $0x0  }
0x14: {  	v31 =	vimm.f32 $1.123639970e+01;
	v6 =	vsel vm0, $0x0, v63;
	v14 =	vsel vm0, $0x40C00000, v3;
	s14 =	sor.u32 $0x3, s6  }
0x15: {  	v2 =	vmov s8;
	v7 =	vmov s14;
	[tilespmem:$0x1FE10] =	vst v0;
	v0 =	vsel vm2, $0x3F800000, v6  }
0x16: {  	v54 =	vand.u32 $0xF, v2;
	v2 =	vand.u32 $0xF, v7;
	v0 =	vsel vm3, $0x40400000, v0  }
0x17: {  	v4 =	vsel vm1, $0x0, v9;
	v2 =	vbroadcast v2, $0x0;
	v0 =	vsel vm15, $0x40800000, v0  }
0x18: {  	v18 =	vsel vm0, $0x41100000, v17;
	vm1 =	vcmask $0x2700;
	v0 =	vsel vm4, $0x40A00000, v0  }
0x19: {  	v22 =	vsel vm0, $0x41400000, v9;
	[tilespmem:$0x1FE20] =	vst v2;
	v2 =	vsel vm0, $0x40400000, v12;
	v0 =	vsel vm5, $0x40C00000, v0  }
0x1a: {  	v5 =	vsel vm14, $0x40000000, v25;
	v2 =	vsel vm2, $0x40800000, v2;
	v0 =	vsel vm6, $0x40E00000, v0  }
0x1b: {  	v32 =	vsel vm0, $0x40000000, v27;
	v2 =	vsel vm3, $0x40C00000, v2;
	v0 =	vsel vm7, $0x41000000, v0  }
0x1c: {  	v34 =	vsel vm2, $0x40400000, v32;
	v2 =	vsel vm15, $0x40E00000, v2;
	v0 =	vsel vm8, $0x41100000, v0  }
0x1d: {  	v32 =	vimm.f32 $1.000710010e+01;
	v2 =	vsel vm4, $0x41000000, v2;
	v0 =	vsel vm9, $0x41200000, v0  }
0x1e: {  	v1 =	vsel vm1, $0x3F800000, v63;
	v2 =	vsel vm5, $0x41100000, v2;
	v0 =	vsel vm10, $0x41300000, v0  }
0x1f: {  	vm1 =	vcmask $0xF00;
	v2 =	vsel vm6, $0x41200000, v2;
	v0 =	vsel vm11, $0x41400000, v0  }
0x20: {  	s12 =	sor.u32 $0x1, s6;
	v55 =	vbroadcast v54, $0x0;
	v2 =	vsel vm7, $0x41300000, v2;
	v0 =	vsel vm12, $0x0, v0  }
0x21: {  	v58 =	vmov s12;
	v13 =	vsel vm8, $0x41400000, v2;
	v0 =	vsel vm13, $0x3F800000, v0  }
0x22: {  	v57 =	vimm.s32 $0xA0A3A2A1;
	v2 =	vsel vm2, $0x40E00000, v14;
	[tilespmem:$0x1FE30] =	vst v0;
	v0 =	vsel vm9, $0x0, v13  }
0x23: {  	v60 =	vand.u32 $0xF, v58;
	v2 =	vsel vm3, $0x41100000, v2;
	v0 =	vsel vm10, $0x3F800000, v0  }
0x24: {  	v7 =	vlaneseq.u32;
	v2 =	vsel vm15, $0x41200000, v2;
	v0 =	vsel vm11, $0x40000000, v0  }
0x25: {  	v53 =	vsel vm0, $0x41200000, v52;
	v2 =	vsel vm4, $0x41300000, v2;
	v16 =	vsel vm12, $0x40400000, v0  }
0x26: {  	[tilespmem:$0x1FE40] =	vst v4;
	v58 =	vimm.s32 $0xA8;
	v2 =	vsel vm5, $0x41400000, v2;
	v4 =	vsel vm13, $0x40800000, v16  }
0x27: {  	v61 =	vbroadcast v60, $0x0;
	v2 =	vsel vm6, $0x0, v2;
	[tilespmem:$0x1FE60] =	vst v4;
	v4 =	vsel vm2, $0x41200000, v18  }
0x28: {  	v15 =	vor.u32 $0x10, v7;
	v19 =	vsel vm7, $0x3F800000, v2;
	v20 =	vsel vm3, $0x41400000, v4  }
0x29: {  	[tilespmem:$0x1FE70] =	vst v1;
	v21 =	vor.u32 $0x20, v7;
	v1 =	vsel vm8, $0x40000000, v19;
	v2 =	vsel vm15, $0x0, v20  }
0x2a: {  	v1 =	vsel vm9, $0x40400000, v1;
	v4 =	vsel vm2, $0x0, v22;
	v2 =	vsel vm4, $0x3F800000, v2  }
0x2b: {  	v1 =	vsel vm10, $0x40800000, v1;
	v4 =	vsel vm3, $0x40000000, v4;
	v2 =	vsel vm5, $0x40000000, v2  }
0x2c: {  	v1 =	vsel vm11, $0x40A00000, v1;
	v4 =	vsel vm15, $0x40400000, v4;
	v2 =	vsel vm6, $0x40400000, v2  }
0x2d: {  	v1 =	vsel vm12, $0x40C00000, v1;
	v24 =	vsel vm4, $0x40800000, v4;
	v2 =	vsel vm7, $0x40800000, v2  }
0x2e: {  	v1 =	vsel vm13, $0x40E00000, v1;
	v23 =	vsel vm8, $0x40A00000, v2;
	v2 =	vsel vm5, $0x40A00000, v24  }
0x2f: {  	v26 =	vor.u32 $0x30, v7;
	[tilespmem:$0x1FE90] =	vst v1;
	v1 =	vsel vm9, $0x40C00000, v23;
	v2 =	vsel vm6, $0x40C00000, v2  }
0x30: {  	v35 =	vor.u32 $0x40, v7;
	v1 =	vsel vm10, $0x40E00000, v1;
	v2 =	vsel vm7, $0x40E00000, v2  }
0x31: {  	v40 =	vor.u32 $0x50, v7;
	v1 =	vsel vm11, $0x41000000, v1;
	v2 =	vsel vm8, $0x41000000, v2  }
0x32: {  	v44 =	vor.u32 $0x60, v7;
	v1 =	vsel vm12, $0x41100000, v1;
	v2 =	vsel vm9, $0x41100000, v2  }
0x33: {  	v47 =	vor.u32 $0x70, v7;
	v1 =	vsel vm13, $0x41200000, v1;
	v2 =	vsel vm10, $0x41200000, v2  }
0x34: {  	[tilespmem:$0x1FEC0] =	vst v1;
	v1 =	vsel vm1, $0x40400000, v27;
	v33 =	vsel vm11, $0x41300000, v2;
	v2 =	vsel vm3, $0x40A00000, v34  }
0x35: {  	v51 =	vor.u32 $0x80, v7;
	[tilespmem:$0x1FED0] =	vst v1;
	v1 =	vsel vm12, $0x41400000, v33;
	v2 =	vsel vm15, $0x40C00000, v2  }
0x36: {  	v6 =	vsel vm0, $0x40A00000, v37;
	v1 =	vsel vm13, $0x0, v1;
	v2 =	vsel vm4, $0x40E00000, v2  }
0x37: {  	vm1 =	vcmask $0x3704;
	[tilespmem:$0x1FEF0] =	vst v1;
	v1 =	vsel vm0, $0x40800000, v36;
	v2 =	vsel vm5, $0x41000000, v2  }
0x38: {  	v39 =	vsel vm2, $0x40C00000, v6;
	v1 =	vsel vm1, $0x40A00000, v1;
	v38 =	vsel vm6, $0x41100000, v2  }
0x39: {  	v60 =	vimm.s32 $0xA4A7A6A5;
	v2 =	vsel vm3, $0x41000000, v39;
	[tilespmem:$0x1FF00] =	vst v1;
	v1 =	vsel vm7, $0x41200000, v38  }
0x3a: {  	v56 =	vor.u32 $0x90, v7;
	v2 =	vsel vm15, $0x41100000, v2;
	v1 =	vsel vm8, $0x41300000, v1  }
0x3b: {  	[tilespmem:$0x1FEA0] =	vst v5;
	v6 =	vsel vm0, $0x41000000, v41;
	v2 =	vsel vm4, $0x41200000, v2;
	v1 =	vsel vm9, $0x41400000, v1  }
0x3c: {  	[tilespmem:$0x1FDD0] =	vst v55;
	v6 =	vsel vm2, $0x41100000, v6;
	v2 =	vsel vm5, $0x41300000, v2;
	v1 =	vsel vm10, $0x0, v1  }
0x3d: {  	[tilespmem:$0x1FE50] =	vst v15;
	v6 =	vsel vm3, $0x41300000, v6;
	v2 =	vsel vm6, $0x41400000, v2;
	v1 =	vsel vm11, $0x3F800000, v1  }
0x3e: {  	[tilespmem:$0x1FE80] =	vst v21;
	v6 =	vsel vm15, $0x41400000, v6;
	v2 =	vsel vm7, $0x0, v2;
	v1 =	vsel vm12, $0x40000000, v1  }
0x3f: {  	[tilespmem:$0x1FF70] =	vst v47;
	v43 =	vsel vm4, $0x0, v6;
	v42 =	vsel vm8, $0x3F800000, v2;
	v1 =	vsel vm13, $0x40400000, v1  }
0x40: {  	v47 =	vimm.f32 $0.0e+00;
	v2 =	vsel vm5, $0x3F800000, v43;
	[tilespmem:$0x1FF20] =	vst v1;
	v1 =	vsel vm9, $0x40000000, v42  }
0x41: {  	[tilespmem:$0x1FEB0] =	vst v26;
	v4 =	vsel vm0, $0x3F800000, v25;
	v2 =	vsel vm6, $0x40000000, v2;
	v1 =	vsel vm10, $0x40400000, v1  }
0x42: {  	[tilespmem:$0x1FEE0] =	vst v35;
	v46 =	vsel vm2, $0x40000000, v4;
	v2 =	vsel vm7, $0x40400000, v2;
	v1 =	vsel vm11, $0x40800000, v1  }
0x43: {  	[tilespmem:$0x1FF10] =	vst v40;
	vm1 =	vcmask $0x2B00;
	v2 =	vsel vm8, $0x40800000, v2;
	v1 =	vsel vm12, $0x40A00000, v1  }
0x44: {  	s15 =	rddreg [dreg:$0x0];
	s28 =	simm.s32 $0x7;
	[tilespmem:$0x1FF40] =	vst v44;
	v45 =	vsel vm9, $0x40A00000, v2;
	v2 =	vsel vm3, $0x40800000, v46;
	v1 =	vsel vm13, $0x40C00000, v1  }
0x45: {  	s29 =	simm.s32 $0x6;
	s30 =	simm.s32 $0x8;
	s16 =	sadd.s32 $0x200, s15;
	v5 =	vsel vm1, $0x40C00000, v37;
	v2 =	vsel vm15, $0x40A00000, v2;
	[tilespmem:$0x1FF50] =	vst v1;
	v1 =	vsel vm10, $0x40C00000, v45  }
0x46: {  	s17 =	sadd.s32 $0x8A00, s15;
	s11 =	sshrl.u32 s11, $0x1;
	s4 =	ssub.s32 $0x2, s4;
	[tilespmem:$0x1FE00] =	vst v61;
	vm1 =	vcmask $0x1F00;
	v2 =	vsel vm4, $0x40C00000, v2;
	v1 =	vsel vm11, $0x40E00000, v1  }
0x47: {  	s9 =	rddreg [dreg:$0x1];
	s19 =	sshrl.u32 s4, $0x1;
	s2 =	simm.s32 $0x0;
	[tilespmem:$0x1FF30] =	vst v5;
	v3 =	vsel vm1, $0x40E00000, v3;
	v2 =	vsel vm5, $0x40E00000, v2;
	v1 =	vsel vm12, $0x41000000, v1  }
0x48: {  	s3 =	sshll.u32 s3, $0x7;
	s4 =	ssub.s32 s4, s19;
	[smem:$0x7FF] =	sst s2;
	v4 =	vsel vm14, $0xFFFFFFFF, v58;
	[tilespmem:$0x1FF60] =	vst v3;
	v50 =	vsel vm6, $0x41000000, v2;
	v1 =	vsel vm13, $0x41100000, v1  }
0x49: {  	s1 =	sshrl.u32 s1, $0x3;
	s10 =	rddreg [dreg:$0x2];
	v39 =	vsel vm14, $0x0, v9;
	vm1 =	vcmask $0x1300;
	_ =	strace $0x80000047;
	[tilespmem:$0x1FF80] =	vst v1;
	v1 =	vsel vm7, $0x41100000, v50  }
0x4a: {  	s3 =	sand.u32 $0x380, s3;
	s1 =	sadd.s32 s17, s1;
	s0 =	sshrl.u32 s0, $0x3;
	v49 =	vsel vm1, $0x41000000, v48;
	v3 =	vsel vm2, $0x41300000, v53;
	v1 =	vsel vm8, $0x41200000, v1  }
0x4b: {  	s12 =	sshll.u32 s5, $0x4;
	s5 =	sshll.u32 s5, $0x8;
	s13 =	smul.u32 $0x8800, s11;
	vm1 =	vcmask $0x700;
	v3 =	vsel vm3, $0x0, v3;
	v1 =	vsel vm9, $0x41300000, v1  }
0x4c: {  	s0 =	sadd.s32 s17, s0;
	s11 =	sshll.u32 s11, $0xA;
	s18 =	sand.u32 $0x300, s5;
	v0 =	vsel vm1, $0x41100000, v17;
	v55 =	vsel vm15, $0x3F800000, v3;
	v1 =	vsel vm10, $0x41400000, v1  }
0x4d: {  	s12 =	sadd.s32 s12, s15;
	s25 =	sor.u32 s11, s3;
	s14 =	sor.u32 s13, s18;
	vm1 =	vcmask $0x3B08;
	v54 =	vsel vm11, $0x0, v1;
	v1 =	vsel vm4, $0x40000000, v55  }
0x4e: {  	s21 =	sor.u32 s13, s3;
	s23 =	sor.u32 s11, s18;
	s20 =	sshrl.u32 s14, $0x3;
	v5 =	vunpack.c.0.s8.s32 v60;
	v0 =	vsel vm1, $0x41200000, v0;
	v1 =	vsel vm5, $0x40400000, v1  }
0x4f: {  	s31 =	sshrl.u32 s25, $0x3;
	s11 =	sadd.s32 $0x8C00, s12;
	s5 =	sadd.s32 s16, s20;
	vm1 =	vcmask $0x2F00;
	v3 =	vunpack.c.0.s8.s32 v57;
	v1 =	vsel vm6, $0x40800000, v1  }
0x50: {  	s12 =	smax.u32 s4, $0x1;
	s25 =	simm.s32 $0x2;
	v62 =	vand.u32 $0xFF, v5;
	v59 =	vsel vm1, $0x41300000, v52;
	[tilespmem:$0x1FF90] =	vst v49;
	[dreg:$0x4] =	wrdreg s5;
	v1 =	vsel vm7, $0x40A00000, v1  }
0x51: {  	s22 =	sshrl.u32 s21, $0x3;
	s24 =	sshrl.u32 s23, $0x3;
	vm1 =	vcmask $0x2B1C;
	v3 =	vand.u32 $0xFF, v3;
	[tilespmem:$0x1FFA0] =	vst v51;
	[dreg:$0x5] =	wrdreg s1;
	v1 =	vsel vm8, $0x40C00000, v1  }
0x52: {  	s23 =	simm.s32 $0x1;
	s26 =	sadd.s32 s9, s24;
	v61 =	vsel vm1, v3, v4;
	vm1 =	vcmask $0x3B2C;
	[tilespmem:$0x1FFB0] =	vst v0;
	[dreg:$0x7] =	wrdreg s0;
	v1 =	vsel vm9, $0x40E00000, v1  }
0x53: {  	s9 =	sadd.s32 s9, s31;
	v42 =	vimm.s32 $0x0;
	[tilespmem:$0x1FFC0] =	vst v56;
	s1 =	sadd.s32 s16, s22;
	[dreg:$0x8] =	wrdreg s26;
	v0 =	vsel vm12, $0x3F800000, v54;
	v1 =	vsel vm10, $0x41000000, v1  }
0x54: {  	v46 =	vimm.f32 $1.731449960e+00;
	s0 =	sadd.s32 s10, s24;
	[tilespmem:$0x1FFD0] =	vst v59;
	s10 =	sadd.s32 s10, s31;
	s22 =	simm.s32 $0x3;
	v0 =	vsel vm13, $0x40000000, v0;
	v1 =	vsel vm11, $0x41100000, v1  }
0x55: {  	s24 =	simm.s32 $0x4;
	s26 =	simm.s32 $0x5;
	[dreg:$0x6] =	wrdreg s1;
	[tilespmem:$0x1FFE0] =	vst v0;
	v0 =	vsel vm1, v62, v61;
	vm1 =	vcmask $0xB00;
	v63 =	vsel vm12, $0x41200000, v1  }
0x56: {  	v45 =	vimm.f32 $1.322100040e+00;
	[dreg:$0x9] =	wrdreg s0;
	s1 =	simm.s32 $0x9;
	s0 =	simm.s32 $0x0;
	[tilespmem:$0x1FFF0] =	vst v0;
	v41 =	vsel vm1, $0x41300000, v52;
	v40 =	vsel vm13, $0x41300000, v63  }
.LBB2_1:
0x57: {  	v0 =	vlaneseq.u32  }
0x58: {  	[tilespmem:$0x2780] =	vst v0;
	v0 =	vld [tilespmem:$0x1FE30];
	_ =	sdelay $0x4  }
0x59: {  	[tilespmem:$0x2580] =	vst v0;
	v0 =	vld [tilespmem:$0x1FE40];
	_ =	sdelay $0x4  }
0x5a: {  	[tilespmem:$0x2680] =	vst v0;
	v0 =	vld [tilespmem:$0x1FE50];
	_ =	sdelay $0x4  }
0x5b: {  	[tilespmem:$0x2790] =	vst v0;
	v0 =	vld [tilespmem:$0x1FE60];
	_ =	sdelay $0x4  }
0x5c: {  	[tilespmem:$0x2590] =	vst v0;
	v0 =	vld [tilespmem:$0x1FE70];
	_ =	sdelay $0x4  }
0x5d: {  	[tilespmem:$0x2690] =	vst v0;
	v0 =	vld [tilespmem:$0x1FE80];
	_ =	sdelay $0x4  }
0x5e: {  	[tilespmem:$0x27A0] =	vst v0;
	v0 =	vld [tilespmem:$0x1FE90];
	_ =	sdelay $0x4  }
0x5f: {  	[tilespmem:$0x25A0] =	vst v0;
	v0 =	vld [tilespmem:$0x1FEA0];
	_ =	sdelay $0x4  }
0x60: {  	[tilespmem:$0x26A0] =	vst v0;
	v0 =	vld [tilespmem:$0x1FEB0];
	_ =	sdelay $0x4  }
0x61: {  	[tilespmem:$0x27B0] =	vst v0;
	v0 =	vld [tilespmem:$0x1FEC0];
	_ =	sdelay $0x4  }
0x62: {  	[tilespmem:$0x25B0] =	vst v0;
	v0 =	vld [tilespmem:$0x1FED0];
	_ =	sdelay $0x4  }
0x63: {  	[tilespmem:$0x26B0] =	vst v0;
	v0 =	vld [tilespmem:$0x1FEE0];
	_ =	sdelay $0x4  }
0x64: {  	[tilespmem:$0x27C0] =	vst v0;
	v0 =	vld [tilespmem:$0x1FEF0];
	_ =	sdelay $0x4  }
0x65: {  	[tilespmem:$0x25C0] =	vst v0;
	v0 =	vld [tilespmem:$0x1FF00];
	_ =	sdelay $0x2  }
0x66: {  	v1 =	vld [tilespmem:$0x1FF20];
	_ =	sdelay $0x1  }
0x67: {  	[tilespmem:$0x26C0] =	vst v0;
	v0 =	vld [tilespmem:$0x1FF10];
	_ =	sdelay $0x2  }
0x68: {  	[tilespmem:$0x25D0] =	vst v1;
	v1 =	vld [tilespmem:$0x1FF30];
	_ =	sdelay $0x1  }
0x69: {  	vm1 =	vcmask $0x704;
	[tilespmem:$0x27D0] =	vst v0;
	v0 =	vsel vm0, $0x41300000, v47  }
0x6a: {  	v0 =	vsel vm1, $0x41400000, v0;
	vm1 =	vcmask $0xF0C  }
0x6b: {  	v0 =	vsel vm1, $0x3F800000, v0;
	vm1 =	vcmask $0x1310  }
0x6c: {  	[tilespmem:$0x26D0] =	vst v1;
	v1 =	vld [tilespmem:$0x1FF40];
	v0 =	vsel vm1, $0x40000000, v0  }
0x6d: {  	v0 =	vsel vm4, $0x40400000, v0  }
0x6e: {  	v0 =	vsel vm5, $0x40800000, v0  }
0x6f: {  	v0 =	vsel vm6, $0x40A00000, v0  }
0x70: {  	v0 =	vsel vm7, $0x40C00000, v0  }
0x71: {  	[tilespmem:$0x27E0] =	vst v1;
	v1 =	vld [tilespmem:$0x1FF50];
	v0 =	vsel vm8, $0x40E00000, v0  }
0x72: {  	v0 =	vsel vm9, $0x41000000, v0  }
0x73: {  	v0 =	vsel vm10, $0x41100000, v0  }
0x74: {  	v0 =	vsel vm11, $0x41200000, v0  }
0x75: {  	v0 =	vsel vm12, $0x41300000, v0  }
0x76: {  	[tilespmem:$0x25E0] =	vst v1;
	v1 =	vld [tilespmem:$0x1FF60];
	v0 =	vsel vm13, $0x41400000, v0  }
0x77: {  	[tilespmem:$0x2600] =	vst v0;
	v0 =	vld [tilespmem:$0x1FFB0];
	_ =	sdelay $0x2  }
0x78: {  	[tilespmem:$0x2880] =	vst v9  }
0x79: {  	[tilespmem:$0x26E0] =	vst v1;
	v1 =	vld [tilespmem:$0x1FF70]  }
0x7a: {  	[tilespmem:$0x2700] =	vst v0;
	v0 =	vld [tilespmem:$0x1FFC0]  }
0x7b: {  	[tilespmem:$0x2890] =	vst v9  }
0x7c: {  	[tilespmem:$0x28A0] =	vst v9  }
0x7d: {  	[tilespmem:$0x28B0] =	vst v9  }
0x7e: {  	[tilespmem:$0x27F0] =	vst v1;
	v1 =	vld [tilespmem:$0x1FF80]  }
0x7f: {  	[tilespmem:$0x2810] =	vst v0;
	v0 =	vld [tilespmem:$0x1FFE0]  }
0x80: {  	[tilespmem:$0x28C0] =	vst v9  }
0x81: {  	[tilespmem:$0x28D0] =	vst v9  }
0x82: {  	[tilespmem:$0x28E0] =	vst v9  }
0x83: {  	[tilespmem:$0x25F0] =	vst v1;
	v1 =	vld [tilespmem:$0x1FF90]  }
0x84: {  	[tilespmem:$0x2610] =	vst v0;
	v0 =	vld [tilespmem:$0x1FFD0]  }
0x85: {  	[tilespmem:$0x28F0] =	vst v9  }
0x86: {  	[tilespmem:$0x2900] =	vst v9  }
0x87: {  	[tilespmem:$0x2910] =	vst v9  }
0x88: {  	[tilespmem:$0x26F0] =	vst v1;
	v1 =	vld [tilespmem:$0x1FFA0]  }
0x89: {  	[tilespmem:$0x2710] =	vst v0;
	v0 =	vld [tilespmem:$0x1FFF0]  }
0x8a: {  	[tilespmem:$0x2920] =	vst v39  }
0x8b: {  	[tilespmem:$0x2620] =	vst v40  }
0x8c: {  	[tilespmem:$0x2720] =	vst v41  }
0x8d: {  	[tilespmem:$0x2800] =	vst v1  }
0x8e: {  	s3 =	rddreg [dreg:$0x4];
	s4 =	simm.s32 $0x80;
	s5 =	simm.s32 $0x400;
	[tilespmem:$0x2820] =	vst v0  }
0x8f: {  	[tilespmem:s2], [sflag:$0x1] =	stream.strided.gather [hbm4b:s3+s4], $0x1100, s5, s4, $0x38;
	[tilespmem:$0x2980] =	vst v63  }
0x90: {  	s8 =	rddreg [dreg:$0x5];
	s6 =	simm.s32 $0x2200  }
0x91: {  	[tilespmem:s6], [sflag:$0x3] =	stream.linear.gather [hbm4b:s8+s2], $0x10, $0x38;
	[tilespmem:$0x2980] =	vst v63  }
0x92: {  	s13 =	rddreg [dreg:$0x6];
	s14 =	simm.s32 $0x1100  }
0x93: {  	[tilespmem:s14], [sflag:$0x2] =	stream.strided.gather [hbm4b:s13+s4], $0x1100, s5, s4, $0x38;
	[tilespmem:$0x2980] =	vst v63  }
0x94: {  	s15 =	rddreg [dreg:$0x7];
	s16 =	simm.s32 $0x2280  }
0x95: {  	[tilespmem:s16], [sflag:$0x4] =	stream.linear.gather [hbm4b:s15+s2], $0x10, $0x38;
	[tilespmem:$0x2980] =	vst v63  }
0x96: {  	s17 =	rddreg [dreg:$0x8];
	s18 =	simm.s32 $0x2300  }
0x97: {  	[tilespmem:s18], [sflag:$0x5] =	stream.linear.gather [hbm4b:s17+s2], $0x80, $0x38;
	[tilespmem:$0x2980] =	vst v63  }
0x98: {  	s19 =	rddreg [dreg:$0x9];
	s20 =	simm.s32 $0x2400  }
0x99: {  	[tilespmem:s20], [sflag:$0x7] =	stream.linear.gather [hbm4b:s19+s2], $0x80, $0x38;
	[tilespmem:$0x2980] =	vst v63  }
0x9a: {  	s21 =	simm.s32 $0x2380  }
0x9b: {  	[tilespmem:s21], [sflag:$0x6] =	stream.linear.gather [hbm4b:s9+s2], $0x80, $0x38;
	[tilespmem:$0x2980] =	vst v63  }
0x9c: {  	s4 =	simm.s32 $0x2480  }
0x9d: {  	[tilespmem:s4], [sflag:$0x8] =	stream.linear.gather [hbm4b:s10+s2], $0x80, $0x38;
	[tilespmem:$0x2980] =	vst v63  }
0x9e: {  	_ =	swait.ge [sflag:s22], $0x10  }
0x9f: {  	[sflag:s22] =	ssyncset.done $0x0  }
0xa0: {  	v1 =	vld [tilespmem:$0x1FDD0];
	[sflag:s22] =	ssyncadd.s32 $0xFFFFFFF0  }
0xa1: {  	v0 =	vld [tilespmem:$0x2200]  }
0xa2: {  	v2 =	vld [tilespmem:$0x1FDE0];
	_ =	sdelay $0x3  }
0xa3: {  	v1 =	vperm.xlane v0, v1  }
0xa4: {  	v2 =	vperm.xlane v0, v2  }
0xa5: {  	v50 =	vmul.f32 $1.300000000e+01, v1  }
0xa6: {  	v51 =	vmul.f32 $1.300000000e+01, v2  }
0xa7: {  	v1 =	vadd.f32 $1.322100040e+00, v50  }
0xa8: {  	v2 =	vmax.f32 v50, $1.322100040e+00;
	v3 =	vadd.f32 $1.731449960e+00, v51;
	v4 =	vmax.f32 v51, $1.731449960e+00  }
0xa9: {  	v49 =	vmul.f32 v51, v50;
	v6 =	vmax.f32 v50, $3.192749980e+00;
	v7 =	vmax.f32 v51, $4.009439950e+00  }
0xaa: {  	v8 =	vmax.f32 v51, $8.098919860e+00;
	v10 =	vmax.f32 v50, $9.471119880e+00;
	v1 =	vsub.f32 v1, v2  }
0xab: {  	v11 =	vmax.f32 v51, $4.840529920e+00;
	v2 =	vsub.f32 v3, v4;
	v3 =	vadd.f32 $3.192749980e+00, v50  }
0xac: {  	v12 =	vmax.f32 v51, $1.000710010e+01;
	v4 =	vadd.f32 $4.009439950e+00, v51;
	v5 =	vadd.f32 $2.289150000e+00, v49  }
0xad: {  	v1 =	vmax.f32 v1, $0.0e+00;
	v2 =	vmax.f32 v2, $0.0e+00;
	v3 =	vsub.f32 v3, v6  }
0xae: {  	v4 =	vsub.f32 v4, v7;
	v6 =	vadd.f32 $8.098919860e+00, v51;
	v7 =	vmax.f32 v50, $5.055870060e+00  }
0xaf: {  	v1 =	vmul.f32 v2, v1;
	v2 =	vadd.f32 $5.055870060e+00, v50;
	v3 =	vmax.f32 v3, $0.0e+00  }
0xb0: {  	v4 =	vmax.f32 v4, $0.0e+00;
	v6 =	vsub.f32 v6, v8;
	v8 =	vadd.f32 $4.840529920e+00, v51  }
0xb1: {  	v2 =	vsub.f32 v2, v7;
	v3 =	vmul.f32 v4, v3;
	v4 =	vadd.f32 $1.280113980e+01, v49  }
0xb2: {  	v5 =	vsub.f32 v5, v1;
	v7 =	vadd.f32 $9.471119880e+00, v50;
	v6 =	vmax.f32 v6, $0.0e+00  }
0xb3: {  	v8 =	vsub.f32 v8, v11;
	v11 =	vmax.f32 v50, $1.123639970e+01;
	v2 =	vmax.f32 v2, $0.0e+00  }
0xb4: {  	v7 =	vsub.f32 v7, v10;
	(erf) = vrcp.f32 v5;
	v5 =	vadd.f32 $1.123639970e+01, v50  }
0xb5: {  	v10 =	vadd.f32 $1.000710010e+01, v51;
	v2 =	vmul.f32 v6, v2;
	v6 =	vadd.f32 $4.094708630e+01, v49  }
0xb6: {  	v4 =	vsub.f32 v4, v3;
	v8 =	vmax.f32 v8, $0.0e+00;
	v5 =	vsub.f32 v5, v11  }
0xb7: {  	v7 =	vmax.f32 v7, $0.0e+00;
	v10 =	vsub.f32 v10, v12;
	v6 =	vsub.f32 v6, v2  }
0xb8: {  	(erf) = vrcp.f32 v4;
	v4 =	vmul.f32 v8, v7;
	v7 =	vadd.f32 $4.584524150e+01, v49  }
0xb9: {  	v5 =	vmax.f32 v5, $0.0e+00;
	(erf) = vrcp.f32 v6;
	v6 =	vmax.f32 v10, $0.0e+00  }
0xba: {  	v5 =	vmul.f32 v6, v5;
	v6 =	vadd.f32 $1.124437790e+02, v49  }
0xbb: {  	v7 =	vsub.f32 v7, v4  }
0xbc: {  	v6 =	vsub.f32 v6, v5  }
0xbd: {  	(erf) = vrcp.f32 v7;
	_ =	sdelay $0x1  }
0xbe: {  	(erf) = vrcp.f32 v6  }
0xbf: {  	v6 =	vpop (erf)  }
0xc0: {  	v7 =	vpop (erf)  }
0xc1: {  	v3 =	vmul.f32 v7, v3  }
0xc2: {  	v1 =	vmul.f32 v6, v1;
	v6 =	vpop (erf)  }
0xc3: {  	v2 =	vmul.f32 v6, v2  }
0xc4: {  	vm1 =	vgt.f32 v3, v1  }
0xc5: {  	v1 =	vsel vm1, v3, v1;
	v3 =	vpop (erf)  }
0xc6: {  	vm14 =	vgt.f32 v2, v1;
	v3 =	vmul.f32 v3, v4  }
0xc7: {  	v1 =	vsel vm14, v2, v1;
	v2 =	vpop (erf)  }
0xc8: {  	v2 =	vmul.f32 v2, v5;
	vm15 =	vgt.f32 v3, v1  }
0xc9: {  	v4 =	vsel vm1, $0x1, v42;
	v1 =	vsel vm15, v3, v1  }
0xca: {  	v3 =	vsel vm14, $0x2, v4;
	vm1 =	vgt.f32 v2, v1  }
0xcb: {  	v1 =	vsel vm15, $0x3, v3;
	vm1 =	vmneg vm1  }
0xcc: {  	v48 =	vnsel vm1, $0x4, v1  }
0xcd: {  	vm14 =	veq.s32 v48, $0x0;
	vm2 =	veq.s32 v48, $0x1  }
0xce: {  	v1 =	vsel vm14, $0x3FA93A93, v47;
	v2 =	vsel vm2, $0x404C5604, v47  }
0xcf: {  	vm3 =	veq.s32 v48, $0x2;
	v1 =	vadd.f32 v2, v1  }
0xd0: {  	v2 =	vsel vm3, $0x40A1C9B0, v47  }
0xd1: {  	vm15 =	vmand vm15, vm1;
	v1 =	vadd.f32 v1, v2  }
0xd2: {  	v2 =	vsel vm15, $0x411789B5, v47  }
0xd3: {  	v1 =	vadd.f32 v1, v2  }
0xd4: {  	v2 =	vsel vm1, $0x0, v31  }
0xd5: {  	v3 =	vsel vm14, $0x3FDDA027, v47;
	v4 =	vsel vm2, $0x40804D55, v47;
	v1 =	vadd.f32 v1, v2  }
0xd6: {  	v2 =	vadd.f32 v4, v3  }
0xd7: {  	v3 =	vsel vm3, $0x4101952D, v47;
	(erf) = vrcp.f32 v1  }
0xd8: {  	v1 =	vadd.f32 v2, v3  }
0xd9: {  	v2 =	vsel vm15, $0x409AE59F, v47  }
0xda: {  	v1 =	vadd.f32 v1, v2  }
0xdb: {  	v2 =	vsel vm1, $0x0, v32  }
0xdc: {  	v1 =	vadd.f32 v1, v2;
	_ =	sdelay $0x3  }
0xdd: {  	(erf) = vrcp.f32 v1;
	v1 =	vpop (erf)  }
0xde: {  	v2 =	vmul.f32 v1, v50;
	_ =	sdelay $0x1  }
0xdf: {  	v1 =	vand.u32 $0x7FFFFF, v2  }
0xe0: {  	v1 =	vor.u32 $0x3F800000, v1  }
0xe1: {  	v3 =	vmul.f32 $5.000000000e-01, v1;
	_ =	sdelay $0x1  }
0xe2: {  	vm15 =	vgt.f32 v1, $1.414213540e+00  }
0xe3: {  	v1 =	vsel vm15, v3, v1  }
0xe4: {  	v5 =	vadd.f32 $-1.000000000e+00, v1;
	v3 =	vpop (erf)  }
0xe5: {  	v6 =	vmul.f32 v3, v51  }
0xe6: {  	v1 =	vmul.f32 $7.037683580e-02, v5  }
0xe7: {  	v3 =	vand.u32 $0x7FFFFF, v6  }
0xe8: {  	v1 =	vadd.f32 $-1.151461010e-01, v1;
	v3 =	vor.u32 $0x3F800000, v3  }
0xe9: {  	v4 =	vmul.f32 $5.000000000e-01, v3  }
0xea: {  	s5 =	smulhi.u32 $0xBA2E8BA3, s2;
	vm14 =	vgt.f32 v3, $1.414213540e+00;
	v7 =	vmul.f32 v1, v5  }
0xeb: {  	s13 =	smul.u32 $0xBA2F, s2;
	v1 =	vsel vm14, v4, v3  }
0xec: {  	s6 =	sshrl.u32 s5, $0x7;
	v3 =	vadd.f32 $1.167699840e-01, v7;
	v1 =	vadd.f32 $-1.000000000e+00, v1  }
0xed: {  	s3 =	sshrl.u32 s13, $0x17;
	s14 =	smul.u32 $0xB0, s6  }
0xee: {  	s13 =	smul.u32 $0xD34, s3;
	v3 =	vmul.f32 v3, v5;
	v4 =	vmul.f32 $7.037683580e-02, v1  }
0xef: {  	s14 =	ssub.s32 $0x0, s14;
	_ =	swait.ge [sflag:s23], $0x1100  }
0xf0: {  	s13 =	sshrl.u32 s13, $0x2;
	s14 =	smin.u32 s14, $0x99;
	[sflag:s23] =	ssyncset.done $0x0;
	v3 =	vadd.f32 $-1.242014100e-01, v3;
	v4 =	vadd.f32 $-1.151461010e-01, v4  }
0xf1: {  	s13 =	sadd.s32 s13, s14;
	[sflag:s23] =	ssyncadd.s32 $0xFFFFEF00  }
0xf2: {  	v7 =	vld [tilespmem:s13+$0x0];
	v3 =	vmul.f32 v3, v5;
	v4 =	vmul.f32 v4, v1;
	_ =	sdelay $0x1  }
0xf3: {  	v8 =	vld [tilespmem:s13+$0xA9];
	v3 =	vadd.f32 $1.424932330e-01, v3;
	v4 =	vadd.f32 $1.167699840e-01, v4;
	_ =	sdelay $0x1  }
0xf4: {  	v10 =	vld [tilespmem:$0x1FDB0];
	v3 =	vmul.f32 v3, v5;
	v4 =	vmul.f32 v4, v1  }
0xf5: {  	v7 =	vsub.f32 $0.0e+00, v7  }
0xf6: {  	v11 =	vld [tilespmem:$0x1FDC0];
	v3 =	vadd.f32 $-1.666805740e-01, v3;
	v4 =	vadd.f32 $-1.242014100e-01, v4  }
0xf7: {  	v8 =	vsub.f32 $0.0e+00, v8;
	v7 =	vmul.f32 $1.442695020e+00, v7  }
0xf8: {  	v12 =	vshra.s32 v2, $0x17;
	v2 =	vld [tilespmem:s13+$0x1FB];
	v3 =	vmul.f32 v3, v5;
	v4 =	vmul.f32 v4, v1  }
0xf9: {  	v10 =	vperm.xlane v0, v10;
	v8 =	vmul.f32 $1.442695020e+00, v8  }
0xfa: {  	(erf) = vpow2.f32 v7;
	v3 =	vadd.f32 $2.000071410e-01, v3;
	v4 =	vadd.f32 $1.424932330e-01, v4  }
0xfb: {  	v13 =	vsel vm15, $0x1, v42;
	v0 =	vperm.xlane v0, v11;
	(erf) = vpow2.f32 v8  }
0xfc: {  	v6 =	vshra.s32 v6, $0x17;
	v7 =	vmul.f32 v3, v5;
	v4 =	vmul.f32 v4, v1  }
0xfd: {  	v18 =	vsel vm14, $0x1, v42;
	v17 =	vmul.f32 $1.442695020e+00, v2;
	v3 =	vmul.f32 $1.300000000e+01, v0  }
0xfe: {  	v0 =	vadd.f32 $-2.499999400e-01, v7;
	v7 =	vmul.f32 $5.000000000e-01, v50;
	v8 =	vadd.f32 $-1.666805740e-01, v4  }
0xff: {  	v6 =	vadd.s32 v18, v6;
	v4 =	vmul.f32 $1.300000000e+01, v10;
	v10 =	vmul.f32 v5, v5  }
0x100: {  	s7 =	simm.s32 $0x10;
	v6 =	vadd.s32 $0xFFFFFF81, v6;
	v11 =	vmul.f32 v0, v5;
	v0 =	vld [tilespmem:s13+$0x152];
	v8 =	vmul.f32 v8, v1  }
0x101: {  	s15 =	smulhi.u32 $0xBA2E8BA3, s7;
	v6 =	vcvt.s32.f32 v6;
	v52 =	vsub.f32 v4, v7;
	v14 =	vmul.f32 v10, v5  }
0x102: {  	s16 =	smul.u32 $0xBA2F, s7;
	v58 =	vadd.f32 v7, v4;
	v7 =	vadd.s32 v13, v12;
	v8 =	vadd.f32 $2.000071410e-01, v8  }
0x103: {  	s8 =	sshrl.u32 s15, $0x7;
	v12 =	vmul.f32 $5.000000000e-01, v51;
	v13 =	vpop (erf);
	v10 =	vmul.f32 $5.000000000e-01, v10;
	v11 =	vadd.f32 $3.333333130e-01, v11  }
0x104: {  	s15 =	smul.u32 $0xB0, s8;
	s19 =	sshrl.u32 s16, $0x17;
	v7 =	vadd.s32 $0xFFFFFF81, v7;
	v15 =	vpop (erf);
	v13 =	vadd.f32 $1.000000000e+00, v13;
	v8 =	vmul.f32 v8, v1  }
0x105: {  	s16 =	smul.u32 $0xD34, s19;
	v15 =	vadd.f32 $1.000000000e+00, v15;
	v7 =	vcvt.s32.f32 v7;
	v16 =	vmul.f32 $1.442695020e+00, v0  }
0x106: {  	s15 =	ssub.s32 $0x10, s15;
	v11 =	vmul.f32 v11, v14;
	v14 =	vmul.f32 v1, v1;
	v8 =	vadd.f32 $-2.499999400e-01, v8  }
0x107: {  	s15 =	smin.u32 s15, $0x99;
	s16 =	sshrl.u32 s16, $0x2;
	(erf) = vpow2.f32 v16;
	v16 =	vmul.f32 v15, v13  }
0x108: {  	s16 =	sadd.s32 s16, s15;
	(erf) = vpow2.f32 v17;
	v8 =	vmul.f32 v8, v1  }
0x109: {  	v60 =	vsub.f32 v3, v12;
	v10 =	vsub.f32 v11, v10;
	v11 =	vld [tilespmem:s16+$0x0];
	(erf) = vrcp.f32 v16  }
0x10a: {  	v61 =	vadd.f32 v12, v3;
	v19 =	vmul.f32 v14, v1;
	v16 =	vld [tilespmem:s13+$0x2A4];
	v8 =	vadd.f32 $3.333333130e-01, v8  }
0x10b: {  	p0 =	por $0x1, $0x1;
	v12 =	vtrunc.f32 v4;
	v5 =	vadd.f32 v10, v5;
	v10 =	vmul.f32 $6.931471820e-01, v6;
	v6 =	vld [tilespmem:s16+$0xA9]  }
0x10c: {  	p3 =	por $0x0, $0x0;
	s4 =	smul.u32 $0xFFFFFD40, s6;
	v14 =	vmul.f32 $5.000000000e-01, v14;
	v17 =	vpsel !p0, $0x41201D15, v46;
	v8 =	vmul.f32 v8, v19  }
0x10d: {  	p4 =	por $0x0, $0x0;
	v12 =	vcvt.f32.s32 v12;
	v7 =	vmul.f32 $6.931471820e-01, v7;
	v17 =	vpsel p3, $0x40804D55, v17  }
0x10e: {  	s13 =	sshra.s32 s4, $0x2;
	v17 =	vpsel p4, $0x4101952D, v17;
	v8 =	vsub.f32 v8, v14;
	v14 =	vpsel !p0, $0x4133C84B, v45  }
0x10f: {  	p1 =	por $0x0, $0x0;
	s4 =	sadd.s32 $0x2580, s13;
	v11 =	vsub.f32 $0.0e+00, v11;
	v16 =	vsub.f32 $0.0e+00, v16;
	v14 =	vpsel p3, $0x404C5604, v14  }
0x110: {  	s21 =	sadd.s32 $0x2680, s13;
	v17 =	vpsel p1, $0x409AE59F, v17;
	v19 =	vld [tilespmem:s4+$0x0];
	v6 =	vsub.f32 $0.0e+00, v6;
	v18 =	vpop (erf);
	v14 =	vpsel p4, $0x40A1C9B0, v14  }
0x111: {  	v21 =	vld [tilespmem:s21+$0x0];
	v11 =	vmul.f32 $1.442695020e+00, v11;
	v16 =	vmul.f32 $1.442695020e+00, v16;
	v20 =	vpop (erf);
	v14 =	vpsel p1, $0x411789B5, v14  }
0x112: {  	v8 =	vadd.f32 v8, v1;
	v1 =	vmul.f32 $1.442695020e+00, v6;
	v14 =	vmul.f32 v18, v14;
	v18 =	vpop (erf)  }
0x113: {  	v53 =	vadd.f32 v5, v7;
	v5 =	vmul.f32 v20, v17;
	v7 =	vmul.f32 v18, v15  }
0x114: {  	(erf) = vpow2.f32 v16;
	v13 =	vmul.f32 v18, v13  }
0x115: {  	(erf) = vpow2.f32 v11;
	v6 =	vmul.f32 $5.000000000e-01, v14;
	v15 =	vadd.f32 v7, v19  }
0x116: {  	v54 =	vadd.f32 v8, v10;
	v11 =	vmul.f32 $5.000000000e-01, v5;
	v16 =	vadd.f32 v13, v21  }
0x117: {  	(erf) = vpow2.f32 v1;
	v17 =	vsub.f32 v15, v6;
	v6 =	vadd.f32 v15, v6  }
0x118: {  	v10 =	vcvt.s32.f32 v12;
	v15 =	vsub.f32 v16, v11;
	v11 =	vadd.f32 v16, v11  }
0x119: {  	v18 =	vadd.f32 v5, v51;
	v16 =	vadd.f32 v14, v50;
	v17 =	vmin.f32 v17, v52  }
0x11a: {  	v19 =	vmax.f32 v6, v58;
	v15 =	vmin.f32 v15, v60;
	v11 =	vmax.f32 v11, v61  }
0x11b: {  	s5 =	simm.s32 $0x20;
	v20 =	vtrunc.f32 v3;
	v1 =	vld [tilespmem:s16+$0x152];
	v17 =	vsub.f32 v19, v17;
	v11 =	vsub.f32 v11, v15  }
0x11c: {  	s6 =	smulhi.u32 $0xBA2E8BA3, s5;
	v8 =	vcvt.f32.s32 v20;
	v6 =	vld [tilespmem:s16+$0x1FB]  }
0x11d: {  	s17 =	smul.u32 $0xBA2F, s5;
	v5 =	vmul.f32 v5, v14;
	v15 =	vsub.f32 v16, v17;
	v11 =	vsub.f32 v18, v11  }
0x11e: {  	s4 =	sshrl.u32 s6, $0x7;
	v55 =	vsub.f32 v4, v10;
	v4 =	vcvt.s32.f32 v8;
	v10 =	vpop (erf)  }
0x11f: {  	s15 =	sshrl.u32 s17, $0x17;
	s18 =	smul.u32 $0xB0, s4;
	v5 =	vadd.f32 v5, v49;
	v14 =	vpop (erf);
	v15 =	vmax.f32 v15, $0.0e+00;
	v11 =	vmax.f32 v11, $0.0e+00  }
0x120: {  	s17 =	smul.u32 $0xD34, s15;
	v57 =	vsub.f32 v3, v4;
	v16 =	vmul.f32 $1.442695020e+00, v1;
	v17 =	vpop (erf);
	v11 =	vmul.f32 v11, v15  }
0x121: {  	s18 =	ssub.s32 $0x20, s18;
	v4 =	vld [tilespmem:s16+$0x2A4];
	v14 =	vadd.f32 $1.000000000e+00, v14;
	v18 =	vmul.f32 $1.442695020e+00, v6;
	v15 =	vadd.f32 $1.000000000e+00, v17  }
0x122: {  	s17 =	sshrl.u32 s17, $0x2;
	s18 =	smin.u32 s18, $0x99;
	v10 =	vadd.f32 $1.000000000e+00, v10;
	(erf) = vpow2.f32 v16;
	v5 =	vsub.f32 v5, v11  }
0x123: {  	s20 =	sadd.s32 s17, s18;
	v3 =	vmul.u32 $0xD, v8;
	(erf) = vpow2.f32 v18;
	v8 =	vmul.f32 v15, v14  }
0x124: {  	v20 =	vmov s3;
	v21 =	vsub.f32 v0, v53;
	v16 =	vld [tilespmem:s20+$0x0];
	v19 =	vmul.f32 v5, v10  }
0x125: {  	v0 =	vmul.f32 v0, v0;
	v56 =	vadd.s32 v12, v3;
	(erf) = vrcp.f32 v8  }
0x126: {  	p5 =	por $0x1, $0x1;
	v24 =	vsub.f32 v13, v57;
	v4 =	vsub.f32 $0.0e+00, v4;
	v8 =	vld [tilespmem:s20+$0xA9];
	(erf) = vrcp.f32 v19  }
0x127: {  	p6 =	por $0x0, $0x0;
	s7 =	smul.u32 $0xFFFFFD40, s8;
	v13 =	vadd.f32 $-5.000000000e-01, v13;
	v17 =	vpsel !p5, $0x4133C84B, v45;
	v18 =	vpsel !p5, $0x41201D15, v46  }
0x128: {  	p1 =	por $0x0, $0x0;
	v4 =	vmul.f32 $1.442695020e+00, v4;
	v17 =	vpsel p6, $0x404C5604, v17;
	v18 =	vpsel p6, $0x40804D55, v18  }
0x129: {  	p2 =	por $0x0, $0x0;
	v17 =	vpsel p1, $0x40A1C9B0, v17;
	v18 =	vpsel p1, $0x4101952D, v18;
	v16 =	vsub.f32 $0.0e+00, v16  }
0x12a: {  	s17 =	sshra.s32 s7, $0x2;
	v17 =	vpsel p2, $0x411789B5, v17;
	v18 =	vpsel p2, $0x409AE59F, v18;
	v19 =	vbroadcast v20, $0x0  }
0x12b: {  	s3 =	sadd.s32 $0x2590, s17;
	v20 =	vmul.f32 v2, v2;
	v16 =	vmul.f32 $1.442695020e+00, v16;
	v22 =	vpop (erf);
	v8 =	vsub.f32 $0.0e+00, v8  }
0x12c: {  	s8 =	sadd.s32 $0x2690, s17;
	v2 =	vsub.f32 v2, v54;
	v3 =	vmul.f32 v22, v17;
	v17 =	vld [tilespmem:s3+$0x0];
	v23 =	vpop (erf);
	(erf) = vpow2.f32 v4  }
0x12d: {  	vm14 =	veq.s32 v48, v19;
	v4 =	vld [tilespmem:s8+$0x0];
	v12 =	vmul.f32 v23, v18;
	v8 =	vmul.f32 $1.442695020e+00, v8  }
0x12e: {  	v18 =	vmul.f32 $5.000000000e-01, v3;
	v19 =	vadd.f32 v3, v50;
	v23 =	vpop (erf);
	(erf) = vpow2.f32 v16  }
0x12f: {  	v16 =	vmul.f32 $5.000000000e-01, v12;
	v62 =	vmul.f32 v23, v15;
	v15 =	vsub.f32 v7, v55;
	v25 =	vpop (erf)  }
0x130: {  	v63 =	vmul.f32 v23, v14;
	v7 =	vadd.f32 $-5.000000000e-01, v7;
	v10 =	vmul.f32 v25, v10  }
0x131: {  	v14 =	vmul.f32 v15, v15;
	v15 =	vmul.f32 v24, v24;
	v17 =	vadd.f32 v62, v17  }
0x132: {  	v5 =	vmul.f32 v25, v5;
	v4 =	vadd.f32 v63, v4;
	v7 =	vmul.f32 v7, v7  }
0x133: {  	v10 =	vmul.f32 v10, v11;
	v11 =	vmul.f32 v13, v13;
	v14 =	vadd.f32 v15, v14  }
0x134: {  	(erf) = vpow2.f32 v8;
	v15 =	vsub.f32 v17, v18;
	v8 =	vsub.f32 v4, v16  }
0x135: {  	v21 =	vmul.f32 v21, v21;
	s16 =	sadd.s32 $0x2880, s13;
	v13 =	vsub.f32 v5, v10;
	v7 =	vadd.f32 v11, v7  }
0x136: {  	s18 =	sadd.s32 $0x2780, s13;
	v2 =	vmul.f32 v2, v2;
	v4 =	vadd.f32 v4, v16;
	v11 =	vadd.f32 v17, v18;
	v17 =	vld [tilespmem:s16+$0x0]  }
0x137: {  	v14 =	vadd.f32 v14, v21;
	v13 =	vmul.f32 v13, v13;
	v0 =	vadd.f32 v7, v0;
	v7 =	vld [tilespmem:s18+$0x0]  }
0x138: {  	v22 =	vadd.f32 v12, v51;
	vm1 =	vgt.f32 v10, $6.000000240e-01;
	v10 =	vmin.f32 v8, v60  }
0x139: {  	v4 =	vmax.f32 v4, v61;
	v2 =	vadd.f32 v14, v2;
	v13 =	vmul.f32 $5.000000000e+00, v13  }
0x13a: {  	v5 =	vmul.f32 v5, v5;
	v4 =	vsub.f32 v4, v10;
	v14 =	vmin.f32 v15, v52  }
0x13b: {  	v11 =	vmax.f32 v11, v58;
	s18 =	simm.s32 $0x30;
	v0 =	vadd.f32 v0, v20;
	v2 =	vadd.f32 v13, v2  }
0x13c: {  	s21 =	smulhi.u32 $0xBA2E8BA3, s18;
	v8 =	vsel vm1, $0x0, v17;
	vm1 =	veq.s32 v7, v56;
	v7 =	vsub.f32 v11, v14  }
0x13d: {  	v59 =	vld [tilespmem:s20+$0x152];
	s5 =	smul.u32 $0xBA2F, s18;
	v5 =	vmul.f32 v8, v5;
	v2 =	vsub.f32 v2, v0;
	v0 =	vmul.f32 v0, v17  }
0x13e: {  	v3 =	vmul.f32 v12, v3;
	v4 =	vsub.f32 v22, v4;
	s21 =	sshrl.u32 s21, $0x7;
	v8 =	vld [tilespmem:s20+$0x1FB];
	v7 =	vsub.f32 v19, v7  }
0x13f: {  	s16 =	sshrl.u32 s5, $0x17;
	s3 =	smul.u32 $0xB0, s21;
	vm1 =	vmand vm1, vm14;
	v2 =	vsub.f32 v2, v5;
	v0 =	vadd.f32 v0, v47  }
0x140: {  	v3 =	vadd.f32 v3, v49;
	v4 =	vmax.f32 v4, $0.0e+00;
	s13 =	smul.u32 $0xD34, s16;
	v11 =	vpop (erf);
	v13 =	vsel vm1, $0x3F800000, v47  }
0x141: {  	s3 =	ssub.s32 $0x30, s3;
	v0 =	vadd.f32 v5, v0;
	v5 =	vpop (erf);
	v12 =	vmul.f32 v2, v13;
	v2 =	vmax.f32 v7, $0.0e+00  }
0x142: {  	v25 =	vsub.f32 v62, v55;
	v10 =	vmul.f32 $1.442695020e+00, v59;
	s13 =	sshrl.u32 s13, $0x2;
	s3 =	smin.u32 s3, $0x99;
	v7 =	vpop (erf);
	v2 =	vmul.f32 v4, v2  }
0x143: {  	s31 =	sadd.s32 s13, s3;
	v13 =	vmul.f32 $1.442695020e+00, v8;
	v14 =	vadd.f32 $1.000000000e+00, v5;
	v22 =	vadd.f32 $1.000000000e+00, v7  }
0x144: {  	(erf) = vpow2.f32 v10;
	v10 =	vld [tilespmem:s31+$0x0];
	v5 =	vadd.f32 $1.000000000e+00, v11;
	v3 =	vsub.f32 v3, v2  }
0x145: {  	p3 =	por $0x1, $0x1;
	v23 =	vsub.f32 v63, v57;
	(erf) = vpow2.f32 v13;
	v7 =	vld [tilespmem:s20+$0x2A4];
	v4 =	vmul.f32 v22, v14  }
0x146: {  	p4 =	por $0x0, $0x0;
	v0 =	vadd.f32 v12, v0;
	v12 =	vpsel !p3, $0x41201D15, v46;
	v13 =	vmul.f32 v3, v5  }
0x147: {  	p5 =	por $0x0, $0x0;
	v11 =	vpsel !p3, $0x4133C84B, v45;
	v12 =	vpsel p4, $0x40804D55, v12;
	(erf) = vrcp.f32 v4  }
0x148: {  	s6 =	sadd.s32 $0x2790, s17;
	v15 =	vld [tilespmem:s31+$0xA9];
	v11 =	vpsel p4, $0x404C5604, v11;
	v12 =	vpsel p5, $0x4101952D, v12;
	(erf) = vrcp.f32 v13  }
0x149: {  	p6 =	por $0x0, $0x0;
	v18 =	vld [tilespmem:s6+$0x0];
	v10 =	vsub.f32 $0.0e+00, v10;
	v4 =	vpsel p5, $0x40A1C9B0, v11;
	v11 =	vmov s19  }
0x14a: {  	v13 =	vpsel p6, $0x411789B5, v4;
	v16 =	vbroadcast v11, $0x0;
	v17 =	vsub.f32 $0.0e+00, v7  }
0x14b: {  	v4 =	vmul.f32 v6, v6;
	v11 =	vsub.f32 v1, v53;
	v6 =	vsub.f32 v6, v54  }
0x14c: {  	s7 =	smul.u32 $0xFFFFFD40, s4;
	v10 =	vmul.f32 $1.442695020e+00, v10;
	v7 =	vmul.f32 v1, v1;
	v1 =	vpsel p6, $0x409AE59F, v12  }
0x14d: {  	v19 =	vpop (erf);
	v12 =	vmul.f32 v11, v11;
	v11 =	vmul.f32 v6, v6;
	v6 =	vsub.f32 $0.0e+00, v15  }
0x14e: {  	s14 =	sshra.s32 s7, $0x2;
	vm15 =	veq.s32 v18, v56;
	v20 =	vmul.f32 $1.442695020e+00, v17;
	v15 =	vmul.f32 v19, v13;
	v17 =	vpop (erf)  }
0x14f: {  	s3 =	sadd.s32 $0x25A0, s14;
	vm14 =	veq.s32 v48, v16;
	v16 =	vmul.f32 $1.442695020e+00, v6;
	v17 =	vmul.f32 v17, v1  }
0x150: {  	s4 =	simm.s32 $0x25A0;
	s8 =	sadd.s32 $0x26A0, s14;
	s13 =	simm.s32 $0x40;
	v21 =	vld [tilespmem:s3+$0x0];
	(erf) = vpow2.f32 v20;
	v20 =	vmul.f32 $5.000000000e-01, v15;
	v18 =	vadd.f32 v15, v50;
	v26 =	vpop (erf)  }
0x151: {  	v24 =	vld [tilespmem:s8+$0x0];
	s3 =	simm.s32 $0x26A0;
	s20 =	simm.s32 $0x2880;
	s19 =	simm.s32 $0x2790;
	v1 =	vmov v8;
	v19 =	vadd.f32 v17, v51;
	v13 =	vmul.f32 v26, v22;
	v22 =	vpop (erf)  }
.LBB2_2:
0x152: {  	v6 =	vmov v8  }
0x153: {  	p0 =	slt.u32 s13, $0x360;
	v8 =	vmul.f32 v26, v14;
	v5 =	vmul.f32 v22, v5;
	v14 =	vadd.f32 $-5.000000000e-01, v62  }
0x154: {  	v26 =	vadd.f32 $-5.000000000e-01, v63;
	v25 =	vmul.f32 v25, v25;
	v23 =	vmul.f32 v23, v23;
	v62 =	vmovc v13  }
0x155: {  	v3 =	vmul.f32 v22, v3;
	v13 =	vadd.f32 v62, v21;
	v2 =	vmul.f32 v5, v2;
	v63 =	vmovc v8  }
0x156: {  	v8 =	vmul.f32 v14, v14;
	v14 =	vmul.f32 v26, v26;
	v5 =	vadd.f32 v63, v24  }
0x157: {  	s20 =	sadd.s32 $0x10, s20;
	v21 =	vadd.f32 v23, v25;
	(erf) = vpow2.f32 v10;
	v10 =	vsub.f32 v3, v2  }
0x158: {  	s5 =	sadd.s32 s17, s20;
	s17 =	smov.u32 s14;
	v23 =	vmul.f32 $5.000000000e-01, v17;
	v22 =	vsub.f32 v13, v20;
	v8 =	vadd.f32 v14, v8  }
0x159: {  	v13 =	vadd.f32 v13, v20;
	v12 =	vadd.f32 v21, v12;
	v20 =	vpop (erf);
	v14 =	vld [tilespmem:s5+$0x0];
	v10 =	vmul.f32 v10, v10  }
0x15a: {  	v7 =	vadd.f32 v8, v7;
	(erf) = vpow2.f32 v16;
	v16 =	vsub.f32 v5, v23  }
0x15b: {  	v8 =	vadd.f32 v12, v11;
	v5 =	vadd.f32 v5, v23;
	v10 =	vmul.f32 $5.000000000e+00, v10  }
0x15c: {  	v13 =	vmax.f32 v13, v58;
	v12 =	vmin.f32 v22, v52;
	v4 =	vadd.f32 v7, v4;
	v11 =	vld [tilespmem:s31+$0x152]  }
0x15d: {  	vm1 =	vgt.f32 v2, $6.000000240e-01;
	v2 =	vmul.f32 v3, v3;
	v3 =	vadd.f32 v10, v8  }
0x15e: {  	v7 =	vmin.f32 v16, v60;
	v5 =	vmax.f32 v5, v61;
	v16 =	vsel vm1, $0x0, v14  }
0x15f: {  	v8 =	vld [tilespmem:s31+$0x1FB];
	v2 =	vmul.f32 v16, v2;
	v3 =	vsub.f32 v3, v4;
	v4 =	vmul.f32 v4, v14  }
0x160: {  	v12 =	vsub.f32 v13, v12;
	v5 =	vsub.f32 v5, v7;
	vm1 =	vmand vm15, vm14;
	v10 =	vpop (erf)  }
0x161: {  	s5 =	smulhi.u32 $0xBA2E8BA3, s13;
	v7 =	vmul.f32 $1.442695020e+00, v11;
	v3 =	vsub.f32 v3, v2;
	v0 =	vadd.f32 v4, v0  }
0x162: {  	s6 =	smul.u32 $0xBA2F, s13;
	v5 =	vsub.f32 v19, v5;
	v4 =	vsub.f32 v18, v12;
	v12 =	vsel vm1, $0x3F800000, v47  }
0x163: {  	s14 =	sshrl.u32 s5, $0x7;
	v14 =	vmul.f32 v17, v15;
	v13 =	vpop (erf);
	v0 =	vadd.f32 v2, v0;
	v3 =	vmul.f32 v3, v12  }
0x164: {  	s6 =	sshrl.u32 s6, $0x17;
	s5 =	smul.u32 $0xB0, s14;
	v2 =	vmax.f32 v4, $0.0e+00;
	v4 =	vmax.f32 v5, $0.0e+00;
	v12 =	vmul.f32 $1.442695020e+00, v8  }
0x165: {  	s7 =	smul.u32 $0xD34, s6;
	v2 =	vmul.f32 v4, v2;
	v4 =	vadd.f32 v14, v49;
	v0 =	vadd.f32 v3, v0  }
0x166: {  	s5 =	ssub.s32 s13, s5;
	v14 =	vadd.f32 $1.000000000e+00, v10;
	v13 =	vadd.f32 $1.000000000e+00, v13;
	(erf) = vpow2.f32 v7  }
0x167: {  	s7 =	sshrl.u32 s7, $0x2;
	s5 =	smin.u32 s5, $0x99;
	v5 =	vadd.f32 $1.000000000e+00, v20;
	v3 =	vsub.f32 v4, v2;
	(erf) = vpow2.f32 v12  }
0x168: {  	p1 =	slt.u32 s18, $0xB0;
	s8 =	sadd.s32 $0xFFFFFF50, s18;
	v4 =	vmul.f32 v13, v14;
	v7 =	vld [tilespmem:s31+$0x2A4];
	s31 =	sadd.s32 s7, s5  }
0x169: {  	v15 =	vpsel !p1, $0x41201D15, v46;
	v12 =	vpsel !p1, $0x4133C84B, v45;
	p1 =	slt.u32 s8, $0xB0;
	s5 =	sadd.s32 $0xFFFFFEA0, s18;
	v16 =	vmul.f32 v3, v5;
	v10 =	vld [tilespmem:s31+$0x0]  }
0x16a: {  	v12 =	vpsel p1, $0x404C5604, v12;
	v15 =	vpsel p1, $0x40804D55, v15;
	p2 =	slt.u32 s5, $0xB0;
	s5 =	sadd.s32 $0xFFFFFDF0, s18;
	s18 =	smov.u32 s13;
	(erf) = vrcp.f32 v4  }
0x16b: {  	s19 =	sadd.s32 $0x10, s19;
	v4 =	vpsel p2, $0x40A1C9B0, v12;
	p1 =	slt.u32 s5, $0xB0;
	v12 =	vmov s15;
	s15 =	smov.u32 s16;
	v17 =	vld [tilespmem:s31+$0xA9];
	(erf) = vrcp.f32 v16  }
0x16c: {  	v15 =	vpsel p2, $0x4101952D, v15;
	s5 =	sadd.s32 s17, s19;
	s16 =	smov.u32 s6;
	v16 =	vpsel p1, $0x411789B5, v4;
	v18 =	vbroadcast v12, $0x0  }
0x16d: {  	v20 =	vsub.f32 v1, v54;
	v4 =	vmul.f32 v6, v1;
	v6 =	vsub.f32 v59, v53;
	v1 =	vmovc v8;
	v19 =	vld [tilespmem:s5+$0x0]  }
0x16e: {  	s5 =	smul.u32 $0xFFFFFD40, s21;
	v21 =	vsub.f32 $0.0e+00, v7;
	v7 =	vmul.f32 v59, v59;
	v59 =	vmovc v11;
	s21 =	smov.u32 s14;
	v10 =	vsub.f32 $0.0e+00, v10  }
0x16f: {  	v22 =	vpsel p1, $0x409AE59F, v15;
	v12 =	vmul.f32 v6, v6;
	v11 =	vmul.f32 v20, v20;
	v15 =	vpop (erf)  }
.Ltmp0:
0x170: {  	s4 =	sadd.s32 $0x10, s4;
	s14 =	sshra.s32 s5, $0x2;
	v20 =	vmul.f32 $1.442695020e+00, v21;
	v10 =	vmul.f32 $1.442695020e+00, v10;
	v6 =	vsub.f32 $0.0e+00, v17;
	v17 =	vpop (erf);
	(pc) =	sbr.rel @p0 .LBB2_2-.Ltmp0, $4  }
0x171: {  	s3 =	sadd.s32 $0x10, s3;
	vm14 =	veq.s32 v48, v18;
	s5 =	sadd.s32 s14, s4;
	v15 =	vmul.f32 v15, v16;
	v17 =	vmul.f32 v17, v22  }
0x172: {  	s6 =	sadd.s32 s14, s3;
	v16 =	vmul.f32 $1.442695020e+00, v6;
	v21 =	vld [tilespmem:s5+$0x0];
	(erf) = vpow2.f32 v20;
	vm15 =	veq.s32 v19, v56  }
0x173: {  	v20 =	vmul.f32 $5.000000000e-01, v15;
	v18 =	vadd.f32 v15, v50;
	v24 =	vld [tilespmem:s6+$0x0];
	v19 =	vadd.f32 v17, v51;
	v26 =	vpop (erf)  }
0x174: {  	v25 =	vsub.f32 v62, v55;
	v23 =	vsub.f32 v63, v57;
	s13 =	sadd.s32 $0x10, s13;
	v13 =	vmul.f32 v26, v13;
	v22 =	vpop (erf)  }
0x175: {  	(erf) = vpow2.f32 v10  }
0x176: {  	(erf) = vpow2.f32 v16;
	_ =	sdelay $0x4  }
0x177: {  	v10 =	vld [tilespmem:s31+$0x152]  }
0x178: {  	v6 =	vld [tilespmem:s31+$0x1FB]  }
0x179: {  	v16 =	vmul.f32 v26, v14;
	v14 =	vadd.f32 v13, v21;
	v21 =	vpop (erf)  }
0x17a: {  	v26 =	vpop (erf)  }
0x17b: {  	v28 =	vmul.f32 $5.000000000e-01, v17;
	v24 =	vadd.f32 v16, v24;
	v27 =	vsub.f32 v14, v20;
	v29 =	vpop (erf)  }
0x17c: {  	v30 =	vmul.f32 $1.442695020e+00, v10;
	v31 =	vadd.f32 $1.000000000e+00, v26;
	v29 =	vadd.f32 $1.000000000e+00, v29  }
0x17d: {  	v14 =	vadd.f32 v14, v20;
	v20 =	vsub.f32 v24, v28;
	v26 =	vmul.f32 $1.442695020e+00, v6  }
0x17e: {  	v24 =	vadd.f32 v24, v28;
	(erf) = vpow2.f32 v30;
	v28 =	vmul.f32 v29, v31  }
0x17f: {  	v27 =	vmin.f32 v27, v52;
	v14 =	vmax.f32 v14, v58;
	(erf) = vpow2.f32 v26  }
0x180: {  	v20 =	vmin.f32 v20, v60;
	v24 =	vmax.f32 v24, v61;
	(erf) = vrcp.f32 v28  }
0x181: {  	v14 =	vsub.f32 v14, v27;
	v20 =	vsub.f32 v24, v20;
	_ =	sdelay $0x1  }
0x182: {  	s5 =	smul.u32 $0xFFFFFD40, s21;
	v14 =	vsub.f32 v18, v14;
	v18 =	vsub.f32 v19, v20  }
0x183: {  	p1 =	slt.u32 s18, $0xB0;
	s6 =	sadd.s32 $0xFFFFFF50, s18;
	v15 =	vmul.f32 v17, v15  }
0x184: {  	s4 =	sadd.s32 $0x10, s4;
	p0 =	slt.u32 s6, $0xB0;
	s13 =	sshra.s32 s5, $0x2;
	v14 =	vmax.f32 v14, $0.0e+00;
	v17 =	vmax.f32 v18, $0.0e+00;
	v18 =	vpsel !p1, $0x41201D15, v46  }
0x185: {  	s7 =	sadd.s32 $0xFFFFFEA0, s18;
	s3 =	sadd.s32 $0x10, s3;
	s4 =	sadd.s32 s13, s4;
	v20 =	vmul.f32 v17, v14;
	v17 =	vld [tilespmem:s31+$0x2A4];
	v14 =	vpsel !p1, $0x4133C84B, v45;
	v18 =	vpsel p0, $0x40804D55, v18  }
0x186: {  	s8 =	sadd.s32 $0xFFFFFDF0, s18;
	p5 =	slt.u32 s7, $0xB0;
	v15 =	vadd.f32 v15, v49;
	s3 =	sadd.s32 s13, s3;
	v27 =	vld [tilespmem:s4+$0x0];
	v14 =	vpsel p0, $0x404C5604, v14;
	v19 =	vpop (erf)  }
0x187: {  	p6 =	slt.u32 s8, $0xB0;
	v26 =	vadd.f32 $1.000000000e+00, v21;
	v14 =	vpsel p5, $0x40A1C9B0, v14;
	v28 =	vld [tilespmem:s3+$0x0];
	v21 =	vpop (erf)  }
0x188: {  	v24 =	vsub.f32 v15, v20;
	v15 =	vpsel p5, $0x4101952D, v18;
	v14 =	vpsel p6, $0x411789B5, v14;
	v18 =	vpop (erf)  }
0x189: {  	v15 =	vpsel p6, $0x409AE59F, v15;
	v19 =	vmul.f32 v19, v14;
	v14 =	vmul.f32 v18, v29  }
0x18a: {  	v17 =	vsub.f32 $0.0e+00, v17;
	v21 =	vmul.f32 v21, v15;
	v15 =	vmul.f32 v18, v31  }
0x18b: {  	v18 =	vmul.f32 v24, v26;
	v29 =	vmul.f32 $5.000000000e-01, v19;
	v27 =	vadd.f32 v14, v27  }
0x18c: {  	v17 =	vmul.f32 $1.442695020e+00, v17;
	v30 =	vmul.f32 $5.000000000e-01, v21;
	v28 =	vadd.f32 v15, v28  }
0x18d: {  	(erf) = vrcp.f32 v18;
	v18 =	vsub.f32 v27, v29;
	v27 =	vadd.f32 v27, v29  }
0x18e: {  	(erf) = vpow2.f32 v17;
	v17 =	vsub.f32 v28, v30;
	v28 =	vadd.f32 v28, v30  }
0x18f: {  	v29 =	vadd.f32 v19, v50;
	v30 =	vadd.f32 v21, v51;
	v18 =	vmin.f32 v18, v52  }
0x190: {  	v27 =	vmax.f32 v27, v58;
	v17 =	vmin.f32 v17, v60;
	v28 =	vmax.f32 v28, v61  }
0x191: {  	v18 =	vsub.f32 v27, v18;
	v17 =	vsub.f32 v28, v17;
	_ =	sdelay $0x1  }
0x192: {  	v19 =	vmul.f32 v21, v19;
	v18 =	vsub.f32 v29, v18;
	v17 =	vsub.f32 v30, v17;
	_ =	sdelay $0x1  }
0x193: {  	v18 =	vmax.f32 v18, $0.0e+00;
	v17 =	vmax.f32 v17, $0.0e+00  }
0x194: {  	v29 =	vpop (erf);
	v17 =	vmul.f32 v17, v18;
	v18 =	vadd.f32 v19, v49  }
0x195: {  	v19 =	vpop (erf)  }
0x196: {  	v19 =	vadd.f32 $1.000000000e+00, v19;
	v18 =	vsub.f32 v18, v17;
	_ =	sdelay $0x1  }
0x197: {  	v21 =	vmul.f32 v18, v19;
	_ =	sdelay $0x1  }
0x198: {  	(erf) = vrcp.f32 v21;
	_ =	sdelay $0x2  }
0x199: {  	s18 =	sadd.s32 $0x10, s20;
	s21 =	sadd.s32 $0x10, s19  }
0x19a: {  	s5 =	sadd.s32 $0x10, s21;
	s3 =	sadd.s32 $0x10, s18  }
0x19b: {  	s8 =	sadd.s32 s13, s5;
	s7 =	sadd.s32 s14, s3;
	s3 =	sadd.s32 $0x10, s3  }
0x19c: {  	s3 =	sadd.s32 s13, s3;
	v61 =	vld [tilespmem:s8+$0x0]  }
0x19d: {  	s6 =	sadd.s32 s14, s21;
	v60 =	vld [tilespmem:s3+$0x0]  }
0x19e: {  	v27 =	vld [tilespmem:s6+$0x0]  }
0x19f: {  	s20 =	sadd.s32 s17, s18;
	v28 =	vld [tilespmem:s7+$0x0];
	v21 =	vpop (erf)  }
0x1a0: {  	v30 =	vld [tilespmem:s20+$0x0];
	_ =	swait.ge [sflag:s24], $0x10  }
0x1a1: {  	[sflag:s24] =	ssyncset.done $0x0  }
0x1a2: {  	v31 =	vld [tilespmem:$0x1FE10];
	[sflag:s24] =	ssyncadd.s32 $0xFFFFFFF0  }
0x1a3: {  	v58 =	vld [tilespmem:$0x2280]  }
0x1a4: {  	v32 =	vld [tilespmem:$0x1FE20];
	_ =	sdelay $0x3  }
0x1a5: {  	v31 =	vperm.xlane v58, v31  }
0x1a6: {  	v36 =	vperm.xlane v58, v32  }
0x1a7: {  	v51 =	vmul.f32 $1.300000000e+01, v31  }
0x1a8: {  	v52 =	vmul.f32 $1.300000000e+01, v36  }
0x1a9: {  	v31 =	vadd.f32 $1.322100040e+00, v51;
	v37 =	vmax.f32 v51, $1.322100040e+00  }
0x1aa: {  	v38 =	vadd.f32 $1.731449960e+00, v52;
	v33 =	vmax.f32 v52, $1.731449960e+00;
	v43 =	vadd.f32 $3.192749980e+00, v51  }
0x1ab: {  	v50 =	vmul.f32 v52, v51;
	v44 =	vadd.f32 $4.009439950e+00, v52;
	v49 =	vadd.f32 $4.840529920e+00, v52  }
0x1ac: {  	v35 =	vmax.f32 v51, $3.192749980e+00;
	v31 =	vsub.f32 v31, v37;
	v32 =	vsub.f32 v38, v33  }
0x1ad: {  	v36 =	vmax.f32 v52, $4.009439950e+00;
	v34 =	vadd.f32 $2.289150000e+00, v50;
	v33 =	vsub.f32 v43, v35  }
0x1ae: {  	v35 =	vsub.f32 v44, v36;
	v36 =	vadd.f32 $8.098919860e+00, v52  }
0x1af: {  	v38 =	vmax.f32 v51, $5.055870060e+00;
	v31 =	vmax.f32 v31, $0.0e+00;
	v32 =	vmax.f32 v32, $0.0e+00  }
0x1b0: {  	v43 =	vmax.f32 v52, $8.098919860e+00;
	v31 =	vmul.f32 v32, v31;
	v32 =	vadd.f32 $5.055870060e+00, v51  }
0x1b1: {  	v44 =	vmax.f32 v52, $4.840529920e+00;
	v37 =	vadd.f32 $1.000710010e+01, v52;
	v33 =	vmax.f32 v33, $0.0e+00  }
0x1b2: {  	v35 =	vmax.f32 v35, $0.0e+00;
	v36 =	vsub.f32 v36, v43;
	v32 =	vsub.f32 v32, v38  }
0x1b3: {  	v44 =	vsub.f32 v49, v44;
	v43 =	vadd.f32 $9.471119880e+00, v51;
	v33 =	vmul.f32 v35, v33  }
0x1b4: {  	v35 =	vadd.f32 $1.280113980e+01, v50;
	v36 =	vmax.f32 v36, $0.0e+00;
	v32 =	vmax.f32 v32, $0.0e+00  }
0x1b5: {  	v34 =	vsub.f32 v34, v31;
	v32 =	vmul.f32 v36, v32;
	v36 =	vmax.f32 v51, $9.471119880e+00  }
0x1b6: {  	v49 =	vmax.f32 v51, $1.123639970e+01;
	v36 =	vsub.f32 v43, v36;
	v43 =	vadd.f32 $1.123639970e+01, v51  }
0x1b7: {  	v44 =	vmax.f32 v44, $0.0e+00;
	v38 =	vadd.f32 $4.094708630e+01, v50;
	v35 =	vsub.f32 v35, v33  }
0x1b8: {  	(erf) = vrcp.f32 v34;
	v43 =	vsub.f32 v43, v49;
	v49 =	vmax.f32 v52, $1.000710010e+01  }
0x1b9: {  	(erf) = vrcp.f32 v35;
	v36 =	vmax.f32 v36, $0.0e+00;
	v34 =	vsub.f32 v37, v49  }
0x1ba: {  	v37 =	vsub.f32 v38, v32;
	v35 =	vmul.f32 v44, v36;
	v49 =	vadd.f32 $4.584524150e+01, v50  }
0x1bb: {  	v44 =	vadd.f32 $1.124437790e+02, v50;
	v43 =	vmax.f32 v43, $0.0e+00;
	v34 =	vmax.f32 v34, $0.0e+00  }
0x1bc: {  	(erf) = vrcp.f32 v37;
	v36 =	vsub.f32 v49, v35;
	v34 =	vmul.f32 v34, v43  }
0x1bd: {  	v5 =	vmul.f32 v22, v5;
	v25 =	vmul.f32 v25, v25  }
0x1be: {  	v23 =	vmul.f32 v23, v23;
	(erf) = vrcp.f32 v36;
	v49 =	vsub.f32 v44, v34  }
0x1bf: {  	v3 =	vmul.f32 v22, v3;
	v43 =	vadd.f32 $-5.000000000e-01, v62;
	v44 =	vadd.f32 $-5.000000000e-01, v63  }
0x1c0: {  	v2 =	vmul.f32 v5, v2;
	v23 =	vadd.f32 v23, v25;
	(erf) = vrcp.f32 v49  }
0x1c1: {  	v22 =	vpop (erf);
	v5 =	vmul.f32 v43, v43;
	v49 =	vmul.f32 v44, v44  }
0x1c2: {  	v12 =	vadd.f32 v23, v12;
	v62 =	vpop (erf)  }
0x1c3: {  	v22 =	vmul.f32 v22, v31;
	v25 =	vmul.f32 v62, v33;
	v5 =	vadd.f32 v49, v5  }
0x1c4: {  	v31 =	vsub.f32 v3, v2  }
0x1c5: {  	v11 =	vadd.f32 v12, v11;
	vm1 =	vgt.f32 v25, v22;
	v63 =	vpop (erf);
	v5 =	vadd.f32 v5, v7  }
0x1c6: {  	v22 =	vsel vm1, v25, v22;
	v7 =	vmul.f32 v31, v31;
	v23 =	vmul.f32 v63, v32  }
0x1c7: {  	v31 =	vimm.f32 $1.123639970e+01;
	v32 =	vimm.f32 $1.000710010e+01;
	v25 =	vpop (erf);
	v4 =	vadd.f32 v5, v4  }
0x1c8: {  	v5 =	vmul.f32 $5.000000000e+00, v7;
	v12 =	vmul.f32 v25, v35;
	vm2 =	vgt.f32 v23, v22  }
0x1c9: {  	v7 =	vsel vm2, v23, v22;
	v23 =	vsel vm1, $0x1, v42;
	vm1 =	vgt.f32 v2, $6.000000240e-01;
	v22 =	vpop (erf)  }
0x1ca: {  	v2 =	vmul.f32 v3, v3;
	vm3 =	vgt.f32 v12, v7;
	v22 =	vmul.f32 v22, v34  }
0x1cb: {  	v5 =	vadd.f32 v5, v11;
	v3 =	vsel vm1, $0x0, v30;
	v7 =	vsel vm3, v12, v7  }
0x1cc: {  	v11 =	vsel vm2, $0x2, v23;
	v2 =	vmul.f32 v3, v2;
	vm2 =	vgt.f32 v22, v7  }
0x1cd: {  	v3 =	vsub.f32 v5, v4;
	v7 =	vsel vm3, $0x3, v11;
	vm1 =	vmneg vm2  }
0x1ce: {  	v4 =	vmul.f32 v4, v30;
	v12 =	vsub.f32 v13, v55;
	v49 =	vnsel vm1, $0x4, v7  }
0x1cf: {  	vm2 =	vmand vm15, vm14;
	vm14 =	veq.s32 v49, $0x0;
	vm15 =	veq.s32 v49, $0x1  }
0x1d0: {  	v13 =	vadd.f32 $-5.000000000e-01, v13;
	v5 =	vsel vm14, $0x3FA93A93, v47;
	v7 =	vsel vm15, $0x404C5604, v47  }
0x1d1: {  	v11 =	vsel vm2, $0x3F800000, v47;
	vm2 =	veq.s32 v49, $0x2;
	v5 =	vadd.f32 v7, v5  }
0x1d2: {  	v3 =	vsub.f32 v3, v2;
	v0 =	vadd.f32 v4, v0;
	v4 =	vsel vm2, $0x40A1C9B0, v47  }
0x1d3: {  	v22 =	vmul.f32 v29, v26;
	vm3 =	vmand vm3, vm1;
	v4 =	vadd.f32 v5, v4  }
0x1d4: {  	v0 =	vadd.f32 v2, v0;
	v2 =	vmul.f32 v3, v11;
	v3 =	vsel vm3, $0x411789B5, v47  }
0x1d5: {  	v11 =	vsel vm15, $0x40804D55, v47;
	v7 =	vsel vm14, $0x3FDDA027, v47;
	v3 =	vadd.f32 v4, v3  }
0x1d6: {  	v13 =	vmul.f32 v13, v13;
	v7 =	vadd.f32 v11, v7;
	v11 =	vsel vm1, $0x0, v31  }
0x1d7: {  	v20 =	vmul.f32 v22, v20;
	v22 =	vsel vm3, $0x409AE59F, v47;
	v3 =	vadd.f32 v3, v11  }
0x1d8: {  	v23 =	vsel vm2, $0x4101952D, v47;
	v5 =	vsub.f32 v59, v53;
	v11 =	vsub.f32 v16, v57  }
0x1d9: {  	v7 =	vadd.f32 v7, v23;
	v4 =	vsub.f32 v1, v54;
	(erf) = vrcp.f32 v3  }
0x1da: {  	v16 =	vadd.f32 $-5.000000000e-01, v16;
	v3 =	vmul.f32 v12, v12;
	v11 =	vmul.f32 v11, v11  }
0x1db: {  	v5 =	vmul.f32 v5, v5;
	v7 =	vadd.f32 v7, v22;
	v12 =	vmul.f32 v29, v24  }
0x1dc: {  	v16 =	vmul.f32 v16, v16;
	v3 =	vadd.f32 v11, v3;
	v11 =	vsel vm1, $0x0, v32  }
0x1dd: {  	v23 =	vmul.f32 v59, v59;
	v22 =	vsub.f32 v12, v20;
	v7 =	vadd.f32 v7, v11  }
0x1de: {  	v4 =	vmul.f32 v4, v4;
	v13 =	vadd.f32 v16, v13;
	v3 =	vadd.f32 v3, v5  }
0x1df: {  	v5 =	vmul.f32 v22, v22;
	(erf) = vrcp.f32 v7;
	v7 =	vmov s15  }
0x1e0: {  	v1 =	vmul.f32 v8, v1;
	v8 =	vadd.f32 v13, v23  }
0x1e1: {  	v0 =	vadd.f32 v2, v0;
	v3 =	vadd.f32 v3, v4;
	v4 =	vmul.f32 $5.000000000e+00, v5  }
0x1e2: {  	vm1 =	vgt.f32 v20, $6.000000240e-01;
	v5 =	vbroadcast v7, $0x0;
	v1 =	vadd.f32 v8, v1;
	v7 =	vpop (erf)  }
0x1e3: {  	v8 =	vmul.f32 v12, v12;
	v3 =	vadd.f32 v4, v3;
	v11 =	vmul.f32 v7, v51  }
0x1e4: {  	v2 =	vsel vm1, $0x0, v28;
	vm1 =	veq.s32 v27, v56;
	vm2 =	veq.s32 v48, v5  }
0x1e5: {  	v2 =	vmul.f32 v2, v8;
	v3 =	vsub.f32 v3, v1;
	v4 =	vand.u32 $0x7FFFFF, v11  }
0x1e6: {  	vm1 =	vmand vm1, vm2;
	v4 =	vor.u32 $0x3F800000, v4  }
0x1e7: {  	v1 =	vmul.f32 v1, v28;
	v3 =	vsub.f32 v3, v2;
	v5 =	vmul.f32 $5.000000000e-01, v4  }
0x1e8: {  	v16 =	vsub.f32 v15, v57;
	v7 =	vsel vm1, $0x3F800000, v47;
	vm15 =	vgt.f32 v4, $1.414213540e+00  }
0x1e9: {  	v0 =	vadd.f32 v1, v0;
	v1 =	vmul.f32 v3, v7;
	v3 =	vsel vm15, v5, v4  }
0x1ea: {  	v19 =	vmul.f32 v21, v19;
	v15 =	vadd.f32 $-5.000000000e-01, v15;
	v4 =	vpop (erf);
	v3 =	vadd.f32 $-1.000000000e+00, v3  }
0x1eb: {  	v13 =	vsub.f32 v14, v55;
	v14 =	vadd.f32 $-5.000000000e-01, v14;
	v4 =	vmul.f32 v4, v52  }
0x1ec: {  	v17 =	vmul.f32 v19, v17;
	v2 =	vadd.f32 v2, v0;
	v0 =	vmul.f32 $7.037683580e-02, v3  }
0x1ed: {  	v15 =	vmul.f32 v15, v15;
	v14 =	vmul.f32 v14, v14;
	v12 =	vand.u32 $0x7FFFFF, v4  }
0x1ee: {  	v8 =	vsub.f32 v10, v53;
	v12 =	vor.u32 $0x3F800000, v12;
	v0 =	vadd.f32 $-1.151461010e-01, v0  }
0x1ef: {  	s13 =	simm.s32 $0x0;
	v10 =	vmul.f32 v10, v10;
	v14 =	vadd.f32 v15, v14;
	v20 =	vmul.f32 $5.000000000e-01, v12  }
0x1f0: {  	s14 =	smulhi.u32 $0xBA2E8BA3, s13;
	v8 =	vmul.f32 v8, v8;
	vm14 =	vgt.f32 v12, $1.414213540e+00;
	v22 =	vmul.f32 v0, v3  }
0x1f1: {  	s3 =	smul.u32 $0xBA2F, s13;
	v0 =	vsel vm14, v20, v12;
	v12 =	vmul.f32 v13, v13;
	v13 =	vmul.f32 v16, v16  }
0x1f2: {  	s4 =	sshrl.u32 s14, $0x7;
	v16 =	vmul.f32 v21, v18;
	v0 =	vadd.f32 $-1.000000000e+00, v0;
	v18 =	vadd.f32 $1.167699840e-01, v22  }
0x1f3: {  	s3 =	sshrl.u32 s3, $0x17;
	s15 =	smul.u32 $0xB0, s4;
	v10 =	vadd.f32 v14, v10;
	v7 =	vmul.f32 v6, v6;
	v6 =	vsub.f32 v6, v54  }
0x1f4: {  	v5 =	vmov s16;
	s16 =	smul.u32 $0xD34, s3;
	v19 =	vmul.f32 $7.037683580e-02, v0;
	v18 =	vmul.f32 v18, v3  }
0x1f5: {  	s5 =	ssub.s32 $0x0, s15;
	v5 =	vbroadcast v5, $0x0;
	_ =	swait.ge [sflag:s25], $0x1100;
	v20 =	vsub.f32 v16, v17;
	v12 =	vadd.f32 v13, v12  }
0x1f6: {  	s5 =	smin.u32 s5, $0x99;
	v6 =	vmul.f32 v6, v6;
	[sflag:s25] =	ssyncset.done $0x0;
	s6 =	sshrl.u32 s16, $0x2;
	v13 =	vadd.f32 $-1.151461010e-01, v19;
	v15 =	vadd.f32 $-1.242014100e-01, v18  }
0x1f7: {  	vm1 =	veq.s32 v48, v5;
	[sflag:s25] =	ssyncadd.s32 $0xFFFFEF00;
	s17 =	sadd.s32 s6, s5;
	v5 =	vadd.f32 v12, v8;
	v12 =	vmul.f32 v20, v20  }
0x1f8: {  	v7 =	vadd.f32 v10, v7;
	v10 =	vld [tilespmem:s17+$0x11A9];
	v8 =	vmul.f32 v13, v0;
	v13 =	vmul.f32 v15, v3  }
0x1f9: {  	v5 =	vadd.f32 v5, v6  }
0x1fa: {  	v6 =	vadd.f32 $1.167699840e-01, v8;
	v8 =	vmul.f32 $5.000000000e+00, v12;
	v13 =	vadd.f32 $1.424932330e-01, v13  }
0x1fb: {  	vm2 =	vgt.f32 v17, $6.000000240e-01;
	v1 =	vadd.f32 v1, v2  }
0x1fc: {  	v14 =	vld [tilespmem:s17+$0x1100];
	v6 =	vmul.f32 v6, v0;
	v5 =	vadd.f32 v8, v5;
	v8 =	vmul.f32 v13, v3  }
0x1fd: {  	v4 =	vshra.s32 v4, $0x17;
	v10 =	vsub.f32 $0.0e+00, v10;
	v15 =	vmul.f32 v16, v16  }
0x1fe: {  	v12 =	vsel vm2, $0x0, v60;
	v2 =	vadd.f32 $-1.242014100e-01, v6;
	v8 =	vadd.f32 $-1.666805740e-01, v8  }
0x1ff: {  	v10 =	vmul.f32 $1.442695020e+00, v10;
	v19 =	vsel vm14, $0x1, v42;
	v6 =	vmul.f32 v12, v15  }
0x200: {  	vm2 =	veq.s32 v61, v56;
	v2 =	vmul.f32 v2, v0;
	v8 =	vmul.f32 v8, v3  }
0x201: {  	v13 =	vld [tilespmem:$0x1FDF0];
	v5 =	vsub.f32 v5, v7;
	v7 =	vmul.f32 v7, v60;
	v12 =	vsub.f32 $0.0e+00, v14  }
0x202: {  	vm1 =	vmand vm2, vm1;
	v14 =	vld [tilespmem:$0x1FE00];
	v2 =	vadd.f32 $1.424932330e-01, v2;
	v8 =	vadd.f32 $2.000071410e-01, v8  }
0x203: {  	v5 =	vsub.f32 v5, v6;
	v12 =	vmul.f32 $1.442695020e+00, v12;
	v1 =	vadd.f32 v7, v1  }
0x204: {  	v7 =	vsel vm1, $0x3F800000, v47;
	v2 =	vmul.f32 v2, v0;
	v8 =	vmul.f32 v8, v3  }
0x205: {  	(erf) = vpow2.f32 v12;
	v1 =	vadd.f32 v6, v1;
	v5 =	vmul.f32 v5, v7  }
0x206: {  	(erf) = vpow2.f32 v10;
	v2 =	vadd.f32 $-1.666805740e-01, v2;
	v8 =	vadd.f32 $-2.499999400e-01, v8  }
0x207: {  	v4 =	vadd.s32 v19, v4;
	v13 =	vperm.xlane v58, v13;
	v14 =	vperm.xlane v58, v14  }
0x208: {  	v12 =	vmul.f32 v2, v0;
	v2 =	vadd.f32 v5, v1;
	v5 =	vmul.f32 v8, v3  }
0x209: {  	v4 =	vadd.s32 $0xFFFFFF81, v4;
	v10 =	vmul.f32 $5.000000000e-01, v51;
	v7 =	vmul.f32 $1.300000000e+01, v13  }
0x20a: {  	s18 =	simm.s32 $0x10;
	v13 =	vmul.f32 v3, v3;
	v6 =	vmul.f32 $1.300000000e+01, v14;
	v1 =	vld [tilespmem:s17+$0x1252];
	v14 =	vadd.f32 $3.333333130e-01, v5  }
0x20b: {  	s19 =	smulhi.u32 $0xBA2E8BA3, s18;
	v4 =	vcvt.s32.f32 v4;
	v8 =	vshra.s32 v11, $0x17;
	v11 =	vadd.f32 $2.000071410e-01, v12  }
0x20c: {  	s5 =	smul.u32 $0xBA2F, s18;
	v53 =	vsub.f32 v7, v10;
	v15 =	vmul.f32 v13, v3;
	v54 =	vadd.f32 v10, v7;
	v5 =	vld [tilespmem:s17+$0x12FB]  }
0x20d: {  	s20 =	sshrl.u32 s19, $0x7;
	v13 =	vmul.f32 $5.000000000e-01, v13;
	v12 =	vsel vm15, $0x1, v42;
	v10 =	vmul.f32 v11, v0  }
0x20e: {  	s6 =	smul.u32 $0xB0, s20;
	s19 =	sshrl.u32 s5, $0x17;
	v8 =	vadd.s32 v12, v8;
	v11 =	vmul.f32 $5.000000000e-01, v52;
	v12 =	vmul.f32 v14, v15;
	v14 =	vpop (erf)  }
0x20f: {  	s5 =	smul.u32 $0xD34, s19;
	v8 =	vadd.s32 $0xFFFFFF81, v8;
	v17 =	vmul.f32 $1.442695020e+00, v1;
	v10 =	vadd.f32 $-2.499999400e-01, v10;
	v16 =	vpop (erf)  }
0x210: {  	s6 =	ssub.s32 $0x10, s6;
	v15 =	vmul.f32 v0, v0;
	v14 =	vadd.f32 $1.000000000e+00, v14;
	v16 =	vadd.f32 $1.000000000e+00, v16  }
0x211: {  	s6 =	smin.u32 s6, $0x99;
	s5 =	sshrl.u32 s5, $0x2;
	v58 =	vsub.f32 v6, v11;
	(erf) = vpow2.f32 v17;
	v18 =	vmul.f32 $1.442695020e+00, v5  }
0x212: {  	s21 =	sadd.s32 s5, s6;
	v59 =	vadd.f32 v11, v6;
	v10 =	vmul.f32 v10, v0;
	v17 =	vmul.f32 v16, v14  }
0x213: {  	v11 =	vmul.f32 $6.931471820e-01, v4;
	v4 =	vld [tilespmem:s21+$0x11A9];
	v12 =	vsub.f32 v12, v13;
	(erf) = vpow2.f32 v18  }
0x214: {  	v20 =	vmul.f32 v15, v0;
	v13 =	vld [tilespmem:s21+$0x1100];
	v10 =	vadd.f32 $3.333333130e-01, v10;
	(erf) = vrcp.f32 v17  }
0x215: {  	p1 =	por $0x1, $0x1;
	v8 =	vcvt.s32.f32 v8;
	v15 =	vmul.f32 $5.000000000e-01, v15;
	v3 =	vadd.f32 v12, v3  }
0x216: {  	p2 =	por $0x0, $0x0;
	s4 =	smul.u32 $0xFFFFFD40, s4;
	v12 =	vtrunc.f32 v7;
	v18 =	vpsel !p1, $0x41201D15, v46;
	v10 =	vmul.f32 v10, v20;
	v17 =	vld [tilespmem:s17+$0x13A4]  }
0x217: {  	v8 =	vmul.f32 $6.931471820e-01, v8;
	v12 =	vcvt.f32.s32 v12;
	v18 =	vpsel p2, $0x40804D55, v18  }
0x218: {  	s13 =	sshra.s32 s4, $0x2;
	v4 =	vsub.f32 $0.0e+00, v4;
	v10 =	vsub.f32 v10, v15;
	v15 =	vpsel !p1, $0x4133C84B, v45  }
0x219: {  	p3 =	por $0x0, $0x0;
	s4 =	sadd.s32 $0x2580, s13;
	v48 =	vadd.f32 v3, v8;
	v13 =	vsub.f32 $0.0e+00, v13;
	v15 =	vpsel p2, $0x404C5604, v15  }
0x21a: {  	p4 =	por $0x0, $0x0;
	v18 =	vpsel p3, $0x4101952D, v18;
	v3 =	vmul.f32 $1.442695020e+00, v4;
	v15 =	vpsel p3, $0x40A1C9B0, v15  }
0x21b: {  	s7 =	sadd.s32 $0x2680, s13;
	v20 =	vld [tilespmem:s4+$0x0];
	v19 =	vpop (erf);
	v0 =	vadd.f32 v10, v0;
	v15 =	vpsel p4, $0x411789B5, v15;
	v17 =	vsub.f32 $0.0e+00, v17  }
0x21c: {  	v22 =	vld [tilespmem:s7+$0x0];
	v18 =	vpsel p4, $0x409AE59F, v18;
	v13 =	vmul.f32 $1.442695020e+00, v13;
	v15 =	vmul.f32 v19, v15;
	v21 =	vpop (erf)  }
0x21d: {  	v55 =	vadd.f32 v0, v11;
	v11 =	vcvt.s32.f32 v12;
	v17 =	vmul.f32 $1.442695020e+00, v17;
	v19 =	vpop (erf)  }
0x21e: {  	v8 =	vmul.f32 v21, v18;
	v16 =	vmul.f32 v19, v16  }
0x21f: {  	v4 =	vmul.f32 $5.000000000e-01, v15;
	v10 =	vmul.f32 v19, v14  }
0x220: {  	v21 =	vtrunc.f32 v6;
	(erf) = vpow2.f32 v17;
	v14 =	vadd.f32 v16, v20  }
0x221: {  	(erf) = vpow2.f32 v13;
	v13 =	vmul.f32 $5.000000000e-01, v8;
	v17 =	vadd.f32 v10, v22  }
0x222: {  	(erf) = vpow2.f32 v3;
	v18 =	vsub.f32 v14, v4;
	v4 =	vadd.f32 v14, v4  }
0x223: {  	v0 =	vcvt.f32.s32 v21;
	v14 =	vsub.f32 v17, v13;
	v13 =	vadd.f32 v17, v13  }
0x224: {  	v19 =	vadd.f32 v8, v52;
	v17 =	vadd.f32 v15, v51;
	v18 =	vmin.f32 v18, v53  }
0x225: {  	v3 =	vld [tilespmem:s21+$0x1252];
	v20 =	vmax.f32 v4, v54;
	v14 =	vmin.f32 v14, v58;
	v13 =	vmax.f32 v13, v59  }
0x226: {  	s8 =	simm.s32 $0x20;
	v4 =	vld [tilespmem:s21+$0x12FB];
	v18 =	vsub.f32 v20, v18;
	v13 =	vsub.f32 v13, v14  }
0x227: {  	s15 =	smulhi.u32 $0xBA2E8BA3, s8;
	v56 =	vsub.f32 v7, v11;
	v7 =	vcvt.s32.f32 v0;
	v8 =	vmul.f32 v8, v15  }
0x228: {  	s17 =	smul.u32 $0xBA2F, s8;
	v14 =	vsub.f32 v17, v18;
	v13 =	vsub.f32 v19, v13  }
0x229: {  	s4 =	sshrl.u32 s15, $0x7;
	v0 =	vmul.u32 $0xD, v0;
	v8 =	vadd.f32 v8, v50;
	v60 =	vsub.f32 v6, v7;
	v11 =	vpop (erf)  }
0x22a: {  	s5 =	smul.u32 $0xB0, s4;
	s15 =	sshrl.u32 s17, $0x17;
	v15 =	vpop (erf);
	v17 =	vmul.f32 $1.442695020e+00, v3;
	v14 =	vmax.f32 v14, $0.0e+00;
	v13 =	vmax.f32 v13, $0.0e+00  }
0x22b: {  	s6 =	smul.u32 $0xD34, s15;
	v22 =	vsub.f32 v1, v48;
	v18 =	vpop (erf);
	v19 =	vmul.f32 $1.442695020e+00, v4;
	v13 =	vmul.f32 v13, v14  }
0x22c: {  	s5 =	ssub.s32 $0x20, s5;
	v6 =	vld [tilespmem:s21+$0x13A4];
	(erf) = vpow2.f32 v17;
	v14 =	vadd.f32 $1.000000000e+00, v15;
	v15 =	vadd.f32 $1.000000000e+00, v18  }
0x22d: {  	s5 =	smin.u32 s5, $0x99;
	s6 =	sshrl.u32 s6, $0x2;
	v11 =	vadd.f32 $1.000000000e+00, v11;
	(erf) = vpow2.f32 v19;
	v17 =	vsub.f32 v8, v13  }
0x22e: {  	s31 =	sadd.s32 s6, s5;
	v21 =	vmov s3;
	v1 =	vmul.f32 v1, v1;
	v7 =	vmul.f32 v15, v14  }
0x22f: {  	v57 =	vadd.s32 v12, v0;
	v22 =	vmul.f32 v22, v22;
	v18 =	vld [tilespmem:s31+$0x1100];
	v20 =	vmul.f32 v17, v11  }
0x230: {  	p5 =	por $0x1, $0x1;
	v26 =	vsub.f32 v10, v60;
	v10 =	vadd.f32 $-5.000000000e-01, v10;
	(erf) = vrcp.f32 v7;
	v7 =	vld [tilespmem:s31+$0x11A9]  }
0x231: {  	p6 =	por $0x0, $0x0;
	v6 =	vsub.f32 $0.0e+00, v6;
	v8 =	vpsel !p5, $0x4133C84B, v45;
	(erf) = vrcp.f32 v20  }
0x232: {  	s18 =	smul.u32 $0xFFFFFD40, s20;
	p1 =	por $0x0, $0x0;
	v10 =	vmul.f32 v10, v10;
	v19 =	vpsel !p5, $0x41201D15, v46;
	v8 =	vpsel p6, $0x404C5604, v8  }
0x233: {  	p2 =	por $0x0, $0x0;
	v6 =	vmul.f32 $1.442695020e+00, v6;
	v19 =	vpsel p6, $0x40804D55, v19;
	v8 =	vpsel p1, $0x40A1C9B0, v8  }
0x234: {  	v19 =	vpsel p1, $0x4101952D, v19;
	v8 =	vpsel p2, $0x411789B5, v8;
	v18 =	vsub.f32 $0.0e+00, v18  }
0x235: {  	s17 =	sshra.s32 s18, $0x2;
	v20 =	vbroadcast v21, $0x0;
	v21 =	vmul.f32 v5, v5;
	v23 =	vpop (erf);
	v7 =	vsub.f32 $0.0e+00, v7  }
0x236: {  	s3 =	sadd.s32 $0x2590, s17;
	v19 =	vpsel p2, $0x409AE59F, v19;
	v18 =	vmul.f32 $1.442695020e+00, v18;
	v12 =	vmul.f32 v23, v8;
	v24 =	vpop (erf)  }
0x237: {  	s20 =	sadd.s32 $0x2690, s17;
	v5 =	vsub.f32 v5, v55;
	v19 =	vmul.f32 v24, v19;
	v0 =	vmul.f32 $1.442695020e+00, v7;
	v7 =	vld [tilespmem:s3+$0x0]  }
0x238: {  	vm14 =	veq.s32 v49, v20;
	(erf) = vpow2.f32 v6;
	v6 =	vld [tilespmem:s20+$0x0];
	v20 =	vmul.f32 $5.000000000e-01, v12  }
0x239: {  	v23 =	vadd.f32 v12, v51;
	v24 =	vadd.f32 v19, v52;
	v25 =	vpop (erf);
	(erf) = vpow2.f32 v18  }
0x23a: {  	v18 =	vmul.f32 $5.000000000e-01, v19;
	v8 =	vmul.f32 v25, v15;
	v15 =	vsub.f32 v16, v56;
	v27 =	vpop (erf)  }
0x23b: {  	v61 =	vmul.f32 v25, v14;
	v14 =	vadd.f32 $-5.000000000e-01, v16;
	v11 =	vmul.f32 v27, v11  }
0x23c: {  	v16 =	vmul.f32 v26, v26;
	v15 =	vmul.f32 v15, v15;
	v7 =	vadd.f32 v8, v7  }
0x23d: {  	v17 =	vmul.f32 v27, v17;
	v6 =	vadd.f32 v61, v6;
	v11 =	vmul.f32 v11, v13  }
0x23e: {  	v13 =	vmul.f32 v14, v14;
	v15 =	vadd.f32 v16, v15;
	v16 =	vsub.f32 v7, v20  }
0x23f: {  	s21 =	sadd.s32 $0x2880, s13;
	v5 =	vmul.f32 v5, v5;
	v7 =	vadd.f32 v7, v20;
	v14 =	vsub.f32 v17, v11  }
0x240: {  	(erf) = vpow2.f32 v0;
	v20 =	vsub.f32 v6, v18;
	v10 =	vadd.f32 v10, v13;
	v13 =	vld [tilespmem:s21+$0x0]  }
0x241: {  	s5 =	sadd.s32 $0x2780, s13;
	v6 =	vadd.f32 v6, v18;
	v15 =	vadd.f32 v15, v22;
	v14 =	vmul.f32 v14, v14  }
0x242: {  	v7 =	vmax.f32 v7, v54;
	vm1 =	vgt.f32 v11, $6.000000240e-01;
	v0 =	vadd.f32 v10, v1;
	v1 =	vld [tilespmem:s5+$0x0]  }
0x243: {  	v11 =	vmul.f32 v17, v17;
	v5 =	vadd.f32 v15, v5;
	v10 =	vmul.f32 $5.000000000e+00, v14  }
0x244: {  	v6 =	vmax.f32 v6, v59;
	v14 =	vmin.f32 v16, v53;
	v15 =	vadd.f32 v0, v21  }
0x245: {  	s18 =	simm.s32 $0x30;
	v0 =	vld [tilespmem:s31+$0x1252];
	v16 =	vsel vm1, $0x0, v13;
	v7 =	vsub.f32 v7, v14;
	v5 =	vadd.f32 v10, v5  }
0x246: {  	s6 =	smulhi.u32 $0xBA2E8BA3, s18;
	v10 =	vmin.f32 v20, v58;
	v11 =	vmul.f32 v16, v11;
	v13 =	vmul.f32 v15, v13  }
0x247: {  	s7 =	smul.u32 $0xBA2F, s18;
	vm1 =	veq.s32 v1, v57;
	v1 =	vld [tilespmem:s31+$0x12FB];
	v6 =	vsub.f32 v6, v10;
	v5 =	vsub.f32 v5, v15  }
0x248: {  	s20 =	sshrl.u32 s6, $0x7;
	v7 =	vsub.f32 v23, v7;
	vm1 =	vmand vm1, vm14;
	v2 =	vadd.f32 v13, v2  }
0x249: {  	s16 =	sshrl.u32 s7, $0x17;
	s3 =	smul.u32 $0xB0, s20;
	v6 =	vsub.f32 v24, v6;
	v14 =	vsel vm1, $0x3F800000, v47;
	v5 =	vsub.f32 v5, v11  }
0x24a: {  	v12 =	vmul.f32 v19, v12;
	s5 =	smul.u32 $0xD34, s16;
	v10 =	vmul.f32 $1.442695020e+00, v0;
	v7 =	vmax.f32 v7, $0.0e+00;
	v13 =	vpop (erf)  }
0x24b: {  	s3 =	ssub.s32 $0x30, s3;
	v2 =	vadd.f32 v11, v2;
	v11 =	vpop (erf);
	v6 =	vmax.f32 v6, $0.0e+00;
	v5 =	vmul.f32 v5, v14  }
0x24c: {  	s3 =	smin.u32 s3, $0x99;
	s5 =	sshrl.u32 s5, $0x2;
	v14 =	vpop (erf);
	v15 =	vmul.f32 $1.442695020e+00, v1;
	v6 =	vmul.f32 v6, v7;
	v7 =	vadd.f32 v12, v50  }
0x24d: {  	s21 =	sadd.s32 s5, s3;
	(erf) = vpow2.f32 v10;
	v12 =	vadd.f32 $1.000000000e+00, v11;
	v16 =	vadd.f32 $1.000000000e+00, v14  }
0x24e: {  	p3 =	por $0x1, $0x1;
	v11 =	vld [tilespmem:s21+$0x1100];
	(erf) = vpow2.f32 v15;
	v15 =	vadd.f32 $1.000000000e+00, v13;
	v13 =	vsub.f32 v7, v6  }
0x24f: {  	p4 =	por $0x0, $0x0;
	v27 =	vsub.f32 v8, v56;
	v10 =	vpsel !p3, $0x4133C84B, v45;
	v7 =	vmul.f32 v16, v12  }
0x250: {  	v28 =	vsub.f32 v61, v60;
	v10 =	vpsel p4, $0x404C5604, v10;
	v17 =	vmul.f32 v13, v15  }
0x251: {  	p5 =	por $0x0, $0x0;
	v14 =	vpsel !p3, $0x41201D15, v46;
	v2 =	vadd.f32 v5, v2;
	v5 =	vld [tilespmem:s31+$0x13A4];
	(erf) = vrcp.f32 v7  }
0x252: {  	s8 =	sadd.s32 $0x2790, s17;
	v19 =	vld [tilespmem:s21+$0x11A9];
	v14 =	vpsel p4, $0x40804D55, v14;
	v7 =	vpsel p5, $0x40A1C9B0, v10;
	(erf) = vrcp.f32 v17  }
0x253: {  	p6 =	por $0x0, $0x0;
	v22 =	vld [tilespmem:s8+$0x0];
	v10 =	vmov s19;
	v11 =	vsub.f32 $0.0e+00, v11;
	v17 =	vpsel p5, $0x4101952D, v14  }
0x254: {  	v20 =	vpsel p6, $0x411789B5, v7;
	v21 =	vbroadcast v10, $0x0;
	v7 =	vmul.f32 v4, v4  }
0x255: {  	v10 =	vsub.f32 v3, v48;
	v4 =	vsub.f32 v4, v55;
	v14 =	vmul.f32 v3, v3  }
0x256: {  	s13 =	smul.u32 $0xFFFFFD40, s4;
	v23 =	vsub.f32 $0.0e+00, v5;
	v3 =	vpsel p6, $0x409AE59F, v17;
	v5 =	vmul.f32 $1.442695020e+00, v11  }
0x257: {  	v24 =	vpop (erf);
	v18 =	vmul.f32 v10, v10;
	v17 =	vmul.f32 v4, v4;
	v4 =	vsub.f32 $0.0e+00, v19  }
0x258: {  	s13 =	sshra.s32 s13, $0x2;
	vm15 =	veq.s32 v22, v57;
	v19 =	vmul.f32 $1.442695020e+00, v23;
	v10 =	vmul.f32 v24, v20;
	v11 =	vpop (erf)  }
0x259: {  	s3 =	sadd.s32 $0x25A0, s13;
	vm14 =	veq.s32 v49, v21;
	v21 =	vmul.f32 $1.442695020e+00, v4;
	v11 =	vmul.f32 v11, v3  }
0x25a: {  	s4 =	simm.s32 $0x25A0;
	s14 =	sadd.s32 $0x26A0, s13;
	s31 =	simm.s32 $0x2880;
	v23 =	vld [tilespmem:s3+$0x0];
	(erf) = vpow2.f32 v19;
	v22 =	vmul.f32 $5.000000000e-01, v10;
	v19 =	vadd.f32 v10, v51;
	v26 =	vpop (erf)  }
0x25b: {  	s19 =	simm.s32 $0x2790;
	s3 =	simm.s32 $0x26A0;
	v24 =	vld [tilespmem:s14+$0x0];
	s14 =	simm.s32 $0x40;
	v3 =	vmov v1;
	v20 =	vadd.f32 v11, v52;
	v16 =	vmul.f32 v26, v16;
	v25 =	vpop (erf)  }
.LBB2_4:
0x25c: {  	v4 =	vmov v1  }
0x25d: {  	p0 =	slt.u32 s14, $0x360;
	v1 =	vmul.f32 v26, v12;
	v12 =	vmul.f32 v25, v15;
	v15 =	vadd.f32 $-5.000000000e-01, v8  }
0x25e: {  	v26 =	vadd.f32 $-5.000000000e-01, v61;
	v27 =	vmul.f32 v27, v27;
	v28 =	vmul.f32 v28, v28;
	v8 =	vmovc v16  }
0x25f: {  	v13 =	vmul.f32 v25, v13;
	v16 =	vadd.f32 v8, v23;
	v6 =	vmul.f32 v12, v6;
	v61 =	vmovc v1  }
0x260: {  	v12 =	vmul.f32 v15, v15;
	v15 =	vmul.f32 v26, v26;
	v1 =	vadd.f32 v61, v24  }
0x261: {  	s31 =	sadd.s32 $0x10, s31;
	v23 =	vadd.f32 v28, v27;
	(erf) = vpow2.f32 v5;
	v5 =	vsub.f32 v13, v6  }
0x262: {  	v25 =	vmul.f32 $5.000000000e-01, v11;
	s5 =	sadd.s32 s17, s31;
	s17 =	smov.u32 s13;
	v24 =	vsub.f32 v16, v22;
	v12 =	vadd.f32 v15, v12  }
0x263: {  	v15 =	vadd.f32 v16, v22;
	v18 =	vadd.f32 v23, v18;
	v16 =	vpop (erf);
	v22 =	vld [tilespmem:s5+$0x0];
	v5 =	vmul.f32 v5, v5  }
0x264: {  	v12 =	vadd.f32 v12, v14;
	(erf) = vpow2.f32 v21;
	v21 =	vsub.f32 v1, v25  }
0x265: {  	v14 =	vadd.f32 v18, v17;
	v1 =	vadd.f32 v1, v25;
	v5 =	vmul.f32 $5.000000000e+00, v5  }
0x266: {  	v15 =	vmax.f32 v15, v54;
	v18 =	vmin.f32 v24, v53;
	v7 =	vadd.f32 v12, v7;
	v17 =	vld [tilespmem:s21+$0x1252]  }
0x267: {  	vm1 =	vgt.f32 v6, $6.000000240e-01;
	v6 =	vmul.f32 v13, v13;
	v5 =	vadd.f32 v5, v14  }
0x268: {  	v12 =	vmin.f32 v21, v58;
	v13 =	vmax.f32 v1, v59;
	v21 =	vsel vm1, $0x0, v22  }
0x269: {  	v1 =	vld [tilespmem:s21+$0x12FB];
	v6 =	vmul.f32 v21, v6;
	v5 =	vsub.f32 v5, v7;
	v7 =	vmul.f32 v7, v22  }
0x26a: {  	v15 =	vsub.f32 v15, v18;
	v12 =	vsub.f32 v13, v12;
	vm1 =	vmand vm15, vm14;
	v14 =	vpop (erf)  }
0x26b: {  	s5 =	smulhi.u32 $0xBA2E8BA3, s14;
	v13 =	vmul.f32 $1.442695020e+00, v17;
	v5 =	vsub.f32 v5, v6;
	v2 =	vadd.f32 v7, v2  }
0x26c: {  	s6 =	smul.u32 $0xBA2F, s14;
	v12 =	vsub.f32 v20, v12;
	v7 =	vsub.f32 v19, v15;
	v15 =	vsel vm1, $0x3F800000, v47  }
0x26d: {  	v10 =	vmul.f32 v11, v10;
	s13 =	sshrl.u32 s5, $0x7;
	v18 =	vpop (erf);
	v2 =	vadd.f32 v6, v2;
	v5 =	vmul.f32 v5, v15  }
0x26e: {  	s6 =	sshrl.u32 s6, $0x17;
	s5 =	smul.u32 $0xB0, s13;
	v6 =	vmax.f32 v7, $0.0e+00;
	v7 =	vmax.f32 v12, $0.0e+00;
	v11 =	vmul.f32 $1.442695020e+00, v1  }
0x26f: {  	s7 =	smul.u32 $0xD34, s6;
	v6 =	vmul.f32 v7, v6;
	v7 =	vadd.f32 v10, v50;
	v2 =	vadd.f32 v5, v2  }
0x270: {  	s5 =	ssub.s32 s14, s5;
	v12 =	vadd.f32 $1.000000000e+00, v14;
	v25 =	vadd.f32 $1.000000000e+00, v18;
	(erf) = vpow2.f32 v13  }
0x271: {  	p1 =	slt.u32 s18, $0xB0;
	s7 =	sshrl.u32 s7, $0x2;
	s5 =	smin.u32 s5, $0x99;
	v15 =	vadd.f32 $1.000000000e+00, v16;
	v13 =	vsub.f32 v7, v6;
	(erf) = vpow2.f32 v11  }
0x272: {  	s8 =	sadd.s32 $0xFFFFFF50, s18;
	v5 =	vpsel !p1, $0x4133C84B, v45;
	v7 =	vmul.f32 v25, v12;
	v10 =	vld [tilespmem:s21+$0x13A4];
	s21 =	sadd.s32 s7, s5  }
0x273: {  	v14 =	vpsel !p1, $0x41201D15, v46;
	p1 =	slt.u32 s8, $0xB0;
	s5 =	sadd.s32 $0xFFFFFEA0, s18;
	v16 =	vmul.f32 v13, v15;
	v11 =	vld [tilespmem:s21+$0x1100]  }
0x274: {  	v5 =	vpsel p1, $0x404C5604, v5;
	v14 =	vpsel p1, $0x40804D55, v14;
	p2 =	slt.u32 s5, $0xB0;
	s5 =	sadd.s32 $0xFFFFFDF0, s18;
	s18 =	smov.u32 s14;
	(erf) = vrcp.f32 v7  }
0x275: {  	s19 =	sadd.s32 $0x10, s19;
	v5 =	vpsel p2, $0x40A1C9B0, v5;
	p1 =	slt.u32 s5, $0xB0;
	v7 =	vmov s15;
	s15 =	smov.u32 s16;
	v19 =	vld [tilespmem:s21+$0x11A9];
	(erf) = vrcp.f32 v16  }
0x276: {  	s5 =	sadd.s32 s17, s19;
	s16 =	smov.u32 s6;
	v16 =	vpsel p2, $0x4101952D, v14;
	v20 =	vpsel p1, $0x411789B5, v5;
	v21 =	vbroadcast v7, $0x0  }
0x277: {  	v7 =	vmul.f32 v4, v3;
	v4 =	vsub.f32 v0, v48;
	v5 =	vsub.f32 v3, v55;
	v3 =	vmovc v1;
	v22 =	vld [tilespmem:s5+$0x0]  }
0x278: {  	v14 =	vmul.f32 v0, v0;
	v0 =	vmovc v17;
	s5 =	smul.u32 $0xFFFFFD40, s20;
	v10 =	vsub.f32 $0.0e+00, v10;
	s20 =	smov.u32 s13;
	v24 =	vsub.f32 $0.0e+00, v11  }
0x279: {  	v16 =	vpsel p1, $0x409AE59F, v16;
	v18 =	vmul.f32 v4, v4;
	v17 =	vmul.f32 v5, v5;
	v23 =	vpop (erf)  }
.Ltmp1:
0x27a: {  	s4 =	sadd.s32 $0x10, s4;
	s13 =	sshra.s32 s5, $0x2;
	v5 =	vmul.f32 $1.442695020e+00, v24;
	v4 =	vsub.f32 $0.0e+00, v19;
	v19 =	vmul.f32 $1.442695020e+00, v10;
	v11 =	vpop (erf);
	(pc) =	sbr.rel @p0 .LBB2_4-.Ltmp1, $4  }
0x27b: {  	s3 =	sadd.s32 $0x10, s3;
	vm14 =	veq.s32 v49, v21;
	s5 =	sadd.s32 s13, s4;
	v10 =	vmul.f32 v23, v20;
	v11 =	vmul.f32 v11, v16  }
0x27c: {  	s6 =	sadd.s32 s13, s3;
	v21 =	vmul.f32 $1.442695020e+00, v4;
	v23 =	vld [tilespmem:s5+$0x0];
	(erf) = vpow2.f32 v19;
	vm15 =	veq.s32 v22, v57  }
0x27d: {  	v22 =	vmul.f32 $5.000000000e-01, v10;
	v19 =	vadd.f32 v10, v51;
	v24 =	vld [tilespmem:s6+$0x0];
	v20 =	vadd.f32 v11, v52;
	v26 =	vpop (erf)  }
0x27e: {  	v27 =	vsub.f32 v8, v56;
	v28 =	vsub.f32 v61, v60;
	s14 =	sadd.s32 $0x10, s14;
	v16 =	vmul.f32 v26, v25;
	v25 =	vpop (erf)  }
0x27f: {  	(erf) = vpow2.f32 v5  }
0x280: {  	(erf) = vpow2.f32 v21;
	_ =	sdelay $0x3  }
0x281: {  	v5 =	vld [tilespmem:s21+$0x1252];
	v12 =	vmul.f32 v26, v12  }
0x282: {  	v15 =	vmul.f32 v25, v15;
	v4 =	vld [tilespmem:s21+$0x12FB];
	v13 =	vmul.f32 v25, v13  }
0x283: {  	v35 =	vmul.f32 $5.000000000e-01, v11;
	v8 =	vadd.f32 $-5.000000000e-01, v8;
	v30 =	vadd.f32 $-5.000000000e-01, v61  }
0x284: {  	v44 =	vmul.f32 v27, v27;
	v62 =	vmul.f32 v28, v28;
	v23 =	vadd.f32 v16, v23;
	v25 =	vpop (erf)  }
0x285: {  	v8 =	vmul.f32 v8, v8;
	v43 =	vmul.f32 v30, v30;
	v24 =	vadd.f32 v12, v24;
	v34 =	vpop (erf)  }
0x286: {  	v63 =	vadd.f32 v62, v44;
	v33 =	vsub.f32 v23, v22;
	v37 =	vmul.f32 $1.442695020e+00, v5;
	v28 =	vpop (erf)  }
0x287: {  	v29 =	vmul.f32 $1.442695020e+00, v4;
	v26 =	vadd.f32 $1.000000000e+00, v34;
	v28 =	vadd.f32 $1.000000000e+00, v28  }
0x288: {  	v36 =	vadd.f32 v23, v22;
	v38 =	vsub.f32 v24, v35;
	(erf) = vpow2.f32 v37  }
0x289: {  	v24 =	vadd.f32 v24, v35;
	(erf) = vpow2.f32 v29;
	v29 =	vmul.f32 v28, v26  }
0x28a: {  	v8 =	vadd.f32 v43, v8;
	v21 =	vmin.f32 v33, v53;
	v22 =	vmax.f32 v36, v54  }
0x28b: {  	v23 =	vmin.f32 v38, v58;
	v24 =	vmax.f32 v24, v59;
	(erf) = vrcp.f32 v29  }
0x28c: {  	v10 =	vmul.f32 v11, v10;
	v21 =	vsub.f32 v22, v21;
	v44 =	vsub.f32 v24, v23  }
0x28d: {  	s5 =	sadd.s32 $0xFFFFFF50, s18;
	s6 =	smul.u32 $0xFFFFFD40, s20;
	p1 =	slt.u32 s18, $0xB0;
	v6 =	vmul.f32 v15, v6;
	v15 =	vadd.f32 v63, v18;
	v63 =	vld [tilespmem:s21+$0x13A4];
	v8 =	vadd.f32 v8, v14  }
0x28e: {  	p0 =	slt.u32 s5, $0xB0;
	v33 =	vpsel !p1, $0x41201D15, v46;
	v19 =	vsub.f32 v19, v21;
	v20 =	vsub.f32 v20, v44  }
0x28f: {  	s14 =	sshra.s32 s6, $0x2;
	s6 =	sadd.s32 $0xFFFFFEA0, s18;
	v10 =	vadd.f32 v10, v50;
	v14 =	vadd.f32 v15, v17;
	v18 =	vpsel p0, $0x40804D55, v33  }
0x290: {  	s4 =	sadd.s32 $0x10, s4;
	p5 =	slt.u32 s6, $0xB0;
	v7 =	vadd.f32 v8, v7;
	v11 =	vmax.f32 v19, $0.0e+00;
	v62 =	vmax.f32 v20, $0.0e+00  }
0x291: {  	s3 =	sadd.s32 $0x10, s3;
	s7 =	sadd.s32 $0xFFFFFDF0, s18;
	s4 =	sadd.s32 s14, s4;
	v18 =	vpsel p5, $0x4101952D, v18;
	v8 =	vmul.f32 v62, v11;
	v11 =	vpsel !p1, $0x4133C84B, v45  }
0x292: {  	p6 =	slt.u32 s7, $0xB0;
	s3 =	sadd.s32 s14, s3;
	v35 =	vld [tilespmem:s4+$0x0];
	v17 =	vsub.f32 $0.0e+00, v63;
	v11 =	vpsel p0, $0x404C5604, v11;
	v29 =	vsub.f32 v13, v6;
	v34 =	vpop (erf)  }
0x293: {  	v37 =	vld [tilespmem:s3+$0x0];
	v21 =	vadd.f32 $1.000000000e+00, v25;
	v18 =	vpsel p6, $0x409AE59F, v18;
	v11 =	vpsel p5, $0x40A1C9B0, v11;
	v36 =	vpop (erf)  }
0x294: {  	v17 =	vmul.f32 $1.442695020e+00, v17;
	v11 =	vpsel p6, $0x411789B5, v11;
	v61 =	vmul.f32 v29, v29;
	v38 =	vpop (erf)  }
0x295: {  	v10 =	vsub.f32 v10, v8;
	v11 =	vmul.f32 v34, v11;
	v19 =	vmul.f32 v38, v28  }
0x296: {  	v18 =	vmul.f32 v36, v18;
	v22 =	vmul.f32 v38, v26  }
0x297: {  	v43 =	vmul.f32 v10, v21;
	v44 =	vmul.f32 $5.000000000e-01, v11;
	v20 =	vadd.f32 v19, v35  }
0x298: {  	v15 =	vmul.f32 $5.000000000e+00, v61;
	v61 =	vmul.f32 $5.000000000e-01, v18;
	v23 =	vadd.f32 v22, v37  }
0x299: {  	(erf) = vrcp.f32 v43;
	v62 =	vsub.f32 v20, v44;
	v20 =	vadd.f32 v20, v44  }
0x29a: {  	(erf) = vpow2.f32 v17;
	v33 =	vsub.f32 v23, v61;
	v23 =	vadd.f32 v23, v61  }
0x29b: {  	v34 =	vadd.f32 v11, v51;
	v35 =	vadd.f32 v18, v52;
	v24 =	vmin.f32 v62, v53  }
0x29c: {  	s19 =	sadd.s32 $0x10, s19;
	v20 =	vmax.f32 v20, v54;
	v17 =	vmin.f32 v33, v58;
	v23 =	vmax.f32 v23, v59  }
0x29d: {  	s8 =	sadd.s32 $0x10, s31;
	s20 =	sadd.s32 s13, s19;
	v20 =	vsub.f32 v20, v24;
	v17 =	vsub.f32 v23, v17  }
0x29e: {  	s18 =	sadd.s32 s17, s8;
	v27 =	vld [tilespmem:s20+$0x0]  }
0x29f: {  	v63 =	vld [tilespmem:s18+$0x0];
	v43 =	vsub.f32 v34, v20;
	v17 =	vsub.f32 v35, v17  }
0x2a0: {  	v11 =	vmul.f32 v18, v11  }
0x2a1: {  	v1 =	vmul.f32 v1, v3;
	v44 =	vmax.f32 v43, $0.0e+00;
	v51 =	vmax.f32 v17, $0.0e+00  }
0x2a2: {  	v11 =	vadd.f32 v11, v50;
	v37 =	vadd.f32 v15, v14;
	v52 =	vpop (erf);
	v14 =	vmul.f32 v51, v44  }
0x2a3: {  	vm1 =	vgt.f32 v6, $6.000000240e-01;
	vm3 =	veq.s32 v27, v57;
	v36 =	vmul.f32 v13, v13;
	v53 =	vpop (erf)  }
0x2a4: {  	v38 =	vsel vm1, $0x0, v63;
	v15 =	vadd.f32 $1.000000000e+00, v53;
	v11 =	vsub.f32 v11, v14  }
0x2a5: {  	vm1 =	vmand vm15, vm14;
	v6 =	vmul.f32 v38, v36;
	v18 =	vmul.f32 v5, v5  }
0x2a6: {  	v13 =	vsub.f32 v37, v7;
	v7 =	vmul.f32 v7, v63;
	v61 =	vmul.f32 v11, v15  }
0x2a7: {  	v21 =	vmul.f32 v52, v21;
	v63 =	vsub.f32 v0, v48;
	v10 =	vmul.f32 v52, v10  }
0x2a8: {  	v52 =	vsub.f32 v19, v56;
	v13 =	vsub.f32 v13, v6;
	(erf) = vrcp.f32 v61  }
0x2a9: {  	v37 =	vmov s15;
	v2 =	vadd.f32 v7, v2;
	v54 =	vsub.f32 v16, v56  }
0x2aa: {  	v58 =	vsel vm1, $0x3F800000, v47;
	v59 =	vsub.f32 v12, v60;
	v62 =	vadd.f32 $-5.000000000e-01, v16  }
0x2ab: {  	v12 =	vadd.f32 $-5.000000000e-01, v12;
	v8 =	vmul.f32 v21, v8;
	v25 =	vmul.f32 v63, v63  }
0x2ac: {  	v33 =	vmul.f32 v0, v0;
	v24 =	vsub.f32 v3, v55;
	v3 =	vbroadcast v37, $0x0  }
0x2ad: {  	s3 =	sadd.s32 $0x10, s8;
	v56 =	vadd.f32 $-5.000000000e-01, v22;
	v7 =	vmul.f32 v54, v54;
	v20 =	vmul.f32 v59, v59  }
0x2ae: {  	s21 =	sadd.s32 s13, s3;
	v16 =	vmul.f32 v62, v62;
	v12 =	vmul.f32 v12, v12;
	v26 =	vsub.f32 v10, v8  }
0x2af: {  	s4 =	sadd.s32 $0x10, s19;
	v2 =	vadd.f32 v6, v2;
	v13 =	vmul.f32 v13, v58;
	v35 =	vld [tilespmem:s21+$0x0];
	v7 =	vadd.f32 v20, v7  }
0x2b0: {  	s4 =	sadd.s32 s14, s4;
	s3 =	sadd.s32 $0x10, s3;
	vm1 =	vgt.f32 v8, $6.000000240e-01;
	v8 =	vmul.f32 v10, v10;
	v12 =	vadd.f32 v12, v16  }
0x2b1: {  	s3 =	sadd.s32 s14, s3;
	v34 =	vmul.f32 v24, v24;
	v36 =	vmul.f32 v26, v26;
	v43 =	vld [tilespmem:s4+$0x0];
	v7 =	vadd.f32 v7, v25;
	v10 =	vpop (erf)  }
0x2b2: {  	v54 =	vadd.f32 $-5.000000000e-01, v19;
	vm2 =	veq.s32 v49, v3;
	v0 =	vadd.f32 v12, v33;
	v44 =	vld [tilespmem:s3+$0x0];
	_ =	swait.ge [sflag:s26], $0x80  }
0x2b3: {  	v59 =	vsub.f32 v4, v55;
	v38 =	vmul.f32 $5.000000000e+00, v36;
	v7 =	vadd.f32 v7, v34;
	[sflag:s26] =	ssyncset.done $0x0  }
0x2b4: {  	v4 =	vmul.f32 v4, v4;
	v0 =	vadd.f32 v0, v1;
	v50 =	vsel vm1, $0x0, v35;
	[sflag:s26] =	ssyncadd.s32 $0xFFFFFF80  }
0x2b5: {  	v3 =	vmul.f32 v50, v8;
	v8 =	vsub.f32 v22, v60;
	v7 =	vadd.f32 v38, v7;
	_ =	swait.ge [sflag:s28], $0x80  }
0x2b6: {  	v58 =	vsub.f32 v5, v48;
	v60 =	vmul.f32 v54, v54;
	v53 =	vmul.f32 v10, v15;
	[sflag:s28] =	ssyncset.done $0x0  }
0x2b7: {  	v8 =	vmul.f32 v8, v8;
	v51 =	vsub.f32 v7, v0;
	v7 =	vmul.f32 v52, v52;
	[sflag:s28] =	ssyncadd.s32 $0xFFFFFF80  }
0x2b8: {  	v24 =	vmov s16;
	v10 =	vmul.f32 v10, v11;
	v11 =	vmul.f32 v53, v14;
	_ =	swait.ge [sflag:s29], $0x80  }
0x2b9: {  	v2 =	vadd.f32 v13, v2;
	v61 =	vmul.f32 v56, v56;
	v0 =	vmul.f32 v0, v35;
	[sflag:s29] =	ssyncset.done $0x0  }
0x2ba: {  	v62 =	vmul.f32 v58, v58;
	v7 =	vadd.f32 v8, v7;
	v63 =	vsub.f32 v10, v11;
	[sflag:s29] =	ssyncadd.s32 $0xFFFFFF80  }
0x2bb: {  	vm1 =	vmand vm3, vm2;
	v19 =	vadd.f32 v61, v60;
	v0 =	vadd.f32 v0, v2;
	_ =	swait.ge [sflag:s30], $0x80  }
0x2bc: {  	v8 =	vmul.f32 v59, v59;
	v7 =	vadd.f32 v7, v62;
	v20 =	vmul.f32 v63, v63;
	[sflag:s30] =	ssyncset.done $0x0  }
0x2bd: {  	v21 =	vsel vm1, $0x3F800000, v47;
	v6 =	vsub.f32 v51, v3;
	v2 =	vadd.f32 v19, v18;
	[sflag:s30] =	ssyncadd.s32 $0xFFFFFF80  }
0x2be: {  	v0 =	vadd.f32 v3, v0;
	v22 =	vadd.f32 v7, v8;
	v23 =	vmul.f32 $5.000000000e+00, v20;
	v25 =	vld [tilespmem:$0x2400]  }
0x2bf: {  	v6 =	vmul.f32 v6, v21;
	v8 =	vmul.f32 v10, v10;
	vm1 =	vgt.f32 v11, $6.000000240e-01;
	v26 =	vld [tilespmem:$0x2300]  }
0x2c0: {  	v2 =	vadd.f32 v2, v4;
	v33 =	vsel vm1, $0x0, v44;
	v3 =	vadd.f32 v23, v22;
	v10 =	vld [tilespmem:$0x2410]  }
0x2c1: {  	v27 =	vbroadcast v24, $0x0;
	v7 =	vmul.f32 v33, v8;
	v8 =	vld [tilespmem:$0x2310]  }
0x2c2: {  	v0 =	vadd.f32 v6, v0;
	v3 =	vsub.f32 v3, v2;
	v2 =	vmul.f32 v2, v44;
	v34 =	vld [tilespmem:$0x2420]  }
0x2c3: {  	vm2 =	veq.s32 v43, v57;
	vm1 =	veq.s32 v49, v27;
	v35 =	vld [tilespmem:$0x2320]  }
0x2c4: {  	vm1 =	vmand vm2, vm1;
	v11 =	vld [tilespmem:$0x242F];
	v3 =	vsub.f32 v3, v7;
	v0 =	vadd.f32 v2, v0  }
0x2c5: {  	v36 =	vsel vm1, $0x3F800000, v47;
	v37 =	vld [tilespmem:$0x232F]  }
0x2c6: {  	v43 =	vld [tilespmem:$0x2480];
	v0 =	vadd.f32 v7, v0;
	v3 =	vmul.f32 v3, v36;
	v4 =	vsub.f32 v25, v26  }
0x2c7: {  	v48 =	vld [tilespmem:$0x2380]  }
0x2c8: {  	v49 =	vld [tilespmem:$0x2490];
	v44 =	vsub.f32 v10, v8;
	v0 =	vadd.f32 v3, v0;
	v38 =	vmul.f32 v4, v4  }
0x2c9: {  	v51 =	vld [tilespmem:$0x2390];
	v1 =	vsub.f32 v34, v35  }
0x2ca: {  	v52 =	vld [tilespmem:$0x23A0];
	v50 =	vsub.f32 v11, v37;
	v6 =	vmul.f32 v44, v44;
	v0 =	vadd.f32 v38, v0  }
0x2cb: {  	v55 =	vld [tilespmem:$0x23AF];
	v8 =	vsel vm0, $0x0, v9  }
0x2cc: {  	v10 =	vld [tilespmem:$0x24A0];
	v1 =	vmul.f32 v1, v1;
	v2 =	vmul.f32 v8, v50;
	v0 =	vadd.f32 v6, v0  }
0x2cd: {  	v11 =	vld [tilespmem:$0x24AF]  }
0x2ce: {  	v54 =	vsub.f32 v43, v48;
	v53 =	vmul.f32 v2, v2;
	v0 =	vadd.f32 v1, v0;
	_ =	sdelay $0x1  }
0x2cf: {  	v57 =	vsub.f32 v49, v51;
	v56 =	vmul.f32 v54, v54;
	v0 =	vadd.f32 v53, v0  }
0x2d0: {  	v59 =	vsub.f32 v10, v52  }
0x2d1: {  	v58 =	vmul.f32 v57, v57;
	v60 =	vsub.f32 v11, v55;
	v0 =	vadd.f32 v56, v0;
	_ =	sdelay $0x1  }
0x2d2: {  	v61 =	vmul.f32 v59, v59;
	v62 =	vmul.f32 v8, v60;
	v0 =	vadd.f32 v58, v0;
	_ =	sdelay $0x1  }
0x2d3: {  	v63 =	vmul.f32 v62, v62;
	v0 =	vadd.f32 v61, v0;
	_ =	sdelay $0x1  }
0x2d4: {  	v0 =	vadd.f32 v63, v0;
	_ =	sdelay $0x1  }
0x2d5: {  	s0 =	sadd.s32 $0x1, s0;
	v0 =	vmul.f32 $5.000000000e-01, v0  }
0x2d6: {  	p0 =	sne.s32 s0, s12  }
.Ltmp2:
0x2d7: {  	s31 =	simm.s32 $0x2500;
	[tilespmem:$0x2500] =	vst v0;
	(pc) =	sbr.rel @p0 .LBB2_1-.Ltmp2, $4  }
0x2d8: {  	[hbm4b:s11+s2] =	stream.linear.scatter [tilespmem:s31], [sflag:$0x9], $0x80, $0x38;
	[tilespmem:$0x2980] =	vst v63  }
0x2d9: {  	_ =	swait.ge [sflag:s1], $0x80  }
0x2da: {  	[sflag:s1] =	ssyncset.done $0x0  }
0x2db: {  	[sflag:s1] =	ssyncadd.s32 $0xFFFFFF80  }
0x2dc: {  	_ =	sfence.sel $0x180000  }
0x2dd: {  	[bflag:$0x0] =	sbarrier.arrive $0xFFFF  }
0x2de: {  	_ =	strace $0x90000047  }
0x2df: {  	s0 =	stileid.u32;
	[bflag:$0x2] =	sbarrier.arrive $0xFFFF  }
0x2e0: {  	p0 =	sne.s32 s0, $0x0;
	s0 =	rddreg [dreg:$0x3]  }
0x2e1: {  	s0 =	sadd.s32 @!p0 $0x100000, s0  }
0x2e2: {  	[sflag:s0] =	ssyncadd.tile.s32 @!p0 $0x1;
	_ =	shalt  }
.Lfunc_end2:
_tile_overlayer_lowered:
.L_overlay_start_2:
0x2e3: {  	(tag) =	ssettag $0x2  }
0x2e4: {  	s0 =	rddreg [dreg:$0x0];
	s2 =	stileid.u32  }
0x2e5: {  	s1 =	rddreg [dreg:$0x1];
	p0 =	sne.s32 s2, $0x0  }
0x2e6: {  	s3 =	rddreg [dreg:$0x2];
	[bflag:$0x3] =	sbarrier.arrive $0xFFFF;
	s2 =	simm.s32 @!p0 $0x1C09  }
0x2e7: {  	[timem:s3], [sflag:s2] =	dma.local @!p0 [hbm:s0], s1  }
0x2e8: {  	s0 =	simm.s32 @!p0 $0x9  }
0x2e9: {  	_ =	swait.ge @!p0 [sflag:s0], s1  }
0x2ea: {  	s1 =	ssub.s32 @!p0 $0x0, s1;
	[sflag:s0] =	ssyncset.done @!p0 $0x0  }
0x2eb: {  	[sflag:s0] =	ssyncadd.s32 @!p0 s1  }
0x2ec: {  	[bflag:$0x3] =	sbarrier.arrive $0xFFFF  }
0x2ed: {  	_ =	shalt  }

</sc_bundles>
